<compile_context>
chip_gen: v7x
topology: tpu7x:2x2x1
jax: 0.10.2.dev20260603
libtpu: 0.0.44.dev20260713+nightly
codegen_flags: <defaults>
</compile_context>

<pallas_src>
import functools

import jax
import jax.numpy as jnp
from jax import lax
from jax.experimental import pallas as pl
from jax.experimental.pallas import tpu as pltpu
from jax.experimental.pallas import tpu_sc as plsc

B = 16384
D = 64
NROWS = 1_000_000
WPR = D // 2
NC = 2
NS = 16
L = 16
NW = NC * NS
BPW = B // NW
CHUNK = 128
NCHUNK = BPW // CHUNK
GROUPS = BPW // L


def _mf_kernel(user_hbm, item_hbm, upk_hbm, ipk_hbm, out_hbm,
               uidx_v, iidx_v, urows_v, irows_v, out_v, sem):
    wid = lax.axis_index("s") * NC + lax.axis_index("c")
    base = wid * BPW

    for j in range(NCHUNK):
        pltpu.sync_copy(user_hbm.at[pl.ds(base + j * CHUNK, CHUNK)],
                        uidx_v.at[j])
        pltpu.sync_copy(item_hbm.at[pl.ds(base + j * CHUNK, CHUNK)],
                        iidx_v.at[j])

    copies = []
    for j in range(NCHUNK):
        copies.append(pltpu.async_copy(
            upk_hbm.at[uidx_v.at[j]],
            urows_v.at[pl.ds(j * CHUNK, CHUNK)], sem))
        copies.append(pltpu.async_copy(
            ipk_hbm.at[iidx_v.at[j]],
            irows_v.at[pl.ds(j * CHUNK, CHUNK)], sem))
    for c in copies:
        c.wait()

    iota = lax.iota(jnp.int32, L)

    def group(g, carry):
        ridx = g * L + iota
        acc_e = jnp.zeros((L,), jnp.float32)
        acc_o = jnp.zeros((L,), jnp.float32)
        for w in range(WPR):
            cidx = jnp.bitwise_and(iota + w, WPR - 1)
            u = plsc.load_gather(urows_v, [ridx, cidx])
            it = plsc.load_gather(irows_v, [ridx, cidx])
            ue = plsc.bitcast(u << 16, jnp.float32)
            uo = plsc.bitcast(jnp.bitwise_and(u, -65536), jnp.float32)
            ie = plsc.bitcast(it << 16, jnp.float32)
            io = plsc.bitcast(jnp.bitwise_and(it, -65536), jnp.float32)
            acc_e = acc_e + ue * ie
            acc_o = acc_o + uo * io
        out_v[pl.ds(g * L, L)] = acc_e + acc_o
        return carry

    lax.fori_loop(0, GROUPS, group, 0)

    pltpu.sync_copy(out_v, out_hbm.at[pl.ds(base, BPW)])


@jax.jit
def kernel(user, item, user_emb, item_emb):
    def repack(t):
        tb = t.astype(jnp.bfloat16).reshape(NROWS, WPR, 2)
        return jax.lax.bitcast_convert_type(tb, jnp.int32)

    f = pl.kernel(
        _mf_kernel,
        out_type=jax.ShapeDtypeStruct((B,), jnp.float32),
        mesh=plsc.VectorSubcoreMesh(core_axis_name="c", subcore_axis_name="s"),
        compiler_params=pltpu.CompilerParams(
            use_tc_tiling_on_sc=False, needs_layout_passes=False),
        scratch_types=[
            pltpu.VMEM((NCHUNK, CHUNK), jnp.int32),
            pltpu.VMEM((NCHUNK, CHUNK), jnp.int32),
            pltpu.VMEM((BPW, WPR), jnp.int32),
            pltpu.VMEM((BPW, WPR), jnp.int32),
            pltpu.VMEM((BPW,), jnp.float32),
            pltpu.SemaphoreType.DMA,
        ],
    )
    return f(user.astype(jnp.int32), item.astype(jnp.int32),
             repack(user_emb), repack(item_emb))

# --- scband reference (transcript-rebuilt; emitter-appended) ---
"""Pipeline reference for scband-matrix-factorization-12257836663419 (READ-ONLY COPY).

The authoritative reference and input builder live on the scoring server;
editing this copy changes nothing except your own understanding.
"""

import jax, jax.numpy as jnp
import numpy as np

NUM_USERS = 1000000
NUM_ITEMS = 1000000
EMBED_DIM = 64
BATCH = 16384

def setup_inputs(seed: int = 0) -> dict:
    key = jax.random.key(seed)
    k1, k2, k3, k4 = jax.random.split(key, 4)
    user = jax.random.randint(k1, (BATCH,), 0, NUM_USERS, dtype=jnp.int64 if jax.config.jax_enable_x64 else jnp.int32)
    item = jax.random.randint(k2, (BATCH,), 0, NUM_ITEMS, dtype=jnp.int64 if jax.config.jax_enable_x64 else jnp.int32)
    user_emb = jax.random.normal(k3, (NUM_USERS, EMBED_DIM), dtype=jnp.float32) * 0.01
    item_emb = jax.random.normal(k4, (NUM_ITEMS, EMBED_DIM), dtype=jnp.float32) * 0.01
    return {"user": user, "item": item, "user_emb": user_emb, "item_emb": item_emb}

def reference(user, item, user_emb, item_emb):
    # nn.Embedding lookup -> row gather
    user_vec = jnp.take(user_emb, user, axis=0)   # [B, D]
    item_vec = jnp.take(item_emb, item, axis=0)   # [B, D]
    return (user_vec * item_vec).sum(axis=1)      # [B]

if __name__ == "__main__":
    import jax
    _d = setup_inputs()
    print(jax.jit(kernel)(*tuple(_d.values())))

</pallas_src>

<mosaic_0001>
#map = affine_map<(d0, d1) -> (0)>
#map1 = affine_map<(d0, d1) -> (0, 0)>
module attributes {stable_mosaic.version = 14 : i64} {
  func.func @_mf_kernel(%arg0: i32, %arg1: i32, %arg2: memref<16384xi32, #tpu.memory_space<hbm>>, %arg3: memref<16384xi32, #tpu.memory_space<hbm>>, %arg4: memref<1000000x32xi32, #tpu.memory_space<hbm>>, %arg5: memref<1000000x32xi32, #tpu.memory_space<hbm>>, %arg6: memref<16384xf32, #tpu.memory_space<hbm>>, %arg7: memref<4x128xi32, #tpu.memory_space<vmem>>, %arg8: memref<4x128xi32, #tpu.memory_space<vmem>>, %arg9: memref<512x32xi32, #tpu.memory_space<vmem>>, %arg10: memref<512x32xi32, #tpu.memory_space<vmem>>, %arg11: memref<512xf32, #tpu.memory_space<vmem>>, %arg12: memref<!tpu.dma_semaphore, #tpu.memory_space<semaphore_mem>>) attributes {dimension_semantics = [#tpu.dimension_semantics<core_parallel>, #tpu.dimension_semantics<subcore_parallel>], iteration_bounds = array<i64: 2, 16>, scalar_prefetch = 0 : i64, scratch_operands = 6 : i64, tpu.core_type = #tpu.core_type<sc_vector_subcore>, window_params = [{transform_indices = #map}, {transform_indices = #map}, {transform_indices = #map1}, {transform_indices = #map1}, {transform_indices = #map}]} {
    %mul3A = arith.constant 2 : i32
    %mul3A_0 = arith.muli %arg1, %mul3A : i32
    %add3A = arith.addi %mul3A_0, %arg0 : i32
    %mul3A_1 = arith.constant 512 : i32
    %mul3A_2 = arith.muli %add3A, %mul3A_1 : i32
    %add3A_3 = arith.constant 0 : i32
    %add3A_4 = arith.addi %mul3A_2, %add3A_3 : i32
    %run_scoped3A = arith.constant 0 : i32
    "tpu.region"() ({
      %run_scoped3A_189 = tpu.sem_alloc : memref<!tpu.dma_semaphore, #tpu.memory_space<semaphore_mem>>
      %dma_start3A_190 = arith.constant 0 : i32
      %dma_start3A_191 = tpu.memref_slice %arg7[%run_scoped3A, %dma_start3A_190] : memref<4x128xi32, #tpu.memory_space<vmem>> -> memref<1x128xi32, #tpu.memory_space<vmem>>
      %dma_start3A_192 = tpu.memref_squeeze %dma_start3A_191 : memref<1x128xi32, #tpu.memory_space<vmem>> -> memref<128xi32, #tpu.memory_space<vmem>>
      %dma_start3A_193 = tpu.memref_slice %arg2[%add3A_4] : memref<16384xi32, #tpu.memory_space<hbm>> -> memref<128xi32, #tpu.memory_space<hbm>>
      %dma_start3A_194 = arith.constant 0 : i32
      %dma_start3A_195 = tpu.memref_slice %arg7[%run_scoped3A, %dma_start3A_194] : memref<4x128xi32, #tpu.memory_space<vmem>> -> memref<1x128xi32, #tpu.memory_space<vmem>>
      %dma_start3A_196 = tpu.memref_squeeze %dma_start3A_195 : memref<1x128xi32, #tpu.memory_space<vmem>> -> memref<128xi32, #tpu.memory_space<vmem>>
      %dma_start3A_197 = tpu.memref_slice %arg2[%add3A_4] : memref<16384xi32, #tpu.memory_space<hbm>> -> memref<128xi32, #tpu.memory_space<hbm>>
      tpu.enqueue_dma source(%dma_start3A_197 : memref<128xi32, #tpu.memory_space<hbm>>) target(%dma_start3A_196 : memref<128xi32, #tpu.memory_space<vmem>>) target_semaphore(%run_scoped3A_189 : memref<!tpu.dma_semaphore, #tpu.memory_space<semaphore_mem>>)
      %dma_wait3A_198 = arith.constant 0 : i32
      %dma_wait3A_199 = tpu.memref_slice %arg7[%run_scoped3A, %dma_wait3A_198] : memref<4x128xi32, #tpu.memory_space<vmem>> -> memref<1x128xi32, #tpu.memory_space<vmem>>
      %dma_wait3A_200 = tpu.memref_squeeze %dma_wait3A_199 : memref<1x128xi32, #tpu.memory_space<vmem>> -> memref<128xi32, #tpu.memory_space<vmem>>
      %dma_wait3A_201 = tpu.memref_slice %arg2[%add3A_4] : memref<16384xi32, #tpu.memory_space<hbm>> -> memref<128xi32, #tpu.memory_space<hbm>>
      %dma_wait3A_202 = arith.constant 0 : i32
      %dma_wait3A_203 = tpu.memref_slice %arg7[%run_scoped3A, %dma_wait3A_202] : memref<4x128xi32, #tpu.memory_space<vmem>> -> memref<1x128xi32, #tpu.memory_space<vmem>>
      %dma_wait3A_204 = tpu.memref_squeeze %dma_wait3A_203 : memref<1x128xi32, #tpu.memory_space<vmem>> -> memref<128xi32, #tpu.memory_space<vmem>>
      %dma_wait3A_205 = tpu.memref_slice %arg2[%add3A_4] : memref<16384xi32, #tpu.memory_space<hbm>> -> memref<128xi32, #tpu.memory_space<hbm>>
      tpu.wait_dma2 semaphore(%run_scoped3A_189 : memref<!tpu.dma_semaphore, #tpu.memory_space<semaphore_mem>>) src(%dma_wait3A_205 : memref<128xi32, #tpu.memory_space<hbm>>) dst(%dma_wait3A_204 : memref<128xi32, #tpu.memory_space<vmem>>)
      tpu.yield
    }) : () -> ()
    %add3A_5 = arith.constant 0 : i32
    %add3A_6 = arith.addi %mul3A_2, %add3A_5 : i32
    %run_scoped3A_7 = arith.constant 0 : i32
    "tpu.region"() ({
      %run_scoped3A_189 = tpu.sem_alloc : memref<!tpu.dma_semaphore, #tpu.memory_space<semaphore_mem>>
      %dma_start3A_190 = arith.constant 0 : i32
      %dma_start3A_191 = tpu.memref_slice %arg8[%run_scoped3A_7, %dma_start3A_190] : memref<4x128xi32, #tpu.memory_space<vmem>> -> memref<1x128xi32, #tpu.memory_space<vmem>>
      %dma_start3A_192 = tpu.memref_squeeze %dma_start3A_191 : memref<1x128xi32, #tpu.memory_space<vmem>> -> memref<128xi32, #tpu.memory_space<vmem>>
      %dma_start3A_193 = tpu.memref_slice %arg3[%add3A_6] : memref<16384xi32, #tpu.memory_space<hbm>> -> memref<128xi32, #tpu.memory_space<hbm>>
      %dma_start3A_194 = arith.constant 0 : i32
      %dma_start3A_195 = tpu.memref_slice %arg8[%run_scoped3A_7, %dma_start3A_194] : memref<4x128xi32, #tpu.memory_space<vmem>> -> memref<1x128xi32, #tpu.memory_space<vmem>>
      %dma_start3A_196 = tpu.memref_squeeze %dma_start3A_195 : memref<1x128xi32, #tpu.memory_space<vmem>> -> memref<128xi32, #tpu.memory_space<vmem>>
      %dma_start3A_197 = tpu.memref_slice %arg3[%add3A_6] : memref<16384xi32, #tpu.memory_space<hbm>> -> memref<128xi32, #tpu.memory_space<hbm>>
      tpu.enqueue_dma source(%dma_start3A_197 : memref<128xi32, #tpu.memory_space<hbm>>) target(%dma_start3A_196 : memref<128xi32, #tpu.memory_space<vmem>>) target_semaphore(%run_scoped3A_189 : memref<!tpu.dma_semaphore, #tpu.memory_space<semaphore_mem>>)
      %dma_wait3A_198 = arith.constant 0 : i32
      %dma_wait3A_199 = tpu.memref_slice %arg8[%run_scoped3A_7, %dma_wait3A_198] : memref<4x128xi32, #tpu.memory_space<vmem>> -> memref<1x128xi32, #tpu.memory_space<vmem>>
      %dma_wait3A_200 = tpu.memref_squeeze %dma_wait3A_199 : memref<1x128xi32, #tpu.memory_space<vmem>> -> memref<128xi32, #tpu.memory_space<vmem>>
      %dma_wait3A_201 = tpu.memref_slice %arg3[%add3A_6] : memref<16384xi32, #tpu.memory_space<hbm>> -> memref<128xi32, #tpu.memory_space<hbm>>
      %dma_wait3A_202 = arith.constant 0 : i32
      %dma_wait3A_203 = tpu.memref_slice %arg8[%run_scoped3A_7, %dma_wait3A_202] : memref<4x128xi32, #tpu.memory_space<vmem>> -> memref<1x128xi32, #tpu.memory_space<vmem>>
      %dma_wait3A_204 = tpu.memref_squeeze %dma_wait3A_203 : memref<1x128xi32, #tpu.memory_space<vmem>> -> memref<128xi32, #tpu.memory_space<vmem>>
      %dma_wait3A_205 = tpu.memref_slice %arg3[%add3A_6] : memref<16384xi32, #tpu.memory_space<hbm>> -> memref<128xi32, #tpu.memory_space<hbm>>
      tpu.wait_dma2 semaphore(%run_scoped3A_189 : memref<!tpu.dma_semaphore, #tpu.memory_space<semaphore_mem>>) src(%dma_wait3A_205 : memref<128xi32, #tpu.memory_space<hbm>>) dst(%dma_wait3A_204 : memref<128xi32, #tpu.memory_space<vmem>>)
      tpu.yield
    }) : () -> ()
    %add3A_8 = arith.constant 128 : i32
    %add3A_9 = arith.addi %mul3A_2, %add3A_8 : i32
    %run_scoped3A_10 = arith.constant 1 : i32
    "tpu.region"() ({
      %run_scoped3A_189 = tpu.sem_alloc : memref<!tpu.dma_semaphore, #tpu.memory_space<semaphore_mem>>
      %dma_start3A_190 = arith.constant 0 : i32
      %dma_start3A_191 = tpu.memref_slice %arg7[%run_scoped3A_10, %dma_start3A_190] : memref<4x128xi32, #tpu.memory_space<vmem>> -> memref<1x128xi32, #tpu.memory_space<vmem>>
      %dma_start3A_192 = tpu.memref_squeeze %dma_start3A_191 : memref<1x128xi32, #tpu.memory_space<vmem>> -> memref<128xi32, #tpu.memory_space<vmem>>
      %dma_start3A_193 = tpu.memref_slice %arg2[%add3A_9] : memref<16384xi32, #tpu.memory_space<hbm>> -> memref<128xi32, #tpu.memory_space<hbm>>
      %dma_start3A_194 = arith.constant 0 : i32
      %dma_start3A_195 = tpu.memref_slice %arg7[%run_scoped3A_10, %dma_start3A_194] : memref<4x128xi32, #tpu.memory_space<vmem>> -> memref<1x128xi32, #tpu.memory_space<vmem>>
      %dma_start3A_196 = tpu.memref_squeeze %dma_start3A_195 : memref<1x128xi32, #tpu.memory_space<vmem>> -> memref<128xi32, #tpu.memory_space<vmem>>
      %dma_start3A_197 = tpu.memref_slice %arg2[%add3A_9] : memref<16384xi32, #tpu.memory_space<hbm>> -> memref<128xi32, #tpu.memory_space<hbm>>
      tpu.enqueue_dma source(%dma_start3A_197 : memref<128xi32, #tpu.memory_space<hbm>>) target(%dma_start3A_196 : memref<128xi32, #tpu.memory_space<vmem>>) target_semaphore(%run_scoped3A_189 : memref<!tpu.dma_semaphore, #tpu.memory_space<semaphore_mem>>)
      %dma_wait3A_198 = arith.constant 0 : i32
      %dma_wait3A_199 = tpu.memref_slice %arg7[%run_scoped3A_10, %dma_wait3A_198] : memref<4x128xi32, #tpu.memory_space<vmem>> -> memref<1x128xi32, #tpu.memory_space<vmem>>
      %dma_wait3A_200 = tpu.memref_squeeze %dma_wait3A_199 : memref<1x128xi32, #tpu.memory_space<vmem>> -> memref<128xi32, #tpu.memory_space<vmem>>
      %dma_wait3A_201 = tpu.memref_slice %arg2[%add3A_9] : memref<16384xi32, #tpu.memory_space<hbm>> -> memref<128xi32, #tpu.memory_space<hbm>>
      %dma_wait3A_202 = arith.constant 0 : i32
      %dma_wait3A_203 = tpu.memref_slice %arg7[%run_scoped3A_10, %dma_wait3A_202] : memref<4x128xi32, #tpu.memory_space<vmem>> -> memref<1x128xi32, #tpu.memory_space<vmem>>
      %dma_wait3A_204 = tpu.memref_squeeze %dma_wait3A_203 : memref<1x128xi32, #tpu.memory_space<vmem>> -> memref<128xi32, #tpu.memory_space<vmem>>
      %dma_wait3A_205 = tpu.memref_slice %arg2[%add3A_9] : memref<16384xi32, #tpu.memory_space<hbm>> -> memref<128xi32, #tpu.memory_space<hbm>>
      tpu.wait_dma2 semaphore(%run_scoped3A_189 : memref<!tpu.dma_semaphore, #tpu.memory_space<semaphore_mem>>) src(%dma_wait3A_205 : memref<128xi32, #tpu.memory_space<hbm>>) dst(%dma_wait3A_204 : memref<128xi32, #tpu.memory_space<vmem>>)
      tpu.yield
    }) : () -> ()
    %add3A_11 = arith.constant 128 : i32
    %add3A_12 = arith.addi %mul3A_2, %add3A_11 : i32
    %run_scoped3A_13 = arith.constant 1 : i32
    "tpu.region"() ({
      %run_scoped3A_189 = tpu.sem_alloc : memref<!tpu.dma_semaphore, #tpu.memory_space<semaphore_mem>>
      %dma_start3A_190 = arith.constant 0 : i32
      %dma_start3A_191 = tpu.memref_slice %arg8[%run_scoped3A_13, %dma_start3A_190] : memref<4x128xi32, #tpu.memory_space<vmem>> -> memref<1x128xi32, #tpu.memory_space<vmem>>
      %dma_start3A_192 = tpu.memref_squeeze %dma_start3A_191 : memref<1x128xi32, #tpu.memory_space<vmem>> -> memref<128xi32, #tpu.memory_space<vmem>>
      %dma_start3A_193 = tpu.memref_slice %arg3[%add3A_12] : memref<16384xi32, #tpu.memory_space<hbm>> -> memref<128xi32, #tpu.memory_space<hbm>>
      %dma_start3A_194 = arith.constant 0 : i32
      %dma_start3A_195 = tpu.memref_slice %arg8[%run_scoped3A_13, %dma_start3A_194] : memref<4x128xi32, #tpu.memory_space<vmem>> -> memref<1x128xi32, #tpu.memory_space<vmem>>
      %dma_start3A_196 = tpu.memref_squeeze %dma_start3A_195 : memref<1x128xi32, #tpu.memory_space<vmem>> -> memref<128xi32, #tpu.memory_space<vmem>>
      %dma_start3A_197 = tpu.memref_slice %arg3[%add3A_12] : memref<16384xi32, #tpu.memory_space<hbm>> -> memref<128xi32, #tpu.memory_space<hbm>>
      tpu.enqueue_dma source(%dma_start3A_197 : memref<128xi32, #tpu.memory_space<hbm>>) target(%dma_start3A_196 : memref<128xi32, #tpu.memory_space<vmem>>) target_semaphore(%run_scoped3A_189 : memref<!tpu.dma_semaphore, #tpu.memory_space<semaphore_mem>>)
      %dma_wait3A_198 = arith.constant 0 : i32
      %dma_wait3A_199 = tpu.memref_slice %arg8[%run_scoped3A_13, %dma_wait3A_198] : memref<4x128xi32, #tpu.memory_space<vmem>> -> memref<1x128xi32, #tpu.memory_space<vmem>>
      %dma_wait3A_200 = tpu.memref_squeeze %dma_wait3A_199 : memref<1x128xi32, #tpu.memory_space<vmem>> -> memref<128xi32, #tpu.memory_space<vmem>>
      %dma_wait3A_201 = tpu.memref_slice %arg3[%add3A_12] : memref<16384xi32, #tpu.memory_space<hbm>> -> memref<128xi32, #tpu.memory_space<hbm>>
      %dma_wait3A_202 = arith.constant 0 : i32
      %dma_wait3A_203 = tpu.memref_slice %arg8[%run_scoped3A_13, %dma_wait3A_202] : memref<4x128xi32, #tpu.memory_space<vmem>> -> memref<1x128xi32, #tpu.memory_space<vmem>>
      %dma_wait3A_204 = tpu.memref_squeeze %dma_wait3A_203 : memref<1x128xi32, #tpu.memory_space<vmem>> -> memref<128xi32, #tpu.memory_space<vmem>>
      %dma_wait3A_205 = tpu.memref_slice %arg3[%add3A_12] : memref<16384xi32, #tpu.memory_space<hbm>> -> memref<128xi32, #tpu.memory_space<hbm>>
      tpu.wait_dma2 semaphore(%run_scoped3A_189 : memref<!tpu.dma_semaphore, #tpu.memory_space<semaphore_mem>>) src(%dma_wait3A_205 : memref<128xi32, #tpu.memory_space<hbm>>) dst(%dma_wait3A_204 : memref<128xi32, #tpu.memory_space<vmem>>)
      tpu.yield
    }) : () -> ()
    %add3A_14 = arith.constant 256 : i32
    %add3A_15 = arith.addi %mul3A_2, %add3A_14 : i32
    %run_scoped3A_16 = arith.constant 2 : i32
    "tpu.region"() ({
      %run_scoped3A_189 = tpu.sem_alloc : memref<!tpu.dma_semaphore, #tpu.memory_space<semaphore_mem>>
      %dma_start3A_190 = arith.constant 0 : i32
      %dma_start3A_191 = tpu.memref_slice %arg7[%run_scoped3A_16, %dma_start3A_190] : memref<4x128xi32, #tpu.memory_space<vmem>> -> memref<1x128xi32, #tpu.memory_space<vmem>>
      %dma_start3A_192 = tpu.memref_squeeze %dma_start3A_191 : memref<1x128xi32, #tpu.memory_space<vmem>> -> memref<128xi32, #tpu.memory_space<vmem>>
      %dma_start3A_193 = tpu.memref_slice %arg2[%add3A_15] : memref<16384xi32, #tpu.memory_space<hbm>> -> memref<128xi32, #tpu.memory_space<hbm>>
      %dma_start3A_194 = arith.constant 0 : i32
      %dma_start3A_195 = tpu.memref_slice %arg7[%run_scoped3A_16, %dma_start3A_194] : memref<4x128xi32, #tpu.memory_space<vmem>> -> memref<1x128xi32, #tpu.memory_space<vmem>>
      %dma_start3A_196 = tpu.memref_squeeze %dma_start3A_195 : memref<1x128xi32, #tpu.memory_space<vmem>> -> memref<128xi32, #tpu.memory_space<vmem>>
      %dma_start3A_197 = tpu.memref_slice %arg2[%add3A_15] : memref<16384xi32, #tpu.memory_space<hbm>> -> memref<128xi32, #tpu.memory_space<hbm>>
      tpu.enqueue_dma source(%dma_start3A_197 : memref<128xi32, #tpu.memory_space<hbm>>) target(%dma_start3A_196 : memref<128xi32, #tpu.memory_space<vmem>>) target_semaphore(%run_scoped3A_189 : memref<!tpu.dma_semaphore, #tpu.memory_space<semaphore_mem>>)
      %dma_wait3A_198 = arith.constant 0 : i32
      %dma_wait3A_199 = tpu.memref_slice %arg7[%run_scoped3A_16, %dma_wait3A_198] : memref<4x128xi32, #tpu.memory_space<vmem>> -> memref<1x128xi32, #tpu.memory_space<vmem>>
      %dma_wait3A_200 = tpu.memref_squeeze %dma_wait3A_199 : memref<1x128xi32, #tpu.memory_space<vmem>> -> memref<128xi32, #tpu.memory_space<vmem>>
      %dma_wait3A_201 = tpu.memref_slice %arg2[%add3A_15] : memref<16384xi32, #tpu.memory_space<hbm>> -> memref<128xi32, #tpu.memory_space<hbm>>
      %dma_wait3A_202 = arith.constant 0 : i32
      %dma_wait3A_203 = tpu.memref_slice %arg7[%run_scoped3A_16, %dma_wait3A_202] : memref<4x128xi32, #tpu.memory_space<vmem>> -> memref<1x128xi32, #tpu.memory_space<vmem>>
      %dma_wait3A_204 = tpu.memref_squeeze %dma_wait3A_203 : memref<1x128xi32, #tpu.memory_space<vmem>> -> memref<128xi32, #tpu.memory_space<vmem>>
      %dma_wait3A_205 = tpu.memref_slice %arg2[%add3A_15] : memref<16384xi32, #tpu.memory_space<hbm>> -> memref<128xi32, #tpu.memory_space<hbm>>
      tpu.wait_dma2 semaphore(%run_scoped3A_189 : memref<!tpu.dma_semaphore, #tpu.memory_space<semaphore_mem>>) src(%dma_wait3A_205 : memref<128xi32, #tpu.memory_space<hbm>>) dst(%dma_wait3A_204 : memref<128xi32, #tpu.memory_space<vmem>>)
      tpu.yield
    }) : () -> ()
    %add3A_17 = arith.constant 256 : i32
    %add3A_18 = arith.addi %mul3A_2, %add3A_17 : i32
    %run_scoped3A_19 = arith.constant 2 : i32
    "tpu.region"() ({
      %run_scoped3A_189 = tpu.sem_alloc : memref<!tpu.dma_semaphore, #tpu.memory_space<semaphore_mem>>
      %dma_start3A_190 = arith.constant 0 : i32
      %dma_start3A_191 = tpu.memref_slice %arg8[%run_scoped3A_19, %dma_start3A_190] : memref<4x128xi32, #tpu.memory_space<vmem>> -> memref<1x128xi32, #tpu.memory_space<vmem>>
      %dma_start3A_192 = tpu.memref_squeeze %dma_start3A_191 : memref<1x128xi32, #tpu.memory_space<vmem>> -> memref<128xi32, #tpu.memory_space<vmem>>
      %dma_start3A_193 = tpu.memref_slice %arg3[%add3A_18] : memref<16384xi32, #tpu.memory_space<hbm>> -> memref<128xi32, #tpu.memory_space<hbm>>
      %dma_start3A_194 = arith.constant 0 : i32
      %dma_start3A_195 = tpu.memref_slice %arg8[%run_scoped3A_19, %dma_start3A_194] : memref<4x128xi32, #tpu.memory_space<vmem>> -> memref<1x128xi32, #tpu.memory_space<vmem>>
      %dma_start3A_196 = tpu.memref_squeeze %dma_start3A_195 : memref<1x128xi32, #tpu.memory_space<vmem>> -> memref<128xi32, #tpu.memory_space<vmem>>
      %dma_start3A_197 = tpu.memref_slice %arg3[%add3A_18] : memref<16384xi32, #tpu.memory_space<hbm>> -> memref<128xi32, #tpu.memory_space<hbm>>
      tpu.enqueue_dma source(%dma_start3A_197 : memref<128xi32, #tpu.memory_space<hbm>>) target(%dma_start3A_196 : memref<128xi32, #tpu.memory_space<vmem>>) target_semaphore(%run_scoped3A_189 : memref<!tpu.dma_semaphore, #tpu.memory_space<semaphore_mem>>)
      %dma_wait3A_198 = arith.constant 0 : i32
      %dma_wait3A_199 = tpu.memref_slice %arg8[%run_scoped3A_19, %dma_wait3A_198] : memref<4x128xi32, #tpu.memory_space<vmem>> -> memref<1x128xi32, #tpu.memory_space<vmem>>
      %dma_wait3A_200 = tpu.memref_squeeze %dma_wait3A_199 : memref<1x128xi32, #tpu.memory_space<vmem>> -> memref<128xi32, #tpu.memory_space<vmem>>
      %dma_wait3A_201 = tpu.memref_slice %arg3[%add3A_18] : memref<16384xi32, #tpu.memory_space<hbm>> -> memref<128xi32, #tpu.memory_space<hbm>>
      %dma_wait3A_202 = arith.constant 0 : i32
      %dma_wait3A_203 = tpu.memref_slice %arg8[%run_scoped3A_19, %dma_wait3A_202] : memref<4x128xi32, #tpu.memory_space<vmem>> -> memref<1x128xi32, #tpu.memory_space<vmem>>
      %dma_wait3A_204 = tpu.memref_squeeze %dma_wait3A_203 : memref<1x128xi32, #tpu.memory_space<vmem>> -> memref<128xi32, #tpu.memory_space<vmem>>
      %dma_wait3A_205 = tpu.memref_slice %arg3[%add3A_18] : memref<16384xi32, #tpu.memory_space<hbm>> -> memref<128xi32, #tpu.memory_space<hbm>>
      tpu.wait_dma2 semaphore(%run_scoped3A_189 : memref<!tpu.dma_semaphore, #tpu.memory_space<semaphore_mem>>) src(%dma_wait3A_205 : memref<128xi32, #tpu.memory_space<hbm>>) dst(%dma_wait3A_204 : memref<128xi32, #tpu.memory_space<vmem>>)
      tpu.yield
    }) : () -> ()
    %add3A_20 = arith.constant 384 : i32
    %add3A_21 = arith.addi %mul3A_2, %add3A_20 : i32
    %run_scoped3A_22 = arith.constant 3 : i32
    "tpu.region"() ({
      %run_scoped3A_189 = tpu.sem_alloc : memref<!tpu.dma_semaphore, #tpu.memory_space<semaphore_mem>>
      %dma_start3A_190 = arith.constant 0 : i32
      %dma_start3A_191 = tpu.memref_slice %arg7[%run_scoped3A_22, %dma_start3A_190] : memref<4x128xi32, #tpu.memory_space<vmem>> -> memref<1x128xi32, #tpu.memory_space<vmem>>
      %dma_start3A_192 = tpu.memref_squeeze %dma_start3A_191 : memref<1x128xi32, #tpu.memory_space<vmem>> -> memref<128xi32, #tpu.memory_space<vmem>>
      %dma_start3A_193 = tpu.memref_slice %arg2[%add3A_21] : memref<16384xi32, #tpu.memory_space<hbm>> -> memref<128xi32, #tpu.memory_space<hbm>>
      %dma_start3A_194 = arith.constant 0 : i32
      %dma_start3A_195 = tpu.memref_slice %arg7[%run_scoped3A_22, %dma_start3A_194] : memref<4x128xi32, #tpu.memory_space<vmem>> -> memref<1x128xi32, #tpu.memory_space<vmem>>
      %dma_start3A_196 = tpu.memref_squeeze %dma_start3A_195 : memref<1x128xi32, #tpu.memory_space<vmem>> -> memref<128xi32, #tpu.memory_space<vmem>>
      %dma_start3A_197 = tpu.memref_slice %arg2[%add3A_21] : memref<16384xi32, #tpu.memory_space<hbm>> -> memref<128xi32, #tpu.memory_space<hbm>>
      tpu.enqueue_dma source(%dma_start3A_197 : memref<128xi32, #tpu.memory_space<hbm>>) target(%dma_start3A_196 : memref<128xi32, #tpu.memory_space<vmem>>) target_semaphore(%run_scoped3A_189 : memref<!tpu.dma_semaphore, #tpu.memory_space<semaphore_mem>>)
      %dma_wait3A_198 = arith.constant 0 : i32
      %dma_wait3A_199 = tpu.memref_slice %arg7[%run_scoped3A_22, %dma_wait3A_198] : memref<4x128xi32, #tpu.memory_space<vmem>> -> memref<1x128xi32, #tpu.memory_space<vmem>>
      %dma_wait3A_200 = tpu.memref_squeeze %dma_wait3A_199 : memref<1x128xi32, #tpu.memory_space<vmem>> -> memref<128xi32, #tpu.memory_space<vmem>>
      %dma_wait3A_201 = tpu.memref_slice %arg2[%add3A_21] : memref<16384xi32, #tpu.memory_space<hbm>> -> memref<128xi32, #tpu.memory_space<hbm>>
      %dma_wait3A_202 = arith.constant 0 : i32
      %dma_wait3A_203 = tpu.memref_slice %arg7[%run_scoped3A_22, %dma_wait3A_202] : memref<4x128xi32, #tpu.memory_space<vmem>> -> memref<1x128xi32, #tpu.memory_space<vmem>>
      %dma_wait3A_204 = tpu.memref_squeeze %dma_wait3A_203 : memref<1x128xi32, #tpu.memory_space<vmem>> -> memref<128xi32, #tpu.memory_space<vmem>>
      %dma_wait3A_205 = tpu.memref_slice %arg2[%add3A_21] : memref<16384xi32, #tpu.memory_space<hbm>> -> memref<128xi32, #tpu.memory_space<hbm>>
      tpu.wait_dma2 semaphore(%run_scoped3A_189 : memref<!tpu.dma_semaphore, #tpu.memory_space<semaphore_mem>>) src(%dma_wait3A_205 : memref<128xi32, #tpu.memory_space<hbm>>) dst(%dma_wait3A_204 : memref<128xi32, #tpu.memory_space<vmem>>)
      tpu.yield
    }) : () -> ()
    %add3A_23 = arith.constant 384 : i32
    %add3A_24 = arith.addi %mul3A_2, %add3A_23 : i32
    %run_scoped3A_25 = arith.constant 3 : i32
    "tpu.region"() ({
      %run_scoped3A_189 = tpu.sem_alloc : memref<!tpu.dma_semaphore, #tpu.memory_space<semaphore_mem>>
      %dma_start3A_190 = arith.constant 0 : i32
      %dma_start3A_191 = tpu.memref_slice %arg8[%run_scoped3A_25, %dma_start3A_190] : memref<4x128xi32, #tpu.memory_space<vmem>> -> memref<1x128xi32, #tpu.memory_space<vmem>>
      %dma_start3A_192 = tpu.memref_squeeze %dma_start3A_191 : memref<1x128xi32, #tpu.memory_space<vmem>> -> memref<128xi32, #tpu.memory_space<vmem>>
      %dma_start3A_193 = tpu.memref_slice %arg3[%add3A_24] : memref<16384xi32, #tpu.memory_space<hbm>> -> memref<128xi32, #tpu.memory_space<hbm>>
      %dma_start3A_194 = arith.constant 0 : i32
      %dma_start3A_195 = tpu.memref_slice %arg8[%run_scoped3A_25, %dma_start3A_194] : memref<4x128xi32, #tpu.memory_space<vmem>> -> memref<1x128xi32, #tpu.memory_space<vmem>>
      %dma_start3A_196 = tpu.memref_squeeze %dma_start3A_195 : memref<1x128xi32, #tpu.memory_space<vmem>> -> memref<128xi32, #tpu.memory_space<vmem>>
      %dma_start3A_197 = tpu.memref_slice %arg3[%add3A_24] : memref<16384xi32, #tpu.memory_space<hbm>> -> memref<128xi32, #tpu.memory_space<hbm>>
      tpu.enqueue_dma source(%dma_start3A_197 : memref<128xi32, #tpu.memory_space<hbm>>) target(%dma_start3A_196 : memref<128xi32, #tpu.memory_space<vmem>>) target_semaphore(%run_scoped3A_189 : memref<!tpu.dma_semaphore, #tpu.memory_space<semaphore_mem>>)
      %dma_wait3A_198 = arith.constant 0 : i32
      %dma_wait3A_199 = tpu.memref_slice %arg8[%run_scoped3A_25, %dma_wait3A_198] : memref<4x128xi32, #tpu.memory_space<vmem>> -> memref<1x128xi32, #tpu.memory_space<vmem>>
      %dma_wait3A_200 = tpu.memref_squeeze %dma_wait3A_199 : memref<1x128xi32, #tpu.memory_space<vmem>> -> memref<128xi32, #tpu.memory_space<vmem>>
      %dma_wait3A_201 = tpu.memref_slice %arg3[%add3A_24] : memref<16384xi32, #tpu.memory_space<hbm>> -> memref<128xi32, #tpu.memory_space<hbm>>
      %dma_wait3A_202 = arith.constant 0 : i32
      %dma_wait3A_203 = tpu.memref_slice %arg8[%run_scoped3A_25, %dma_wait3A_202] : memref<4x128xi32, #tpu.memory_space<vmem>> -> memref<1x128xi32, #tpu.memory_space<vmem>>
      %dma_wait3A_204 = tpu.memref_squeeze %dma_wait3A_203 : memref<1x128xi32, #tpu.memory_space<vmem>> -> memref<128xi32, #tpu.memory_space<vmem>>
      %dma_wait3A_205 = tpu.memref_slice %arg3[%add3A_24] : memref<16384xi32, #tpu.memory_space<hbm>> -> memref<128xi32, #tpu.memory_space<hbm>>
      tpu.wait_dma2 semaphore(%run_scoped3A_189 : memref<!tpu.dma_semaphore, #tpu.memory_space<semaphore_mem>>) src(%dma_wait3A_205 : memref<128xi32, #tpu.memory_space<hbm>>) dst(%dma_wait3A_204 : memref<128xi32, #tpu.memory_space<vmem>>)
      tpu.yield
    }) : () -> ()
    %dma_start3A = arith.constant 0 : i32
    %dma_start3A_26 = arith.constant 0 : i32
    %dma_start3A_27 = arith.constant 0 : i32
    %dma_start3A_28 = tpu.memref_slice %arg9[%dma_start3A_26, %dma_start3A_27] : memref<512x32xi32, #tpu.memory_space<vmem>> -> memref<128x32xi32, #tpu.memory_space<vmem>>
    %dma_start3A_29 = arith.constant 0 : i32
    %dma_start3A_30 = tpu.memref_slice %arg7[%dma_start3A, %dma_start3A_29] : memref<4x128xi32, #tpu.memory_space<vmem>> -> memref<1x128xi32, #tpu.memory_space<vmem>>
    %dma_start3A_31 = tpu.memref_squeeze %dma_start3A_30 : memref<1x128xi32, #tpu.memory_space<vmem>> -> memref<128xi32, #tpu.memory_space<vmem>>
    %dma_start3A_32 = arith.constant 0 : i32
    %dma_start3A_33 = arith.constant 0 : i32
    %dma_start3A_34 = tpu.memref_slice %arg4[%dma_start3A_32, %dma_start3A_33] : memref<1000000x32xi32, #tpu.memory_space<hbm>> -> memref<1000000x32xi32, #tpu.memory_space<hbm>>
    tpu.enqueue_indirect_dma source(%dma_start3A_34 : memref<1000000x32xi32, #tpu.memory_space<hbm>>) target(%dma_start3A_28 : memref<128x32xi32, #tpu.memory_space<vmem>>) offsets(%dma_start3A_31 : memref<128xi32, #tpu.memory_space<vmem>>) semaphore(%arg12 : memref<!tpu.dma_semaphore, #tpu.memory_space<semaphore_mem>>)
    %dma_start3A_35 = arith.constant 0 : i32
    %dma_start3A_36 = arith.constant 0 : i32
    %dma_start3A_37 = arith.constant 0 : i32
    %dma_start3A_38 = tpu.memref_slice %arg10[%dma_start3A_36, %dma_start3A_37] : memref<512x32xi32, #tpu.memory_space<vmem>> -> memref<128x32xi32, #tpu.memory_space<vmem>>
    %dma_start3A_39 = arith.constant 0 : i32
    %dma_start3A_40 = tpu.memref_slice %arg8[%dma_start3A_35, %dma_start3A_39] : memref<4x128xi32, #tpu.memory_space<vmem>> -> memref<1x128xi32, #tpu.memory_space<vmem>>
    %dma_start3A_41 = tpu.memref_squeeze %dma_start3A_40 : memref<1x128xi32, #tpu.memory_space<vmem>> -> memref<128xi32, #tpu.memory_space<vmem>>
    %dma_start3A_42 = arith.constant 0 : i32
    %dma_start3A_43 = arith.constant 0 : i32
    %dma_start3A_44 = tpu.memref_slice %arg5[%dma_start3A_42, %dma_start3A_43] : memref<1000000x32xi32, #tpu.memory_space<hbm>> -> memref<1000000x32xi32, #tpu.memory_space<hbm>>
    tpu.enqueue_indirect_dma source(%dma_start3A_44 : memref<1000000x32xi32, #tpu.memory_space<hbm>>) target(%dma_start3A_38 : memref<128x32xi32, #tpu.memory_space<vmem>>) offsets(%dma_start3A_41 : memref<128xi32, #tpu.memory_space<vmem>>) semaphore(%arg12 : memref<!tpu.dma_semaphore, #tpu.memory_space<semaphore_mem>>)
    %dma_start3A_45 = arith.constant 1 : i32
    %dma_start3A_46 = arith.constant 128 : i32
    %dma_start3A_47 = arith.constant 0 : i32
    %dma_start3A_48 = tpu.memref_slice %arg9[%dma_start3A_46, %dma_start3A_47] : memref<512x32xi32, #tpu.memory_space<vmem>> -> memref<128x32xi32, #tpu.memory_space<vmem>>
    %dma_start3A_49 = arith.constant 0 : i32
    %dma_start3A_50 = tpu.memref_slice %arg7[%dma_start3A_45, %dma_start3A_49] : memref<4x128xi32, #tpu.memory_space<vmem>> -> memref<1x128xi32, #tpu.memory_space<vmem>>
    %dma_start3A_51 = tpu.memref_squeeze %dma_start3A_50 : memref<1x128xi32, #tpu.memory_space<vmem>> -> memref<128xi32, #tpu.memory_space<vmem>>
    %dma_start3A_52 = arith.constant 0 : i32
    %dma_start3A_53 = arith.constant 0 : i32
    %dma_start3A_54 = tpu.memref_slice %arg4[%dma_start3A_52, %dma_start3A_53] : memref<1000000x32xi32, #tpu.memory_space<hbm>> -> memref<1000000x32xi32, #tpu.memory_space<hbm>>
    tpu.enqueue_indirect_dma source(%dma_start3A_54 : memref<1000000x32xi32, #tpu.memory_space<hbm>>) target(%dma_start3A_48 : memref<128x32xi32, #tpu.memory_space<vmem>>) offsets(%dma_start3A_51 : memref<128xi32, #tpu.memory_space<vmem>>) semaphore(%arg12 : memref<!tpu.dma_semaphore, #tpu.memory_space<semaphore_mem>>)
    %dma_start3A_55 = arith.constant 1 : i32
    %dma_start3A_56 = arith.constant 128 : i32
    %dma_start3A_57 = arith.constant 0 : i32
    %dma_start3A_58 = tpu.memref_slice %arg10[%dma_start3A_56, %dma_start3A_57] : memref<512x32xi32, #tpu.memory_space<vmem>> -> memref<128x32xi32, #tpu.memory_space<vmem>>
    %dma_start3A_59 = arith.constant 0 : i32
    %dma_start3A_60 = tpu.memref_slice %arg8[%dma_start3A_55, %dma_start3A_59] : memref<4x128xi32, #tpu.memory_space<vmem>> -> memref<1x128xi32, #tpu.memory_space<vmem>>
    %dma_start3A_61 = tpu.memref_squeeze %dma_start3A_60 : memref<1x128xi32, #tpu.memory_space<vmem>> -> memref<128xi32, #tpu.memory_space<vmem>>
    %dma_start3A_62 = arith.constant 0 : i32
    %dma_start3A_63 = arith.constant 0 : i32
    %dma_start3A_64 = tpu.memref_slice %arg5[%dma_start3A_62, %dma_start3A_63] : memref<1000000x32xi32, #tpu.memory_space<hbm>> -> memref<1000000x32xi32, #tpu.memory_space<hbm>>
    tpu.enqueue_indirect_dma source(%dma_start3A_64 : memref<1000000x32xi32, #tpu.memory_space<hbm>>) target(%dma_start3A_58 : memref<128x32xi32, #tpu.memory_space<vmem>>) offsets(%dma_start3A_61 : memref<128xi32, #tpu.memory_space<vmem>>) semaphore(%arg12 : memref<!tpu.dma_semaphore, #tpu.memory_space<semaphore_mem>>)
    %dma_start3A_65 = arith.constant 2 : i32
    %dma_start3A_66 = arith.constant 256 : i32
    %dma_start3A_67 = arith.constant 0 : i32
    %dma_start3A_68 = tpu.memref_slice %arg9[%dma_start3A_66, %dma_start3A_67] : memref<512x32xi32, #tpu.memory_space<vmem>> -> memref<128x32xi32, #tpu.memory_space<vmem>>
    %dma_start3A_69 = arith.constant 0 : i32
    %dma_start3A_70 = tpu.memref_slice %arg7[%dma_start3A_65, %dma_start3A_69] : memref<4x128xi32, #tpu.memory_space<vmem>> -> memref<1x128xi32, #tpu.memory_space<vmem>>
    %dma_start3A_71 = tpu.memref_squeeze %dma_start3A_70 : memref<1x128xi32, #tpu.memory_space<vmem>> -> memref<128xi32, #tpu.memory_space<vmem>>
    %dma_start3A_72 = arith.constant 0 : i32
    %dma_start3A_73 = arith.constant 0 : i32
    %dma_start3A_74 = tpu.memref_slice %arg4[%dma_start3A_72, %dma_start3A_73] : memref<1000000x32xi32, #tpu.memory_space<hbm>> -> memref<1000000x32xi32, #tpu.memory_space<hbm>>
    tpu.enqueue_indirect_dma source(%dma_start3A_74 : memref<1000000x32xi32, #tpu.memory_space<hbm>>) target(%dma_start3A_68 : memref<128x32xi32, #tpu.memory_space<vmem>>) offsets(%dma_start3A_71 : memref<128xi32, #tpu.memory_space<vmem>>) semaphore(%arg12 : memref<!tpu.dma_semaphore, #tpu.memory_space<semaphore_mem>>)
    %dma_start3A_75 = arith.constant 2 : i32
    %dma_start3A_76 = arith.constant 256 : i32
    %dma_start3A_77 = arith.constant 0 : i32
    %dma_start3A_78 = tpu.memref_slice %arg10[%dma_start3A_76, %dma_start3A_77] : memref<512x32xi32, #tpu.memory_space<vmem>> -> memref<128x32xi32, #tpu.memory_space<vmem>>
    %dma_start3A_79 = arith.constant 0 : i32
    %dma_start3A_80 = tpu.memref_slice %arg8[%dma_start3A_75, %dma_start3A_79] : memref<4x128xi32, #tpu.memory_space<vmem>> -> memref<1x128xi32, #tpu.memory_space<vmem>>
    %dma_start3A_81 = tpu.memref_squeeze %dma_start3A_80 : memref<1x128xi32, #tpu.memory_space<vmem>> -> memref<128xi32, #tpu.memory_space<vmem>>
    %dma_start3A_82 = arith.constant 0 : i32
    %dma_start3A_83 = arith.constant 0 : i32
    %dma_start3A_84 = tpu.memref_slice %arg5[%dma_start3A_82, %dma_start3A_83] : memref<1000000x32xi32, #tpu.memory_space<hbm>> -> memref<1000000x32xi32, #tpu.memory_space<hbm>>
    tpu.enqueue_indirect_dma source(%dma_start3A_84 : memref<1000000x32xi32, #tpu.memory_space<hbm>>) target(%dma_start3A_78 : memref<128x32xi32, #tpu.memory_space<vmem>>) offsets(%dma_start3A_81 : memref<128xi32, #tpu.memory_space<vmem>>) semaphore(%arg12 : memref<!tpu.dma_semaphore, #tpu.memory_space<semaphore_mem>>)
    %dma_start3A_85 = arith.constant 3 : i32
    %dma_start3A_86 = arith.constant 384 : i32
    %dma_start3A_87 = arith.constant 0 : i32
    %dma_start3A_88 = tpu.memref_slice %arg9[%dma_start3A_86, %dma_start3A_87] : memref<512x32xi32, #tpu.memory_space<vmem>> -> memref<128x32xi32, #tpu.memory_space<vmem>>
    %dma_start3A_89 = arith.constant 0 : i32
    %dma_start3A_90 = tpu.memref_slice %arg7[%dma_start3A_85, %dma_start3A_89] : memref<4x128xi32, #tpu.memory_space<vmem>> -> memref<1x128xi32, #tpu.memory_space<vmem>>
    %dma_start3A_91 = tpu.memref_squeeze %dma_start3A_90 : memref<1x128xi32, #tpu.memory_space<vmem>> -> memref<128xi32, #tpu.memory_space<vmem>>
    %dma_start3A_92 = arith.constant 0 : i32
    %dma_start3A_93 = arith.constant 0 : i32
    %dma_start3A_94 = tpu.memref_slice %arg4[%dma_start3A_92, %dma_start3A_93] : memref<1000000x32xi32, #tpu.memory_space<hbm>> -> memref<1000000x32xi32, #tpu.memory_space<hbm>>
    tpu.enqueue_indirect_dma source(%dma_start3A_94 : memref<1000000x32xi32, #tpu.memory_space<hbm>>) target(%dma_start3A_88 : memref<128x32xi32, #tpu.memory_space<vmem>>) offsets(%dma_start3A_91 : memref<128xi32, #tpu.memory_space<vmem>>) semaphore(%arg12 : memref<!tpu.dma_semaphore, #tpu.memory_space<semaphore_mem>>)
    %dma_start3A_95 = arith.constant 3 : i32
    %dma_start3A_96 = arith.constant 384 : i32
    %dma_start3A_97 = arith.constant 0 : i32
    %dma_start3A_98 = tpu.memref_slice %arg10[%dma_start3A_96, %dma_start3A_97] : memref<512x32xi32, #tpu.memory_space<vmem>> -> memref<128x32xi32, #tpu.memory_space<vmem>>
    %dma_start3A_99 = arith.constant 0 : i32
    %dma_start3A_100 = tpu.memref_slice %arg8[%dma_start3A_95, %dma_start3A_99] : memref<4x128xi32, #tpu.memory_space<vmem>> -> memref<1x128xi32, #tpu.memory_space<vmem>>
    %dma_start3A_101 = tpu.memref_squeeze %dma_start3A_100 : memref<1x128xi32, #tpu.memory_space<vmem>> -> memref<128xi32, #tpu.memory_space<vmem>>
    %dma_start3A_102 = arith.constant 0 : i32
    %dma_start3A_103 = arith.constant 0 : i32
    %dma_start3A_104 = tpu.memref_slice %arg5[%dma_start3A_102, %dma_start3A_103] : memref<1000000x32xi32, #tpu.memory_space<hbm>> -> memref<1000000x32xi32, #tpu.memory_space<hbm>>
    tpu.enqueue_indirect_dma source(%dma_start3A_104 : memref<1000000x32xi32, #tpu.memory_space<hbm>>) target(%dma_start3A_98 : memref<128x32xi32, #tpu.memory_space<vmem>>) offsets(%dma_start3A_101 : memref<128xi32, #tpu.memory_space<vmem>>) semaphore(%arg12 : memref<!tpu.dma_semaphore, #tpu.memory_space<semaphore_mem>>)
    %dma_wait3A = arith.constant 0 : i32
    %dma_wait3A_105 = arith.constant 0 : i32
    %dma_wait3A_106 = arith.constant 0 : i32
    %dma_wait3A_107 = tpu.memref_slice %arg9[%dma_wait3A_105, %dma_wait3A_106] : memref<512x32xi32, #tpu.memory_space<vmem>> -> memref<128x32xi32, #tpu.memory_space<vmem>>
    %dma_wait3A_108 = arith.constant 0 : i32
    %dma_wait3A_109 = tpu.memref_slice %arg7[%dma_wait3A, %dma_wait3A_108] : memref<4x128xi32, #tpu.memory_space<vmem>> -> memref<1x128xi32, #tpu.memory_space<vmem>>
    %dma_wait3A_110 = tpu.memref_squeeze %dma_wait3A_109 : memref<1x128xi32, #tpu.memory_space<vmem>> -> memref<128xi32, #tpu.memory_space<vmem>>
    %dma_wait3A_111 = arith.constant 0 : i32
    %dma_wait3A_112 = arith.constant 0 : i32
    %dma_wait3A_113 = tpu.memref_slice %arg4[%dma_wait3A_111, %dma_wait3A_112] : memref<1000000x32xi32, #tpu.memory_space<hbm>> -> memref<1000000x32xi32, #tpu.memory_space<hbm>>
    tpu.wait_indirect_dma semaphore(%arg12 : memref<!tpu.dma_semaphore, #tpu.memory_space<semaphore_mem>>) src(%dma_wait3A_113 : memref<1000000x32xi32, #tpu.memory_space<hbm>>) dst(%dma_wait3A_107 : memref<128x32xi32, #tpu.memory_space<vmem>>)
    %dma_wait3A_114 = arith.constant 0 : i32
    %dma_wait3A_115 = arith.constant 0 : i32
    %dma_wait3A_116 = arith.constant 0 : i32
    %dma_wait3A_117 = tpu.memref_slice %arg10[%dma_wait3A_115, %dma_wait3A_116] : memref<512x32xi32, #tpu.memory_space<vmem>> -> memref<128x32xi32, #tpu.memory_space<vmem>>
    %dma_wait3A_118 = arith.constant 0 : i32
    %dma_wait3A_119 = tpu.memref_slice %arg8[%dma_wait3A_114, %dma_wait3A_118] : memref<4x128xi32, #tpu.memory_space<vmem>> -> memref<1x128xi32, #tpu.memory_space<vmem>>
    %dma_wait3A_120 = tpu.memref_squeeze %dma_wait3A_119 : memref<1x128xi32, #tpu.memory_space<vmem>> -> memref<128xi32, #tpu.memory_space<vmem>>
    %dma_wait3A_121 = arith.constant 0 : i32
    %dma_wait3A_122 = arith.constant 0 : i32
    %dma_wait3A_123 = tpu.memref_slice %arg5[%dma_wait3A_121, %dma_wait3A_122] : memref<1000000x32xi32, #tpu.memory_space<hbm>> -> memref<1000000x32xi32, #tpu.memory_space<hbm>>
    tpu.wait_indirect_dma semaphore(%arg12 : memref<!tpu.dma_semaphore, #tpu.memory_space<semaphore_mem>>) src(%dma_wait3A_123 : memref<1000000x32xi32, #tpu.memory_space<hbm>>) dst(%dma_wait3A_117 : memref<128x32xi32, #tpu.memory_space<vmem>>)
    %dma_wait3A_124 = arith.constant 1 : i32
    %dma_wait3A_125 = arith.constant 128 : i32
    %dma_wait3A_126 = arith.constant 0 : i32
    %dma_wait3A_127 = tpu.memref_slice %arg9[%dma_wait3A_125, %dma_wait3A_126] : memref<512x32xi32, #tpu.memory_space<vmem>> -> memref<128x32xi32, #tpu.memory_space<vmem>>
    %dma_wait3A_128 = arith.constant 0 : i32
    %dma_wait3A_129 = tpu.memref_slice %arg7[%dma_wait3A_124, %dma_wait3A_128] : memref<4x128xi32, #tpu.memory_space<vmem>> -> memref<1x128xi32, #tpu.memory_space<vmem>>
    %dma_wait3A_130 = tpu.memref_squeeze %dma_wait3A_129 : memref<1x128xi32, #tpu.memory_space<vmem>> -> memref<128xi32, #tpu.memory_space<vmem>>
    %dma_wait3A_131 = arith.constant 0 : i32
    %dma_wait3A_132 = arith.constant 0 : i32
    %dma_wait3A_133 = tpu.memref_slice %arg4[%dma_wait3A_131, %dma_wait3A_132] : memref<1000000x32xi32, #tpu.memory_space<hbm>> -> memref<1000000x32xi32, #tpu.memory_space<hbm>>
    tpu.wait_indirect_dma semaphore(%arg12 : memref<!tpu.dma_semaphore, #tpu.memory_space<semaphore_mem>>) src(%dma_wait3A_133 : memref<1000000x32xi32, #tpu.memory_space<hbm>>) dst(%dma_wait3A_127 : memref<128x32xi32, #tpu.memory_space<vmem>>)
    %dma_wait3A_134 = arith.constant 1 : i32
    %dma_wait3A_135 = arith.constant 128 : i32
    %dma_wait3A_136 = arith.constant 0 : i32
    %dma_wait3A_137 = tpu.memref_slice %arg10[%dma_wait3A_135, %dma_wait3A_136] : memref<512x32xi32, #tpu.memory_space<vmem>> -> memref<128x32xi32, #tpu.memory_space<vmem>>
    %dma_wait3A_138 = arith.constant 0 : i32
    %dma_wait3A_139 = tpu.memref_slice %arg8[%dma_wait3A_134, %dma_wait3A_138] : memref<4x128xi32, #tpu.memory_space<vmem>> -> memref<1x128xi32, #tpu.memory_space<vmem>>
    %dma_wait3A_140 = tpu.memref_squeeze %dma_wait3A_139 : memref<1x128xi32, #tpu.memory_space<vmem>> -> memref<128xi32, #tpu.memory_space<vmem>>
    %dma_wait3A_141 = arith.constant 0 : i32
    %dma_wait3A_142 = arith.constant 0 : i32
    %dma_wait3A_143 = tpu.memref_slice %arg5[%dma_wait3A_141, %dma_wait3A_142] : memref<1000000x32xi32, #tpu.memory_space<hbm>> -> memref<1000000x32xi32, #tpu.memory_space<hbm>>
    tpu.wait_indirect_dma semaphore(%arg12 : memref<!tpu.dma_semaphore, #tpu.memory_space<semaphore_mem>>) src(%dma_wait3A_143 : memref<1000000x32xi32, #tpu.memory_space<hbm>>) dst(%dma_wait3A_137 : memref<128x32xi32, #tpu.memory_space<vmem>>)
    %dma_wait3A_144 = arith.constant 2 : i32
    %dma_wait3A_145 = arith.constant 256 : i32
    %dma_wait3A_146 = arith.constant 0 : i32
    %dma_wait3A_147 = tpu.memref_slice %arg9[%dma_wait3A_145, %dma_wait3A_146] : memref<512x32xi32, #tpu.memory_space<vmem>> -> memref<128x32xi32, #tpu.memory_space<vmem>>
    %dma_wait3A_148 = arith.constant 0 : i32
    %dma_wait3A_149 = tpu.memref_slice %arg7[%dma_wait3A_144, %dma_wait3A_148] : memref<4x128xi32, #tpu.memory_space<vmem>> -> memref<1x128xi32, #tpu.memory_space<vmem>>
    %dma_wait3A_150 = tpu.memref_squeeze %dma_wait3A_149 : memref<1x128xi32, #tpu.memory_space<vmem>> -> memref<128xi32, #tpu.memory_space<vmem>>
    %dma_wait3A_151 = arith.constant 0 : i32
    %dma_wait3A_152 = arith.constant 0 : i32
    %dma_wait3A_153 = tpu.memref_slice %arg4[%dma_wait3A_151, %dma_wait3A_152] : memref<1000000x32xi32, #tpu.memory_space<hbm>> -> memref<1000000x32xi32, #tpu.memory_space<hbm>>
    tpu.wait_indirect_dma semaphore(%arg12 : memref<!tpu.dma_semaphore, #tpu.memory_space<semaphore_mem>>) src(%dma_wait3A_153 : memref<1000000x32xi32, #tpu.memory_space<hbm>>) dst(%dma_wait3A_147 : memref<128x32xi32, #tpu.memory_space<vmem>>)
    %dma_wait3A_154 = arith.constant 2 : i32
    %dma_wait3A_155 = arith.constant 256 : i32
    %dma_wait3A_156 = arith.constant 0 : i32
    %dma_wait3A_157 = tpu.memref_slice %arg10[%dma_wait3A_155, %dma_wait3A_156] : memref<512x32xi32, #tpu.memory_space<vmem>> -> memref<128x32xi32, #tpu.memory_space<vmem>>
    %dma_wait3A_158 = arith.constant 0 : i32
    %dma_wait3A_159 = tpu.memref_slice %arg8[%dma_wait3A_154, %dma_wait3A_158] : memref<4x128xi32, #tpu.memory_space<vmem>> -> memref<1x128xi32, #tpu.memory_space<vmem>>
    %dma_wait3A_160 = tpu.memref_squeeze %dma_wait3A_159 : memref<1x128xi32, #tpu.memory_space<vmem>> -> memref<128xi32, #tpu.memory_space<vmem>>
    %dma_wait3A_161 = arith.constant 0 : i32
    %dma_wait3A_162 = arith.constant 0 : i32
    %dma_wait3A_163 = tpu.memref_slice %arg5[%dma_wait3A_161, %dma_wait3A_162] : memref<1000000x32xi32, #tpu.memory_space<hbm>> -> memref<1000000x32xi32, #tpu.memory_space<hbm>>
    tpu.wait_indirect_dma semaphore(%arg12 : memref<!tpu.dma_semaphore, #tpu.memory_space<semaphore_mem>>) src(%dma_wait3A_163 : memref<1000000x32xi32, #tpu.memory_space<hbm>>) dst(%dma_wait3A_157 : memref<128x32xi32, #tpu.memory_space<vmem>>)
    %dma_wait3A_164 = arith.constant 3 : i32
    %dma_wait3A_165 = arith.constant 384 : i32
    %dma_wait3A_166 = arith.constant 0 : i32
    %dma_wait3A_167 = tpu.memref_slice %arg9[%dma_wait3A_165, %dma_wait3A_166] : memref<512x32xi32, #tpu.memory_space<vmem>> -> memref<128x32xi32, #tpu.memory_space<vmem>>
    %dma_wait3A_168 = arith.constant 0 : i32
    %dma_wait3A_169 = tpu.memref_slice %arg7[%dma_wait3A_164, %dma_wait3A_168] : memref<4x128xi32, #tpu.memory_space<vmem>> -> memref<1x128xi32, #tpu.memory_space<vmem>>
    %dma_wait3A_170 = tpu.memref_squeeze %dma_wait3A_169 : memref<1x128xi32, #tpu.memory_space<vmem>> -> memref<128xi32, #tpu.memory_space<vmem>>
    %dma_wait3A_171 = arith.constant 0 : i32
    %dma_wait3A_172 = arith.constant 0 : i32
    %dma_wait3A_173 = tpu.memref_slice %arg4[%dma_wait3A_171, %dma_wait3A_172] : memref<1000000x32xi32, #tpu.memory_space<hbm>> -> memref<1000000x32xi32, #tpu.memory_space<hbm>>
    tpu.wait_indirect_dma semaphore(%arg12 : memref<!tpu.dma_semaphore, #tpu.memory_space<semaphore_mem>>) src(%dma_wait3A_173 : memref<1000000x32xi32, #tpu.memory_space<hbm>>) dst(%dma_wait3A_167 : memref<128x32xi32, #tpu.memory_space<vmem>>)
    %dma_wait3A_174 = arith.constant 3 : i32
    %dma_wait3A_175 = arith.constant 384 : i32
    %dma_wait3A_176 = arith.constant 0 : i32
    %dma_wait3A_177 = tpu.memref_slice %arg10[%dma_wait3A_175, %dma_wait3A_176] : memref<512x32xi32, #tpu.memory_space<vmem>> -> memref<128x32xi32, #tpu.memory_space<vmem>>
    %dma_wait3A_178 = arith.constant 0 : i32
    %dma_wait3A_179 = tpu.memref_slice %arg8[%dma_wait3A_174, %dma_wait3A_178] : memref<4x128xi32, #tpu.memory_space<vmem>> -> memref<1x128xi32, #tpu.memory_space<vmem>>
    %dma_wait3A_180 = tpu.memref_squeeze %dma_wait3A_179 : memref<1x128xi32, #tpu.memory_space<vmem>> -> memref<128xi32, #tpu.memory_space<vmem>>
    %dma_wait3A_181 = arith.constant 0 : i32
    %dma_wait3A_182 = arith.constant 0 : i32
    %dma_wait3A_183 = tpu.memref_slice %arg5[%dma_wait3A_181, %dma_wait3A_182] : memref<1000000x32xi32, #tpu.memory_space<hbm>> -> memref<1000000x32xi32, #tpu.memory_space<hbm>>
    tpu.wait_indirect_dma semaphore(%arg12 : memref<!tpu.dma_semaphore, #tpu.memory_space<semaphore_mem>>) src(%dma_wait3A_183 : memref<1000000x32xi32, #tpu.memory_space<hbm>>) dst(%dma_wait3A_177 : memref<128x32xi32, #tpu.memory_space<vmem>>)
    %iota3A = tpu.iota {dimensions = array<i32: 0>} : vector<16xi32>
    %scan3A = arith.constant 0 : i32
    %scan3A_184 = arith.constant 0 : i32
    %scan3A_185 = arith.constant 32 : i32
    %scan3A_186 = arith.addi %scan3A_184, %scan3A_185 : i32
    %scan3A_187 = arith.constant 1 : i32
    scf.for %scan3A_189 = %scan3A_184 to %scan3A_186 step %scan3A_187  : i32 {
      %mul3A_190 = arith.constant 16 : i32
      %mul3A_191 = arith.muli %scan3A_189, %mul3A_190 : i32
      %add3A_192 = vector.broadcast %mul3A_191 : i32 to vector<16xi32>
      %add3A_193 = arith.addi %add3A_192, %iota3A : vector<16xi32>
      %broadcast_in_dim3A = arith.constant 0.000000e+00 : f32
      %broadcast_in_dim3A_194 = vector.broadcast %broadcast_in_dim3A : f32 to vector<16xf32>
      %broadcast_in_dim3A_195 = arith.constant 0.000000e+00 : f32
      %broadcast_in_dim3A_196 = vector.broadcast %broadcast_in_dim3A_195 : f32 to vector<16xf32>
      %add3A_197 = arith.constant 0 : i32
      %add3A_198 = vector.broadcast %add3A_197 : i32 to vector<16xi32>
      %add3A_199 = arith.addi %iota3A, %add3A_198 : vector<16xi32>
      %and3A = arith.constant 31 : i32
      %and3A_200 = vector.broadcast %and3A : i32 to vector<16xi32>
      %and3A_201 = arith.andi %add3A_199, %and3A_200 : vector<16xi32>
      %gather3A = tpu.vector_load_idx %arg9[%add3A_193, %and3A_201] : memref<512x32xi32, #tpu.memory_space<vmem>>[vector<16xi32>, vector<16xi32>], vector<16xi32>,
      %gather3A_202 = tpu.vector_load_idx %arg10[%add3A_193, %and3A_201] : memref<512x32xi32, #tpu.memory_space<vmem>>[vector<16xi32>, vector<16xi32>], vector<16xi32>,
      %shift_left3A = arith.constant 16 : i32
      %shift_left3A_203 = vector.broadcast %shift_left3A : i32 to vector<16xi32>
      %shift_left3A_204 = arith.shli %gather3A, %shift_left3A_203 : vector<16xi32>
      %bitcast3A = vector.bitcast %shift_left3A_204 : vector<16xi32> to vector<16xf32>
      %and3A_205 = arith.constant -65536 : i32
      %and3A_206 = vector.broadcast %and3A_205 : i32 to vector<16xi32>
      %and3A_207 = arith.andi %gather3A, %and3A_206 : vector<16xi32>
      %bitcast3A_208 = vector.bitcast %and3A_207 : vector<16xi32> to vector<16xf32>
      %shift_left3A_209 = arith.constant 16 : i32
      %shift_left3A_210 = vector.broadcast %shift_left3A_209 : i32 to vector<16xi32>
      %shift_left3A_211 = arith.shli %gather3A_202, %shift_left3A_210 : vector<16xi32>
      %bitcast3A_212 = vector.bitcast %shift_left3A_211 : vector<16xi32> to vector<16xf32>
      %and3A_213 = arith.constant -65536 : i32
      %and3A_214 = vector.broadcast %and3A_213 : i32 to vector<16xi32>
      %and3A_215 = arith.andi %gather3A_202, %and3A_214 : vector<16xi32>
      %bitcast3A_216 = vector.bitcast %and3A_215 : vector<16xi32> to vector<16xf32>
      %mul3A_217 = arith.mulf %bitcast3A, %bitcast3A_212 : vector<16xf32>
      %add3A_218 = arith.addf %broadcast_in_dim3A_194, %mul3A_217 : vector<16xf32>
      %mul3A_219 = arith.mulf %bitcast3A_208, %bitcast3A_216 : vector<16xf32>
      %add3A_220 = arith.addf %broadcast_in_dim3A_196, %mul3A_219 : vector<16xf32>
      %add3A_221 = arith.constant 1 : i32
      %add3A_222 = vector.broadcast %add3A_221 : i32 to vector<16xi32>
      %add3A_223 = arith.addi %iota3A, %add3A_222 : vector<16xi32>
      %and3A_224 = arith.constant 31 : i32
      %and3A_225 = vector.broadcast %and3A_224 : i32 to vector<16xi32>
      %and3A_226 = arith.andi %add3A_223, %and3A_225 : vector<16xi32>
      %gather3A_227 = tpu.vector_load_idx %arg9[%add3A_193, %and3A_226] : memref<512x32xi32, #tpu.memory_space<vmem>>[vector<16xi32>, vector<16xi32>], vector<16xi32>,
      %gather3A_228 = tpu.vector_load_idx %arg10[%add3A_193, %and3A_226] : memref<512x32xi32, #tpu.memory_space<vmem>>[vector<16xi32>, vector<16xi32>], vector<16xi32>,
      %shift_left3A_229 = arith.constant 16 : i32
      %shift_left3A_230 = vector.broadcast %shift_left3A_229 : i32 to vector<16xi32>
      %shift_left3A_231 = arith.shli %gather3A_227, %shift_left3A_230 : vector<16xi32>
      %bitcast3A_232 = vector.bitcast %shift_left3A_231 : vector<16xi32> to vector<16xf32>
      %and3A_233 = arith.constant -65536 : i32
      %and3A_234 = vector.broadcast %and3A_233 : i32 to vector<16xi32>
      %and3A_235 = arith.andi %gather3A_227, %and3A_234 : vector<16xi32>
      %bitcast3A_236 = vector.bitcast %and3A_235 : vector<16xi32> to vector<16xf32>
      %shift_left3A_237 = arith.constant 16 : i32
      %shift_left3A_238 = vector.broadcast %shift_left3A_237 : i32 to vector<16xi32>
      %shift_left3A_239 = arith.shli %gather3A_228, %shift_left3A_238 : vector<16xi32>
      %bitcast3A_240 = vector.bitcast %shift_left3A_239 : vector<16xi32> to vector<16xf32>
      %and3A_241 = arith.constant -65536 : i32
      %and3A_242 = vector.broadcast %and3A_241 : i32 to vector<16xi32>
      %and3A_243 = arith.andi %gather3A_228, %and3A_242 : vector<16xi32>
      %bitcast3A_244 = vector.bitcast %and3A_243 : vector<16xi32> to vector<16xf32>
      %mul3A_245 = arith.mulf %bitcast3A_232, %bitcast3A_240 : vector<16xf32>
      %add3A_246 = arith.addf %add3A_218, %mul3A_245 : vector<16xf32>
      %mul3A_247 = arith.mulf %bitcast3A_236, %bitcast3A_244 : vector<16xf32>
      %add3A_248 = arith.addf %add3A_220, %mul3A_247 : vector<16xf32>
      %add3A_249 = arith.constant 2 : i32
      %add3A_250 = vector.broadcast %add3A_249 : i32 to vector<16xi32>
      %add3A_251 = arith.addi %iota3A, %add3A_250 : vector<16xi32>
      %and3A_252 = arith.constant 31 : i32
      %and3A_253 = vector.broadcast %and3A_252 : i32 to vector<16xi32>
      %and3A_254 = arith.andi %add3A_251, %and3A_253 : vector<16xi32>
      %gather3A_255 = tpu.vector_load_idx %arg9[%add3A_193, %and3A_254] : memref<512x32xi32, #tpu.memory_space<vmem>>[vector<16xi32>, vector<16xi32>], vector<16xi32>,
      %gather3A_256 = tpu.vector_load_idx %arg10[%add3A_193, %and3A_254] : memref<512x32xi32, #tpu.memory_space<vmem>>[vector<16xi32>, vector<16xi32>], vector<16xi32>,
      %shift_left3A_257 = arith.constant 16 : i32
      %shift_left3A_258 = vector.broadcast %shift_left3A_257 : i32 to vector<16xi32>
      %shift_left3A_259 = arith.shli %gather3A_255, %shift_left3A_258 : vector<16xi32>
      %bitcast3A_260 = vector.bitcast %shift_left3A_259 : vector<16xi32> to vector<16xf32>
      %and3A_261 = arith.constant -65536 : i32
      %and3A_262 = vector.broadcast %and3A_261 : i32 to vector<16xi32>
      %and3A_263 = arith.andi %gather3A_255, %and3A_262 : vector<16xi32>
      %bitcast3A_264 = vector.bitcast %and3A_263 : vector<16xi32> to vector<16xf32>
      %shift_left3A_265 = arith.constant 16 : i32
      %shift_left3A_266 = vector.broadcast %shift_left3A_265 : i32 to vector<16xi32>
      %shift_left3A_267 = arith.shli %gather3A_256, %shift_left3A_266 : vector<16xi32>
      %bitcast3A_268 = vector.bitcast %shift_left3A_267 : vector<16xi32> to vector<16xf32>
      %and3A_269 = arith.constant -65536 : i32
      %and3A_270 = vector.broadcast %and3A_269 : i32 to vector<16xi32>
      %and3A_271 = arith.andi %gather3A_256, %and3A_270 : vector<16xi32>
      %bitcast3A_272 = vector.bitcast %and3A_271 : vector<16xi32> to vector<16xf32>
      %mul3A_273 = arith.mulf %bitcast3A_260, %bitcast3A_268 : vector<16xf32>
      %add3A_274 = arith.addf %add3A_246, %mul3A_273 : vector<16xf32>
      %mul3A_275 = arith.mulf %bitcast3A_264, %bitcast3A_272 : vector<16xf32>
      %add3A_276 = arith.addf %add3A_248, %mul3A_275 : vector<16xf32>
      %add3A_277 = arith.constant 3 : i32
      %add3A_278 = vector.broadcast %add3A_277 : i32 to vector<16xi32>
      %add3A_279 = arith.addi %iota3A, %add3A_278 : vector<16xi32>
      %and3A_280 = arith.constant 31 : i32
      %and3A_281 = vector.broadcast %and3A_280 : i32 to vector<16xi32>
      %and3A_282 = arith.andi %add3A_279, %and3A_281 : vector<16xi32>
      %gather3A_283 = tpu.vector_load_idx %arg9[%add3A_193, %and3A_282] : memref<512x32xi32, #tpu.memory_space<vmem>>[vector<16xi32>, vector<16xi32>], vector<16xi32>,
      %gather3A_284 = tpu.vector_load_idx %arg10[%add3A_193, %and3A_282] : memref<512x32xi32, #tpu.memory_space<vmem>>[vector<16xi32>, vector<16xi32>], vector<16xi32>,
      %shift_left3A_285 = arith.constant 16 : i32
      %shift_left3A_286 = vector.broadcast %shift_left3A_285 : i32 to vector<16xi32>
      %shift_left3A_287 = arith.shli %gather3A_283, %shift_left3A_286 : vector<16xi32>
      %bitcast3A_288 = vector.bitcast %shift_left3A_287 : vector<16xi32> to vector<16xf32>
      %and3A_289 = arith.constant -65536 : i32
      %and3A_290 = vector.broadcast %and3A_289 : i32 to vector<16xi32>
      %and3A_291 = arith.andi %gather3A_283, %and3A_290 : vector<16xi32>
      %bitcast3A_292 = vector.bitcast %and3A_291 : vector<16xi32> to vector<16xf32>
      %shift_left3A_293 = arith.constant 16 : i32
      %shift_left3A_294 = vector.broadcast %shift_left3A_293 : i32 to vector<16xi32>
      %shift_left3A_295 = arith.shli %gather3A_284, %shift_left3A_294 : vector<16xi32>
      %bitcast3A_296 = vector.bitcast %shift_left3A_295 : vector<16xi32> to vector<16xf32>
      %and3A_297 = arith.constant -65536 : i32
      %and3A_298 = vector.broadcast %and3A_297 : i32 to vector<16xi32>
      %and3A_299 = arith.andi %gather3A_284, %and3A_298 : vector<16xi32>
      %bitcast3A_300 = vector.bitcast %and3A_299 : vector<16xi32> to vector<16xf32>
      %mul3A_301 = arith.mulf %bitcast3A_288, %bitcast3A_296 : vector<16xf32>
      %add3A_302 = arith.addf %add3A_274, %mul3A_301 : vector<16xf32>
      %mul3A_303 = arith.mulf %bitcast3A_292, %bitcast3A_300 : vector<16xf32>
      %add3A_304 = arith.addf %add3A_276, %mul3A_303 : vector<16xf32>
      %add3A_305 = arith.constant 4 : i32
      %add3A_306 = vector.broadcast %add3A_305 : i32 to vector<16xi32>
      %add3A_307 = arith.addi %iota3A, %add3A_306 : vector<16xi32>
      %and3A_308 = arith.constant 31 : i32
      %and3A_309 = vector.broadcast %and3A_308 : i32 to vector<16xi32>
      %and3A_310 = arith.andi %add3A_307, %and3A_309 : vector<16xi32>
      %gather3A_311 = tpu.vector_load_idx %arg9[%add3A_193, %and3A_310] : memref<512x32xi32, #tpu.memory_space<vmem>>[vector<16xi32>, vector<16xi32>], vector<16xi32>,
      %gather3A_312 = tpu.vector_load_idx %arg10[%add3A_193, %and3A_310] : memref<512x32xi32, #tpu.memory_space<vmem>>[vector<16xi32>, vector<16xi32>], vector<16xi32>,
      %shift_left3A_313 = arith.constant 16 : i32
      %shift_left3A_314 = vector.broadcast %shift_left3A_313 : i32 to vector<16xi32>
      %shift_left3A_315 = arith.shli %gather3A_311, %shift_left3A_314 : vector<16xi32>
      %bitcast3A_316 = vector.bitcast %shift_left3A_315 : vector<16xi32> to vector<16xf32>
      %and3A_317 = arith.constant -65536 : i32
      %and3A_318 = vector.broadcast %and3A_317 : i32 to vector<16xi32>
      %and3A_319 = arith.andi %gather3A_311, %and3A_318 : vector<16xi32>
      %bitcast3A_320 = vector.bitcast %and3A_319 : vector<16xi32> to vector<16xf32>
      %shift_left3A_321 = arith.constant 16 : i32
      %shift_left3A_322 = vector.broadcast %shift_left3A_321 : i32 to vector<16xi32>
      %shift_left3A_323 = arith.shli %gather3A_312, %shift_left3A_322 : vector<16xi32>
      %bitcast3A_324 = vector.bitcast %shift_left3A_323 : vector<16xi32> to vector<16xf32>
      %and3A_325 = arith.constant -65536 : i32
      %and3A_326 = vector.broadcast %and3A_325 : i32 to vector<16xi32>
      %and3A_327 = arith.andi %gather3A_312, %and3A_326 : vector<16xi32>
      %bitcast3A_328 = vector.bitcast %and3A_327 : vector<16xi32> to vector<16xf32>
      %mul3A_329 = arith.mulf %bitcast3A_316, %bitcast3A_324 : vector<16xf32>
      %add3A_330 = arith.addf %add3A_302, %mul3A_329 : vector<16xf32>
      %mul3A_331 = arith.mulf %bitcast3A_320, %bitcast3A_328 : vector<16xf32>
      %add3A_332 = arith.addf %add3A_304, %mul3A_331 : vector<16xf32>
      %add3A_333 = arith.constant 5 : i32
      %add3A_334 = vector.broadcast %add3A_333 : i32 to vector<16xi32>
      %add3A_335 = arith.addi %iota3A, %add3A_334 : vector<16xi32>
      %and3A_336 = arith.constant 31 : i32
      %and3A_337 = vector.broadcast %and3A_336 : i32 to vector<16xi32>
      %and3A_338 = arith.andi %add3A_335, %and3A_337 : vector<16xi32>
      %gather3A_339 = tpu.vector_load_idx %arg9[%add3A_193, %and3A_338] : memref<512x32xi32, #tpu.memory_space<vmem>>[vector<16xi32>, vector<16xi32>], vector<16xi32>,
      %gather3A_340 = tpu.vector_load_idx %arg10[%add3A_193, %and3A_338] : memref<512x32xi32, #tpu.memory_space<vmem>>[vector<16xi32>, vector<16xi32>], vector<16xi32>,
      %shift_left3A_341 = arith.constant 16 : i32
      %shift_left3A_342 = vector.broadcast %shift_left3A_341 : i32 to vector<16xi32>
      %shift_left3A_343 = arith.shli %gather3A_339, %shift_left3A_342 : vector<16xi32>
      %bitcast3A_344 = vector.bitcast %shift_left3A_343 : vector<16xi32> to vector<16xf32>
      %and3A_345 = arith.constant -65536 : i32
      %and3A_346 = vector.broadcast %and3A_345 : i32 to vector<16xi32>
      %and3A_347 = arith.andi %gather3A_339, %and3A_346 : vector<16xi32>
      %bitcast3A_348 = vector.bitcast %and3A_347 : vector<16xi32> to vector<16xf32>
      %shift_left3A_349 = arith.constant 16 : i32
      %shift_left3A_350 = vector.broadcast %shift_left3A_349 : i32 to vector<16xi32>
      %shift_left3A_351 = arith.shli %gather3A_340, %shift_left3A_350 : vector<16xi32>
      %bitcast3A_352 = vector.bitcast %shift_left3A_351 : vector<16xi32> to vector<16xf32>
      %and3A_353 = arith.constant -65536 : i32
      %and3A_354 = vector.broadcast %and3A_353 : i32 to vector<16xi32>
      %and3A_355 = arith.andi %gather3A_340, %and3A_354 : vector<16xi32>
      %bitcast3A_356 = vector.bitcast %and3A_355 : vector<16xi32> to vector<16xf32>
      %mul3A_357 = arith.mulf %bitcast3A_344, %bitcast3A_352 : vector<16xf32>
      %add3A_358 = arith.addf %add3A_330, %mul3A_357 : vector<16xf32>
      %mul3A_359 = arith.mulf %bitcast3A_348, %bitcast3A_356 : vector<16xf32>
      %add3A_360 = arith.addf %add3A_332, %mul3A_359 : vector<16xf32>
      %add3A_361 = arith.constant 6 : i32
      %add3A_362 = vector.broadcast %add3A_361 : i32 to vector<16xi32>
      %add3A_363 = arith.addi %iota3A, %add3A_362 : vector<16xi32>
      %and3A_364 = arith.constant 31 : i32
      %and3A_365 = vector.broadcast %and3A_364 : i32 to vector<16xi32>
      %and3A_366 = arith.andi %add3A_363, %and3A_365 : vector<16xi32>
      %gather3A_367 = tpu.vector_load_idx %arg9[%add3A_193, %and3A_366] : memref<512x32xi32, #tpu.memory_space<vmem>>[vector<16xi32>, vector<16xi32>], vector<16xi32>,
      %gather3A_368 = tpu.vector_load_idx %arg10[%add3A_193, %and3A_366] : memref<512x32xi32, #tpu.memory_space<vmem>>[vector<16xi32>, vector<16xi32>], vector<16xi32>,
      %shift_left3A_369 = arith.constant 16 : i32
      %shift_left3A_370 = vector.broadcast %shift_left3A_369 : i32 to vector<16xi32>
      %shift_left3A_371 = arith.shli %gather3A_367, %shift_left3A_370 : vector<16xi32>
      %bitcast3A_372 = vector.bitcast %shift_left3A_371 : vector<16xi32> to vector<16xf32>
      %and3A_373 = arith.constant -65536 : i32
      %and3A_374 = vector.broadcast %and3A_373 : i32 to vector<16xi32>
      %and3A_375 = arith.andi %gather3A_367, %and3A_374 : vector<16xi32>
      %bitcast3A_376 = vector.bitcast %and3A_375 : vector<16xi32> to vector<16xf32>
      %shift_left3A_377 = arith.constant 16 : i32
      %shift_left3A_378 = vector.broadcast %shift_left3A_377 : i32 to vector<16xi32>
      %shift_left3A_379 = arith.shli %gather3A_368, %shift_left3A_378 : vector<16xi32>
      %bitcast3A_380 = vector.bitcast %shift_left3A_379 : vector<16xi32> to vector<16xf32>
      %and3A_381 = arith.constant -65536 : i32
      %and3A_382 = vector.broadcast %and3A_381 : i32 to vector<16xi32>
      %and3A_383 = arith.andi %gather3A_368, %and3A_382 : vector<16xi32>
      %bitcast3A_384 = vector.bitcast %and3A_383 : vector<16xi32> to vector<16xf32>
      %mul3A_385 = arith.mulf %bitcast3A_372, %bitcast3A_380 : vector<16xf32>
      %add3A_386 = arith.addf %add3A_358, %mul3A_385 : vector<16xf32>
      %mul3A_387 = arith.mulf %bitcast3A_376, %bitcast3A_384 : vector<16xf32>
      %add3A_388 = arith.addf %add3A_360, %mul3A_387 : vector<16xf32>
      %add3A_389 = arith.constant 7 : i32
      %add3A_390 = vector.broadcast %add3A_389 : i32 to vector<16xi32>
      %add3A_391 = arith.addi %iota3A, %add3A_390 : vector<16xi32>
      %and3A_392 = arith.constant 31 : i32
      %and3A_393 = vector.broadcast %and3A_392 : i32 to vector<16xi32>
      %and3A_394 = arith.andi %add3A_391, %and3A_393 : vector<16xi32>
      %gather3A_395 = tpu.vector_load_idx %arg9[%add3A_193, %and3A_394] : memref<512x32xi32, #tpu.memory_space<vmem>>[vector<16xi32>, vector<16xi32>], vector<16xi32>,
      %gather3A_396 = tpu.vector_load_idx %arg10[%add3A_193, %and3A_394] : memref<512x32xi32, #tpu.memory_space<vmem>>[vector<16xi32>, vector<16xi32>], vector<16xi32>,
      %shift_left3A_397 = arith.constant 16 : i32
      %shift_left3A_398 = vector.broadcast %shift_left3A_397 : i32 to vector<16xi32>
      %shift_left3A_399 = arith.shli %gather3A_395, %shift_left3A_398 : vector<16xi32>
      %bitcast3A_400 = vector.bitcast %shift_left3A_399 : vector<16xi32> to vector<16xf32>
      %and3A_401 = arith.constant -65536 : i32
      %and3A_402 = vector.broadcast %and3A_401 : i32 to vector<16xi32>
      %and3A_403 = arith.andi %gather3A_395, %and3A_402 : vector<16xi32>
      %bitcast3A_404 = vector.bitcast %and3A_403 : vector<16xi32> to vector<16xf32>
      %shift_left3A_405 = arith.constant 16 : i32
      %shift_left3A_406 = vector.broadcast %shift_left3A_405 : i32 to vector<16xi32>
      %shift_left3A_407 = arith.shli %gather3A_396, %shift_left3A_406 : vector<16xi32>
      %bitcast3A_408 = vector.bitcast %shift_left3A_407 : vector<16xi32> to vector<16xf32>
      %and3A_409 = arith.constant -65536 : i32
      %and3A_410 = vector.broadcast %and3A_409 : i32 to vector<16xi32>
      %and3A_411 = arith.andi %gather3A_396, %and3A_410 : vector<16xi32>
      %bitcast3A_412 = vector.bitcast %and3A_411 : vector<16xi32> to vector<16xf32>
      %mul3A_413 = arith.mulf %bitcast3A_400, %bitcast3A_408 : vector<16xf32>
      %add3A_414 = arith.addf %add3A_386, %mul3A_413 : vector<16xf32>
      %mul3A_415 = arith.mulf %bitcast3A_404, %bitcast3A_412 : vector<16xf32>
      %add3A_416 = arith.addf %add3A_388, %mul3A_415 : vector<16xf32>
      %add3A_417 = arith.constant 8 : i32
      %add3A_418 = vector.broadcast %add3A_417 : i32 to vector<16xi32>
      %add3A_419 = arith.addi %iota3A, %add3A_418 : vector<16xi32>
      %and3A_420 = arith.constant 31 : i32
      %and3A_421 = vector.broadcast %and3A_420 : i32 to vector<16xi32>
      %and3A_422 = arith.andi %add3A_419, %and3A_421 : vector<16xi32>
      %gather3A_423 = tpu.vector_load_idx %arg9[%add3A_193, %and3A_422] : memref<512x32xi32, #tpu.memory_space<vmem>>[vector<16xi32>, vector<16xi32>], vector<16xi32>,
      %gather3A_424 = tpu.vector_load_idx %arg10[%add3A_193, %and3A_422] : memref<512x32xi32, #tpu.memory_space<vmem>>[vector<16xi32>, vector<16xi32>], vector<16xi32>,
      %shift_left3A_425 = arith.constant 16 : i32
      %shift_left3A_426 = vector.broadcast %shift_left3A_425 : i32 to vector<16xi32>
      %shift_left3A_427 = arith.shli %gather3A_423, %shift_left3A_426 : vector<16xi32>
      %bitcast3A_428 = vector.bitcast %shift_left3A_427 : vector<16xi32> to vector<16xf32>
      %and3A_429 = arith.constant -65536 : i32
      %and3A_430 = vector.broadcast %and3A_429 : i32 to vector<16xi32>
      %and3A_431 = arith.andi %gather3A_423, %and3A_430 : vector<16xi32>
      %bitcast3A_432 = vector.bitcast %and3A_431 : vector<16xi32> to vector<16xf32>
      %shift_left3A_433 = arith.constant 16 : i32
      %shift_left3A_434 = vector.broadcast %shift_left3A_433 : i32 to vector<16xi32>
      %shift_left3A_435 = arith.shli %gather3A_424, %shift_left3A_434 : vector<16xi32>
      %bitcast3A_436 = vector.bitcast %shift_left3A_435 : vector<16xi32> to vector<16xf32>
      %and3A_437 = arith.constant -65536 : i32
      %and3A_438 = vector.broadcast %and3A_437 : i32 to vector<16xi32>
      %and3A_439 = arith.andi %gather3A_424, %and3A_438 : vector<16xi32>
      %bitcast3A_440 = vector.bitcast %and3A_439 : vector<16xi32> to vector<16xf32>
      %mul3A_441 = arith.mulf %bitcast3A_428, %bitcast3A_436 : vector<16xf32>
      %add3A_442 = arith.addf %add3A_414, %mul3A_441 : vector<16xf32>
      %mul3A_443 = arith.mulf %bitcast3A_432, %bitcast3A_440 : vector<16xf32>
      %add3A_444 = arith.addf %add3A_416, %mul3A_443 : vector<16xf32>
      %add3A_445 = arith.constant 9 : i32
      %add3A_446 = vector.broadcast %add3A_445 : i32 to vector<16xi32>
      %add3A_447 = arith.addi %iota3A, %add3A_446 : vector<16xi32>
      %and3A_448 = arith.constant 31 : i32
      %and3A_449 = vector.broadcast %and3A_448 : i32 to vector<16xi32>
      %and3A_450 = arith.andi %add3A_447, %and3A_449 : vector<16xi32>
      %gather3A_451 = tpu.vector_load_idx %arg9[%add3A_193, %and3A_450] : memref<512x32xi32, #tpu.memory_space<vmem>>[vector<16xi32>, vector<16xi32>], vector<16xi32>,
      %gather3A_452 = tpu.vector_load_idx %arg10[%add3A_193, %and3A_450] : memref<512x32xi32, #tpu.memory_space<vmem>>[vector<16xi32>, vector<16xi32>], vector<16xi32>,
      %shift_left3A_453 = arith.constant 16 : i32
      %shift_left3A_454 = vector.broadcast %shift_left3A_453 : i32 to vector<16xi32>
      %shift_left3A_455 = arith.shli %gather3A_451, %shift_left3A_454 : vector<16xi32>
      %bitcast3A_456 = vector.bitcast %shift_left3A_455 : vector<16xi32> to vector<16xf32>
      %and3A_457 = arith.constant -65536 : i32
      %and3A_458 = vector.broadcast %and3A_457 : i32 to vector<16xi32>
      %and3A_459 = arith.andi %gather3A_451, %and3A_458 : vector<16xi32>
      %bitcast3A_460 = vector.bitcast %and3A_459 : vector<16xi32> to vector<16xf32>
      %shift_left3A_461 = arith.constant 16 : i32
      %shift_left3A_462 = vector.broadcast %shift_left3A_461 : i32 to vector<16xi32>
      %shift_left3A_463 = arith.shli %gather3A_452, %shift_left3A_462 : vector<16xi32>
      %bitcast3A_464 = vector.bitcast %shift_left3A_463 : vector<16xi32> to vector<16xf32>
      %and3A_465 = arith.constant -65536 : i32
      %and3A_466 = vector.broadcast %and3A_465 : i32 to vector<16xi32>
      %and3A_467 = arith.andi %gather3A_452, %and3A_466 : vector<16xi32>
      %bitcast3A_468 = vector.bitcast %and3A_467 : vector<16xi32> to vector<16xf32>
      %mul3A_469 = arith.mulf %bitcast3A_456, %bitcast3A_464 : vector<16xf32>
      %add3A_470 = arith.addf %add3A_442, %mul3A_469 : vector<16xf32>
      %mul3A_471 = arith.mulf %bitcast3A_460, %bitcast3A_468 : vector<16xf32>
      %add3A_472 = arith.addf %add3A_444, %mul3A_471 : vector<16xf32>
      %add3A_473 = arith.constant 10 : i32
      %add3A_474 = vector.broadcast %add3A_473 : i32 to vector<16xi32>
      %add3A_475 = arith.addi %iota3A, %add3A_474 : vector<16xi32>
      %and3A_476 = arith.constant 31 : i32
      %and3A_477 = vector.broadcast %and3A_476 : i32 to vector<16xi32>
      %and3A_478 = arith.andi %add3A_475, %and3A_477 : vector<16xi32>
      %gather3A_479 = tpu.vector_load_idx %arg9[%add3A_193, %and3A_478] : memref<512x32xi32, #tpu.memory_space<vmem>>[vector<16xi32>, vector<16xi32>], vector<16xi32>,
      %gather3A_480 = tpu.vector_load_idx %arg10[%add3A_193, %and3A_478] : memref<512x32xi32, #tpu.memory_space<vmem>>[vector<16xi32>, vector<16xi32>], vector<16xi32>,
      %shift_left3A_481 = arith.constant 16 : i32
      %shift_left3A_482 = vector.broadcast %shift_left3A_481 : i32 to vector<16xi32>
      %shift_left3A_483 = arith.shli %gather3A_479, %shift_left3A_482 : vector<16xi32>
      %bitcast3A_484 = vector.bitcast %shift_left3A_483 : vector<16xi32> to vector<16xf32>
      %and3A_485 = arith.constant -65536 : i32
      %and3A_486 = vector.broadcast %and3A_485 : i32 to vector<16xi32>
      %and3A_487 = arith.andi %gather3A_479, %and3A_486 : vector<16xi32>
      %bitcast3A_488 = vector.bitcast %and3A_487 : vector<16xi32> to vector<16xf32>
      %shift_left3A_489 = arith.constant 16 : i32
      %shift_left3A_490 = vector.broadcast %shift_left3A_489 : i32 to vector<16xi32>
      %shift_left3A_491 = arith.shli %gather3A_480, %shift_left3A_490 : vector<16xi32>
      %bitcast3A_492 = vector.bitcast %shift_left3A_491 : vector<16xi32> to vector<16xf32>
      %and3A_493 = arith.constant -65536 : i32
      %and3A_494 = vector.broadcast %and3A_493 : i32 to vector<16xi32>
      %and3A_495 = arith.andi %gather3A_480, %and3A_494 : vector<16xi32>
      %bitcast3A_496 = vector.bitcast %and3A_495 : vector<16xi32> to vector<16xf32>
      %mul3A_497 = arith.mulf %bitcast3A_484, %bitcast3A_492 : vector<16xf32>
      %add3A_498 = arith.addf %add3A_470, %mul3A_497 : vector<16xf32>
      %mul3A_499 = arith.mulf %bitcast3A_488, %bitcast3A_496 : vector<16xf32>
      %add3A_500 = arith.addf %add3A_472, %mul3A_499 : vector<16xf32>
      %add3A_501 = arith.constant 11 : i32
      %add3A_502 = vector.broadcast %add3A_501 : i32 to vector<16xi32>
      %add3A_503 = arith.addi %iota3A, %add3A_502 : vector<16xi32>
      %and3A_504 = arith.constant 31 : i32
      %and3A_505 = vector.broadcast %and3A_504 : i32 to vector<16xi32>
      %and3A_506 = arith.andi %add3A_503, %and3A_505 : vector<16xi32>
      %gather3A_507 = tpu.vector_load_idx %arg9[%add3A_193, %and3A_506] : memref<512x32xi32, #tpu.memory_space<vmem>>[vector<16xi32>, vector<16xi32>], vector<16xi32>,
      %gather3A_508 = tpu.vector_load_idx %arg10[%add3A_193, %and3A_506] : memref<512x32xi32, #tpu.memory_space<vmem>>[vector<16xi32>, vector<16xi32>], vector<16xi32>,
      %shift_left3A_509 = arith.constant 16 : i32
      %shift_left3A_510 = vector.broadcast %shift_left3A_509 : i32 to vector<16xi32>
      %shift_left3A_511 = arith.shli %gather3A_507, %shift_left3A_510 : vector<16xi32>
      %bitcast3A_512 = vector.bitcast %shift_left3A_511 : vector<16xi32> to vector<16xf32>
      %and3A_513 = arith.constant -65536 : i32
      %and3A_514 = vector.broadcast %and3A_513 : i32 to vector<16xi32>
      %and3A_515 = arith.andi %gather3A_507, %and3A_514 : vector<16xi32>
      %bitcast3A_516 = vector.bitcast %and3A_515 : vector<16xi32> to vector<16xf32>
      %shift_left3A_517 = arith.constant 16 : i32
      %shift_left3A_518 = vector.broadcast %shift_left3A_517 : i32 to vector<16xi32>
      %shift_left3A_519 = arith.shli %gather3A_508, %shift_left3A_518 : vector<16xi32>
      %bitcast3A_520 = vector.bitcast %shift_left3A_519 : vector<16xi32> to vector<16xf32>
      %and3A_521 = arith.constant -65536 : i32
      %and3A_522 = vector.broadcast %and3A_521 : i32 to vector<16xi32>
      %and3A_523 = arith.andi %gather3A_508, %and3A_522 : vector<16xi32>
      %bitcast3A_524 = vector.bitcast %and3A_523 : vector<16xi32> to vector<16xf32>
      %mul3A_525 = arith.mulf %bitcast3A_512, %bitcast3A_520 : vector<16xf32>
      %add3A_526 = arith.addf %add3A_498, %mul3A_525 : vector<16xf32>
      %mul3A_527 = arith.mulf %bitcast3A_516, %bitcast3A_524 : vector<16xf32>
      %add3A_528 = arith.addf %add3A_500, %mul3A_527 : vector<16xf32>
      %add3A_529 = arith.constant 12 : i32
      %add3A_530 = vector.broadcast %add3A_529 : i32 to vector<16xi32>
      %add3A_531 = arith.addi %iota3A, %add3A_530 : vector<16xi32>
      %and3A_532 = arith.constant 31 : i32
      %and3A_533 = vector.broadcast %and3A_532 : i32 to vector<16xi32>
      %and3A_534 = arith.andi %add3A_531, %and3A_533 : vector<16xi32>
      %gather3A_535 = tpu.vector_load_idx %arg9[%add3A_193, %and3A_534] : memref<512x32xi32, #tpu.memory_space<vmem>>[vector<16xi32>, vector<16xi32>], vector<16xi32>,
      %gather3A_536 = tpu.vector_load_idx %arg10[%add3A_193, %and3A_534] : memref<512x32xi32, #tpu.memory_space<vmem>>[vector<16xi32>, vector<16xi32>], vector<16xi32>,
      %shift_left3A_537 = arith.constant 16 : i32
      %shift_left3A_538 = vector.broadcast %shift_left3A_537 : i32 to vector<16xi32>
      %shift_left3A_539 = arith.shli %gather3A_535, %shift_left3A_538 : vector<16xi32>
      %bitcast3A_540 = vector.bitcast %shift_left3A_539 : vector<16xi32> to vector<16xf32>
      %and3A_541 = arith.constant -65536 : i32
      %and3A_542 = vector.broadcast %and3A_541 : i32 to vector<16xi32>
      %and3A_543 = arith.andi %gather3A_535, %and3A_542 : vector<16xi32>
      %bitcast3A_544 = vector.bitcast %and3A_543 : vector<16xi32> to vector<16xf32>
      %shift_left3A_545 = arith.constant 16 : i32
      %shift_left3A_546 = vector.broadcast %shift_left3A_545 : i32 to vector<16xi32>
      %shift_left3A_547 = arith.shli %gather3A_536, %shift_left3A_546 : vector<16xi32>
      %bitcast3A_548 = vector.bitcast %shift_left3A_547 : vector<16xi32> to vector<16xf32>
      %and3A_549 = arith.constant -65536 : i32
      %and3A_550 = vector.broadcast %and3A_549 : i32 to vector<16xi32>
      %and3A_551 = arith.andi %gather3A_536, %and3A_550 : vector<16xi32>
      %bitcast3A_552 = vector.bitcast %and3A_551 : vector<16xi32> to vector<16xf32>
      %mul3A_553 = arith.mulf %bitcast3A_540, %bitcast3A_548 : vector<16xf32>
      %add3A_554 = arith.addf %add3A_526, %mul3A_553 : vector<16xf32>
      %mul3A_555 = arith.mulf %bitcast3A_544, %bitcast3A_552 : vector<16xf32>
      %add3A_556 = arith.addf %add3A_528, %mul3A_555 : vector<16xf32>
      %add3A_557 = arith.constant 13 : i32
      %add3A_558 = vector.broadcast %add3A_557 : i32 to vector<16xi32>
      %add3A_559 = arith.addi %iota3A, %add3A_558 : vector<16xi32>
      %and3A_560 = arith.constant 31 : i32
      %and3A_561 = vector.broadcast %and3A_560 : i32 to vector<16xi32>
      %and3A_562 = arith.andi %add3A_559, %and3A_561 : vector<16xi32>
      %gather3A_563 = tpu.vector_load_idx %arg9[%add3A_193, %and3A_562] : memref<512x32xi32, #tpu.memory_space<vmem>>[vector<16xi32>, vector<16xi32>], vector<16xi32>,
      %gather3A_564 = tpu.vector_load_idx %arg10[%add3A_193, %and3A_562] : memref<512x32xi32, #tpu.memory_space<vmem>>[vector<16xi32>, vector<16xi32>], vector<16xi32>,
      %shift_left3A_565 = arith.constant 16 : i32
      %shift_left3A_566 = vector.broadcast %shift_left3A_565 : i32 to vector<16xi32>
      %shift_left3A_567 = arith.shli %gather3A_563, %shift_left3A_566 : vector<16xi32>
      %bitcast3A_568 = vector.bitcast %shift_left3A_567 : vector<16xi32> to vector<16xf32>
      %and3A_569 = arith.constant -65536 : i32
      %and3A_570 = vector.broadcast %and3A_569 : i32 to vector<16xi32>
      %and3A_571 = arith.andi %gather3A_563, %and3A_570 : vector<16xi32>
      %bitcast3A_572 = vector.bitcast %and3A_571 : vector<16xi32> to vector<16xf32>
      %shift_left3A_573 = arith.constant 16 : i32
      %shift_left3A_574 = vector.broadcast %shift_left3A_573 : i32 to vector<16xi32>
      %shift_left3A_575 = arith.shli %gather3A_564, %shift_left3A_574 : vector<16xi32>
      %bitcast3A_576 = vector.bitcast %shift_left3A_575 : vector<16xi32> to vector<16xf32>
      %and3A_577 = arith.constant -65536 : i32
      %and3A_578 = vector.broadcast %and3A_577 : i32 to vector<16xi32>
      %and3A_579 = arith.andi %gather3A_564, %and3A_578 : vector<16xi32>
      %bitcast3A_580 = vector.bitcast %and3A_579 : vector<16xi32> to vector<16xf32>
      %mul3A_581 = arith.mulf %bitcast3A_568, %bitcast3A_576 : vector<16xf32>
      %add3A_582 = arith.addf %add3A_554, %mul3A_581 : vector<16xf32>
      %mul3A_583 = arith.mulf %bitcast3A_572, %bitcast3A_580 : vector<16xf32>
      %add3A_584 = arith.addf %add3A_556, %mul3A_583 : vector<16xf32>
      %add3A_585 = arith.constant 14 : i32
      %add3A_586 = vector.broadcast %add3A_585 : i32 to vector<16xi32>
      %add3A_587 = arith.addi %iota3A, %add3A_586 : vector<16xi32>
      %and3A_588 = arith.constant 31 : i32
      %and3A_589 = vector.broadcast %and3A_588 : i32 to vector<16xi32>
      %and3A_590 = arith.andi %add3A_587, %and3A_589 : vector<16xi32>
      %gather3A_591 = tpu.vector_load_idx %arg9[%add3A_193, %and3A_590] : memref<512x32xi32, #tpu.memory_space<vmem>>[vector<16xi32>, vector<16xi32>], vector<16xi32>,
      %gather3A_592 = tpu.vector_load_idx %arg10[%add3A_193, %and3A_590] : memref<512x32xi32, #tpu.memory_space<vmem>>[vector<16xi32>, vector<16xi32>], vector<16xi32>,
      %shift_left3A_593 = arith.constant 16 : i32
      %shift_left3A_594 = vector.broadcast %shift_left3A_593 : i32 to vector<16xi32>
      %shift_left3A_595 = arith.shli %gather3A_591, %shift_left3A_594 : vector<16xi32>
      %bitcast3A_596 = vector.bitcast %shift_left3A_595 : vector<16xi32> to vector<16xf32>
      %and3A_597 = arith.constant -65536 : i32
      %and3A_598 = vector.broadcast %and3A_597 : i32 to vector<16xi32>
      %and3A_599 = arith.andi %gather3A_591, %and3A_598 : vector<16xi32>
      %bitcast3A_600 = vector.bitcast %and3A_599 : vector<16xi32> to vector<16xf32>
      %shift_left3A_601 = arith.constant 16 : i32
      %shift_left3A_602 = vector.broadcast %shift_left3A_601 : i32 to vector<16xi32>
      %shift_left3A_603 = arith.shli %gather3A_592, %shift_left3A_602 : vector<16xi32>
      %bitcast3A_604 = vector.bitcast %shift_left3A_603 : vector<16xi32> to vector<16xf32>
      %and3A_605 = arith.constant -65536 : i32
      %and3A_606 = vector.broadcast %and3A_605 : i32 to vector<16xi32>
      %and3A_607 = arith.andi %gather3A_592, %and3A_606 : vector<16xi32>
      %bitcast3A_608 = vector.bitcast %and3A_607 : vector<16xi32> to vector<16xf32>
      %mul3A_609 = arith.mulf %bitcast3A_596, %bitcast3A_604 : vector<16xf32>
      %add3A_610 = arith.addf %add3A_582, %mul3A_609 : vector<16xf32>
      %mul3A_611 = arith.mulf %bitcast3A_600, %bitcast3A_608 : vector<16xf32>
      %add3A_612 = arith.addf %add3A_584, %mul3A_611 : vector<16xf32>
      %add3A_613 = arith.constant 15 : i32
      %add3A_614 = vector.broadcast %add3A_613 : i32 to vector<16xi32>
      %add3A_615 = arith.addi %iota3A, %add3A_614 : vector<16xi32>
      %and3A_616 = arith.constant 31 : i32
      %and3A_617 = vector.broadcast %and3A_616 : i32 to vector<16xi32>
      %and3A_618 = arith.andi %add3A_615, %and3A_617 : vector<16xi32>
      %gather3A_619 = tpu.vector_load_idx %arg9[%add3A_193, %and3A_618] : memref<512x32xi32, #tpu.memory_space<vmem>>[vector<16xi32>, vector<16xi32>], vector<16xi32>,
      %gather3A_620 = tpu.vector_load_idx %arg10[%add3A_193, %and3A_618] : memref<512x32xi32, #tpu.memory_space<vmem>>[vector<16xi32>, vector<16xi32>], vector<16xi32>,
      %shift_left3A_621 = arith.constant 16 : i32
      %shift_left3A_622 = vector.broadcast %shift_left3A_621 : i32 to vector<16xi32>
      %shift_left3A_623 = arith.shli %gather3A_619, %shift_left3A_622 : vector<16xi32>
      %bitcast3A_624 = vector.bitcast %shift_left3A_623 : vector<16xi32> to vector<16xf32>
      %and3A_625 = arith.constant -65536 : i32
      %and3A_626 = vector.broadcast %and3A_625 : i32 to vector<16xi32>
      %and3A_627 = arith.andi %gather3A_619, %and3A_626 : vector<16xi32>
      %bitcast3A_628 = vector.bitcast %and3A_627 : vector<16xi32> to vector<16xf32>
      %shift_left3A_629 = arith.constant 16 : i32
      %shift_left3A_630 = vector.broadcast %shift_left3A_629 : i32 to vector<16xi32>
      %shift_left3A_631 = arith.shli %gather3A_620, %shift_left3A_630 : vector<16xi32>
      %bitcast3A_632 = vector.bitcast %shift_left3A_631 : vector<16xi32> to vector<16xf32>
      %and3A_633 = arith.constant -65536 : i32
      %and3A_634 = vector.broadcast %and3A_633 : i32 to vector<16xi32>
      %and3A_635 = arith.andi %gather3A_620, %and3A_634 : vector<16xi32>
      %bitcast3A_636 = vector.bitcast %and3A_635 : vector<16xi32> to vector<16xf32>
      %mul3A_637 = arith.mulf %bitcast3A_624, %bitcast3A_632 : vector<16xf32>
      %add3A_638 = arith.addf %add3A_610, %mul3A_637 : vector<16xf32>
      %mul3A_639 = arith.mulf %bitcast3A_628, %bitcast3A_636 : vector<16xf32>
      %add3A_640 = arith.addf %add3A_612, %mul3A_639 : vector<16xf32>
      %add3A_641 = arith.constant 16 : i32
      %add3A_642 = vector.broadcast %add3A_641 : i32 to vector<16xi32>
      %add3A_643 = arith.addi %iota3A, %add3A_642 : vector<16xi32>
      %and3A_644 = arith.constant 31 : i32
      %and3A_645 = vector.broadcast %and3A_644 : i32 to vector<16xi32>
      %and3A_646 = arith.andi %add3A_643, %and3A_645 : vector<16xi32>
      %gather3A_647 = tpu.vector_load_idx %arg9[%add3A_193, %and3A_646] : memref<512x32xi32, #tpu.memory_space<vmem>>[vector<16xi32>, vector<16xi32>], vector<16xi32>,
      %gather3A_648 = tpu.vector_load_idx %arg10[%add3A_193, %and3A_646] : memref<512x32xi32, #tpu.memory_space<vmem>>[vector<16xi32>, vector<16xi32>], vector<16xi32>,
      %shift_left3A_649 = arith.constant 16 : i32
      %shift_left3A_650 = vector.broadcast %shift_left3A_649 : i32 to vector<16xi32>
      %shift_left3A_651 = arith.shli %gather3A_647, %shift_left3A_650 : vector<16xi32>
      %bitcast3A_652 = vector.bitcast %shift_left3A_651 : vector<16xi32> to vector<16xf32>
      %and3A_653 = arith.constant -65536 : i32
      %and3A_654 = vector.broadcast %and3A_653 : i32 to vector<16xi32>
      %and3A_655 = arith.andi %gather3A_647, %and3A_654 : vector<16xi32>
      %bitcast3A_656 = vector.bitcast %and3A_655 : vector<16xi32> to vector<16xf32>
      %shift_left3A_657 = arith.constant 16 : i32
      %shift_left3A_658 = vector.broadcast %shift_left3A_657 : i32 to vector<16xi32>
      %shift_left3A_659 = arith.shli %gather3A_648, %shift_left3A_658 : vector<16xi32>
      %bitcast3A_660 = vector.bitcast %shift_left3A_659 : vector<16xi32> to vector<16xf32>
      %and3A_661 = arith.constant -65536 : i32
      %and3A_662 = vector.broadcast %and3A_661 : i32 to vector<16xi32>
      %and3A_663 = arith.andi %gather3A_648, %and3A_662 : vector<16xi32>
      %bitcast3A_664 = vector.bitcast %and3A_663 : vector<16xi32> to vector<16xf32>
      %mul3A_665 = arith.mulf %bitcast3A_652, %bitcast3A_660 : vector<16xf32>
      %add3A_666 = arith.addf %add3A_638, %mul3A_665 : vector<16xf32>
      %mul3A_667 = arith.mulf %bitcast3A_656, %bitcast3A_664 : vector<16xf32>
      %add3A_668 = arith.addf %add3A_640, %mul3A_667 : vector<16xf32>
      %add3A_669 = arith.constant 17 : i32
      %add3A_670 = vector.broadcast %add3A_669 : i32 to vector<16xi32>
      %add3A_671 = arith.addi %iota3A, %add3A_670 : vector<16xi32>
      %and3A_672 = arith.constant 31 : i32
      %and3A_673 = vector.broadcast %and3A_672 : i32 to vector<16xi32>
      %and3A_674 = arith.andi %add3A_671, %and3A_673 : vector<16xi32>
      %gather3A_675 = tpu.vector_load_idx %arg9[%add3A_193, %and3A_674] : memref<512x32xi32, #tpu.memory_space<vmem>>[vector<16xi32>, vector<16xi32>], vector<16xi32>,
      %gather3A_676 = tpu.vector_load_idx %arg10[%add3A_193, %and3A_674] : memref<512x32xi32, #tpu.memory_space<vmem>>[vector<16xi32>, vector<16xi32>], vector<16xi32>,
      %shift_left3A_677 = arith.constant 16 : i32
      %shift_left3A_678 = vector.broadcast %shift_left3A_677 : i32 to vector<16xi32>
      %shift_left3A_679 = arith.shli %gather3A_675, %shift_left3A_678 : vector<16xi32>
      %bitcast3A_680 = vector.bitcast %shift_left3A_679 : vector<16xi32> to vector<16xf32>
      %and3A_681 = arith.constant -65536 : i32
      %and3A_682 = vector.broadcast %and3A_681 : i32 to vector<16xi32>
      %and3A_683 = arith.andi %gather3A_675, %and3A_682 : vector<16xi32>
      %bitcast3A_684 = vector.bitcast %and3A_683 : vector<16xi32> to vector<16xf32>
      %shift_left3A_685 = arith.constant 16 : i32
      %shift_left3A_686 = vector.broadcast %shift_left3A_685 : i32 to vector<16xi32>
      %shift_left3A_687 = arith.shli %gather3A_676, %shift_left3A_686 : vector<16xi32>
      %bitcast3A_688 = vector.bitcast %shift_left3A_687 : vector<16xi32> to vector<16xf32>
      %and3A_689 = arith.constant -65536 : i32
      %and3A_690 = vector.broadcast %and3A_689 : i32 to vector<16xi32>
      %and3A_691 = arith.andi %gather3A_676, %and3A_690 : vector<16xi32>
      %bitcast3A_692 = vector.bitcast %and3A_691 : vector<16xi32> to vector<16xf32>
      %mul3A_693 = arith.mulf %bitcast3A_680, %bitcast3A_688 : vector<16xf32>
      %add3A_694 = arith.addf %add3A_666, %mul3A_693 : vector<16xf32>
      %mul3A_695 = arith.mulf %bitcast3A_684, %bitcast3A_692 : vector<16xf32>
      %add3A_696 = arith.addf %add3A_668, %mul3A_695 : vector<16xf32>
      %add3A_697 = arith.constant 18 : i32
      %add3A_698 = vector.broadcast %add3A_697 : i32 to vector<16xi32>
      %add3A_699 = arith.addi %iota3A, %add3A_698 : vector<16xi32>
      %and3A_700 = arith.constant 31 : i32
      %and3A_701 = vector.broadcast %and3A_700 : i32 to vector<16xi32>
      %and3A_702 = arith.andi %add3A_699, %and3A_701 : vector<16xi32>
      %gather3A_703 = tpu.vector_load_idx %arg9[%add3A_193, %and3A_702] : memref<512x32xi32, #tpu.memory_space<vmem>>[vector<16xi32>, vector<16xi32>], vector<16xi32>,
      %gather3A_704 = tpu.vector_load_idx %arg10[%add3A_193, %and3A_702] : memref<512x32xi32, #tpu.memory_space<vmem>>[vector<16xi32>, vector<16xi32>], vector<16xi32>,
      %shift_left3A_705 = arith.constant 16 : i32
      %shift_left3A_706 = vector.broadcast %shift_left3A_705 : i32 to vector<16xi32>
      %shift_left3A_707 = arith.shli %gather3A_703, %shift_left3A_706 : vector<16xi32>
      %bitcast3A_708 = vector.bitcast %shift_left3A_707 : vector<16xi32> to vector<16xf32>
      %and3A_709 = arith.constant -65536 : i32
      %and3A_710 = vector.broadcast %and3A_709 : i32 to vector<16xi32>
      %and3A_711 = arith.andi %gather3A_703, %and3A_710 : vector<16xi32>
      %bitcast3A_712 = vector.bitcast %and3A_711 : vector<16xi32> to vector<16xf32>
      %shift_left3A_713 = arith.constant 16 : i32
      %shift_left3A_714 = vector.broadcast %shift_left3A_713 : i32 to vector<16xi32>
      %shift_left3A_715 = arith.shli %gather3A_704, %shift_left3A_714 : vector<16xi32>
      %bitcast3A_716 = vector.bitcast %shift_left3A_715 : vector<16xi32> to vector<16xf32>
      %and3A_717 = arith.constant -65536 : i32
      %and3A_718 = vector.broadcast %and3A_717 : i32 to vector<16xi32>
      %and3A_719 = arith.andi %gather3A_704, %and3A_718 : vector<16xi32>
      %bitcast3A_720 = vector.bitcast %and3A_719 : vector<16xi32> to vector<16xf32>
      %mul3A_721 = arith.mulf %bitcast3A_708, %bitcast3A_716 : vector<16xf32>
      %add3A_722 = arith.addf %add3A_694, %mul3A_721 : vector<16xf32>
      %mul3A_723 = arith.mulf %bitcast3A_712, %bitcast3A_720 : vector<16xf32>
      %add3A_724 = arith.addf %add3A_696, %mul3A_723 : vector<16xf32>
      %add3A_725 = arith.constant 19 : i32
      %add3A_726 = vector.broadcast %add3A_725 : i32 to vector<16xi32>
      %add3A_727 = arith.addi %iota3A, %add3A_726 : vector<16xi32>
      %and3A_728 = arith.constant 31 : i32
      %and3A_729 = vector.broadcast %and3A_728 : i32 to vector<16xi32>
      %and3A_730 = arith.andi %add3A_727, %and3A_729 : vector<16xi32>
      %gather3A_731 = tpu.vector_load_idx %arg9[%add3A_193, %and3A_730] : memref<512x32xi32, #tpu.memory_space<vmem>>[vector<16xi32>, vector<16xi32>], vector<16xi32>,
      %gather3A_732 = tpu.vector_load_idx %arg10[%add3A_193, %and3A_730] : memref<512x32xi32, #tpu.memory_space<vmem>>[vector<16xi32>, vector<16xi32>], vector<16xi32>,
      %shift_left3A_733 = arith.constant 16 : i32
      %shift_left3A_734 = vector.broadcast %shift_left3A_733 : i32 to vector<16xi32>
      %shift_left3A_735 = arith.shli %gather3A_731, %shift_left3A_734 : vector<16xi32>
      %bitcast3A_736 = vector.bitcast %shift_left3A_735 : vector<16xi32> to vector<16xf32>
      %and3A_737 = arith.constant -65536 : i32
      %and3A_738 = vector.broadcast %and3A_737 : i32 to vector<16xi32>
      %and3A_739 = arith.andi %gather3A_731, %and3A_738 : vector<16xi32>
      %bitcast3A_740 = vector.bitcast %and3A_739 : vector<16xi32> to vector<16xf32>
      %shift_left3A_741 = arith.constant 16 : i32
      %shift_left3A_742 = vector.broadcast %shift_left3A_741 : i32 to vector<16xi32>
      %shift_left3A_743 = arith.shli %gather3A_732, %shift_left3A_742 : vector<16xi32>
      %bitcast3A_744 = vector.bitcast %shift_left3A_743 : vector<16xi32> to vector<16xf32>
      %and3A_745 = arith.constant -65536 : i32
      %and3A_746 = vector.broadcast %and3A_745 : i32 to vector<16xi32>
      %and3A_747 = arith.andi %gather3A_732, %and3A_746 : vector<16xi32>
      %bitcast3A_748 = vector.bitcast %and3A_747 : vector<16xi32> to vector<16xf32>
      %mul3A_749 = arith.mulf %bitcast3A_736, %bitcast3A_744 : vector<16xf32>
      %add3A_750 = arith.addf %add3A_722, %mul3A_749 : vector<16xf32>
      %mul3A_751 = arith.mulf %bitcast3A_740, %bitcast3A_748 : vector<16xf32>
      %add3A_752 = arith.addf %add3A_724, %mul3A_751 : vector<16xf32>
      %add3A_753 = arith.constant 20 : i32
      %add3A_754 = vector.broadcast %add3A_753 : i32 to vector<16xi32>
      %add3A_755 = arith.addi %iota3A, %add3A_754 : vector<16xi32>
      %and3A_756 = arith.constant 31 : i32
      %and3A_757 = vector.broadcast %and3A_756 : i32 to vector<16xi32>
      %and3A_758 = arith.andi %add3A_755, %and3A_757 : vector<16xi32>
      %gather3A_759 = tpu.vector_load_idx %arg9[%add3A_193, %and3A_758] : memref<512x32xi32, #tpu.memory_space<vmem>>[vector<16xi32>, vector<16xi32>], vector<16xi32>,
      %gather3A_760 = tpu.vector_load_idx %arg10[%add3A_193, %and3A_758] : memref<512x32xi32, #tpu.memory_space<vmem>>[vector<16xi32>, vector<16xi32>], vector<16xi32>,
      %shift_left3A_761 = arith.constant 16 : i32
      %shift_left3A_762 = vector.broadcast %shift_left3A_761 : i32 to vector<16xi32>
      %shift_left3A_763 = arith.shli %gather3A_759, %shift_left3A_762 : vector<16xi32>
      %bitcast3A_764 = vector.bitcast %shift_left3A_763 : vector<16xi32> to vector<16xf32>
      %and3A_765 = arith.constant -65536 : i32
      %and3A_766 = vector.broadcast %and3A_765 : i32 to vector<16xi32>
      %and3A_767 = arith.andi %gather3A_759, %and3A_766 : vector<16xi32>
      %bitcast3A_768 = vector.bitcast %and3A_767 : vector<16xi32> to vector<16xf32>
      %shift_left3A_769 = arith.constant 16 : i32
      %shift_left3A_770 = vector.broadcast %shift_left3A_769 : i32 to vector<16xi32>
      %shift_left3A_771 = arith.shli %gather3A_760, %shift_left3A_770 : vector<16xi32>
      %bitcast3A_772 = vector.bitcast %shift_left3A_771 : vector<16xi32> to vector<16xf32>
      %and3A_773 = arith.constant -65536 : i32
      %and3A_774 = vector.broadcast %and3A_773 : i32 to vector<16xi32>
      %and3A_775 = arith.andi %gather3A_760, %and3A_774 : vector<16xi32>
      %bitcast3A_776 = vector.bitcast %and3A_775 : vector<16xi32> to vector<16xf32>
      %mul3A_777 = arith.mulf %bitcast3A_764, %bitcast3A_772 : vector<16xf32>
      %add3A_778 = arith.addf %add3A_750, %mul3A_777 : vector<16xf32>
      %mul3A_779 = arith.mulf %bitcast3A_768, %bitcast3A_776 : vector<16xf32>
      %add3A_780 = arith.addf %add3A_752, %mul3A_779 : vector<16xf32>
      %add3A_781 = arith.constant 21 : i32
      %add3A_782 = vector.broadcast %add3A_781 : i32 to vector<16xi32>
      %add3A_783 = arith.addi %iota3A, %add3A_782 : vector<16xi32>
      %and3A_784 = arith.constant 31 : i32
      %and3A_785 = vector.broadcast %and3A_784 : i32 to vector<16xi32>
      %and3A_786 = arith.andi %add3A_783, %and3A_785 : vector<16xi32>
      %gather3A_787 = tpu.vector_load_idx %arg9[%add3A_193, %and3A_786] : memref<512x32xi32, #tpu.memory_space<vmem>>[vector<16xi32>, vector<16xi32>], vector<16xi32>,
      %gather3A_788 = tpu.vector_load_idx %arg10[%add3A_193, %and3A_786] : memref<512x32xi32, #tpu.memory_space<vmem>>[vector<16xi32>, vector<16xi32>], vector<16xi32>,
      %shift_left3A_789 = arith.constant 16 : i32
      %shift_left3A_790 = vector.broadcast %shift_left3A_789 : i32 to vector<16xi32>
      %shift_left3A_791 = arith.shli %gather3A_787, %shift_left3A_790 : vector<16xi32>
      %bitcast3A_792 = vector.bitcast %shift_left3A_791 : vector<16xi32> to vector<16xf32>
      %and3A_793 = arith.constant -65536 : i32
      %and3A_794 = vector.broadcast %and3A_793 : i32 to vector<16xi32>
      %and3A_795 = arith.andi %gather3A_787, %and3A_794 : vector<16xi32>
      %bitcast3A_796 = vector.bitcast %and3A_795 : vector<16xi32> to vector<16xf32>
      %shift_left3A_797 = arith.constant 16 : i32
      %shift_left3A_798 = vector.broadcast %shift_left3A_797 : i32 to vector<16xi32>
      %shift_left3A_799 = arith.shli %gather3A_788, %shift_left3A_798 : vector<16xi32>
      %bitcast3A_800 = vector.bitcast %shift_left3A_799 : vector<16xi32> to vector<16xf32>
      %and3A_801 = arith.constant -65536 : i32
      %and3A_802 = vector.broadcast %and3A_801 : i32 to vector<16xi32>
      %and3A_803 = arith.andi %gather3A_788, %and3A_802 : vector<16xi32>
      %bitcast3A_804 = vector.bitcast %and3A_803 : vector<16xi32> to vector<16xf32>
      %mul3A_805 = arith.mulf %bitcast3A_792, %bitcast3A_800 : vector<16xf32>
      %add3A_806 = arith.addf %add3A_778, %mul3A_805 : vector<16xf32>
      %mul3A_807 = arith.mulf %bitcast3A_796, %bitcast3A_804 : vector<16xf32>
      %add3A_808 = arith.addf %add3A_780, %mul3A_807 : vector<16xf32>
      %add3A_809 = arith.constant 22 : i32
      %add3A_810 = vector.broadcast %add3A_809 : i32 to vector<16xi32>
      %add3A_811 = arith.addi %iota3A, %add3A_810 : vector<16xi32>
      %and3A_812 = arith.constant 31 : i32
      %and3A_813 = vector.broadcast %and3A_812 : i32 to vector<16xi32>
      %and3A_814 = arith.andi %add3A_811, %and3A_813 : vector<16xi32>
      %gather3A_815 = tpu.vector_load_idx %arg9[%add3A_193, %and3A_814] : memref<512x32xi32, #tpu.memory_space<vmem>>[vector<16xi32>, vector<16xi32>], vector<16xi32>,
      %gather3A_816 = tpu.vector_load_idx %arg10[%add3A_193, %and3A_814] : memref<512x32xi32, #tpu.memory_space<vmem>>[vector<16xi32>, vector<16xi32>], vector<16xi32>,
      %shift_left3A_817 = arith.constant 16 : i32
      %shift_left3A_818 = vector.broadcast %shift_left3A_817 : i32 to vector<16xi32>
      %shift_left3A_819 = arith.shli %gather3A_815, %shift_left3A_818 : vector<16xi32>
      %bitcast3A_820 = vector.bitcast %shift_left3A_819 : vector<16xi32> to vector<16xf32>
      %and3A_821 = arith.constant -65536 : i32
      %and3A_822 = vector.broadcast %and3A_821 : i32 to vector<16xi32>
      %and3A_823 = arith.andi %gather3A_815, %and3A_822 : vector<16xi32>
      %bitcast3A_824 = vector.bitcast %and3A_823 : vector<16xi32> to vector<16xf32>
      %shift_left3A_825 = arith.constant 16 : i32
      %shift_left3A_826 = vector.broadcast %shift_left3A_825 : i32 to vector<16xi32>
      %shift_left3A_827 = arith.shli %gather3A_816, %shift_left3A_826 : vector<16xi32>
      %bitcast3A_828 = vector.bitcast %shift_left3A_827 : vector<16xi32> to vector<16xf32>
      %and3A_829 = arith.constant -65536 : i32
      %and3A_830 = vector.broadcast %and3A_829 : i32 to vector<16xi32>
      %and3A_831 = arith.andi %gather3A_816, %and3A_830 : vector<16xi32>
      %bitcast3A_832 = vector.bitcast %and3A_831 : vector<16xi32> to vector<16xf32>
      %mul3A_833 = arith.mulf %bitcast3A_820, %bitcast3A_828 : vector<16xf32>
      %add3A_834 = arith.addf %add3A_806, %mul3A_833 : vector<16xf32>
      %mul3A_835 = arith.mulf %bitcast3A_824, %bitcast3A_832 : vector<16xf32>
      %add3A_836 = arith.addf %add3A_808, %mul3A_835 : vector<16xf32>
      %add3A_837 = arith.constant 23 : i32
      %add3A_838 = vector.broadcast %add3A_837 : i32 to vector<16xi32>
      %add3A_839 = arith.addi %iota3A, %add3A_838 : vector<16xi32>
      %and3A_840 = arith.constant 31 : i32
      %and3A_841 = vector.broadcast %and3A_840 : i32 to vector<16xi32>
      %and3A_842 = arith.andi %add3A_839, %and3A_841 : vector<16xi32>
      %gather3A_843 = tpu.vector_load_idx %arg9[%add3A_193, %and3A_842] : memref<512x32xi32, #tpu.memory_space<vmem>>[vector<16xi32>, vector<16xi32>], vector<16xi32>,
      %gather3A_844 = tpu.vector_load_idx %arg10[%add3A_193, %and3A_842] : memref<512x32xi32, #tpu.memory_space<vmem>>[vector<16xi32>, vector<16xi32>], vector<16xi32>,
      %shift_left3A_845 = arith.constant 16 : i32
      %shift_left3A_846 = vector.broadcast %shift_left3A_845 : i32 to vector<16xi32>
      %shift_left3A_847 = arith.shli %gather3A_843, %shift_left3A_846 : vector<16xi32>
      %bitcast3A_848 = vector.bitcast %shift_left3A_847 : vector<16xi32> to vector<16xf32>
      %and3A_849 = arith.constant -65536 : i32
      %and3A_850 = vector.broadcast %and3A_849 : i32 to vector<16xi32>
      %and3A_851 = arith.andi %gather3A_843, %and3A_850 : vector<16xi32>
      %bitcast3A_852 = vector.bitcast %and3A_851 : vector<16xi32> to vector<16xf32>
      %shift_left3A_853 = arith.constant 16 : i32
      %shift_left3A_854 = vector.broadcast %shift_left3A_853 : i32 to vector<16xi32>
      %shift_left3A_855 = arith.shli %gather3A_844, %shift_left3A_854 : vector<16xi32>
      %bitcast3A_856 = vector.bitcast %shift_left3A_855 : vector<16xi32> to vector<16xf32>
      %and3A_857 = arith.constant -65536 : i32
      %and3A_858 = vector.broadcast %and3A_857 : i32 to vector<16xi32>
      %and3A_859 = arith.andi %gather3A_844, %and3A_858 : vector<16xi32>
      %bitcast3A_860 = vector.bitcast %and3A_859 : vector<16xi32> to vector<16xf32>
      %mul3A_861 = arith.mulf %bitcast3A_848, %bitcast3A_856 : vector<16xf32>
      %add3A_862 = arith.addf %add3A_834, %mul3A_861 : vector<16xf32>
      %mul3A_863 = arith.mulf %bitcast3A_852, %bitcast3A_860 : vector<16xf32>
      %add3A_864 = arith.addf %add3A_836, %mul3A_863 : vector<16xf32>
      %add3A_865 = arith.constant 24 : i32
      %add3A_866 = vector.broadcast %add3A_865 : i32 to vector<16xi32>
      %add3A_867 = arith.addi %iota3A, %add3A_866 : vector<16xi32>
      %and3A_868 = arith.constant 31 : i32
      %and3A_869 = vector.broadcast %and3A_868 : i32 to vector<16xi32>
      %and3A_870 = arith.andi %add3A_867, %and3A_869 : vector<16xi32>
      %gather3A_871 = tpu.vector_load_idx %arg9[%add3A_193, %and3A_870] : memref<512x32xi32, #tpu.memory_space<vmem>>[vector<16xi32>, vector<16xi32>], vector<16xi32>,
      %gather3A_872 = tpu.vector_load_idx %arg10[%add3A_193, %and3A_870] : memref<512x32xi32, #tpu.memory_space<vmem>>[vector<16xi32>, vector<16xi32>], vector<16xi32>,
      %shift_left3A_873 = arith.constant 16 : i32
      %shift_left3A_874 = vector.broadcast %shift_left3A_873 : i32 to vector<16xi32>
      %shift_left3A_875 = arith.shli %gather3A_871, %shift_left3A_874 : vector<16xi32>
      %bitcast3A_876 = vector.bitcast %shift_left3A_875 : vector<16xi32> to vector<16xf32>
      %and3A_877 = arith.constant -65536 : i32
      %and3A_878 = vector.broadcast %and3A_877 : i32 to vector<16xi32>
      %and3A_879 = arith.andi %gather3A_871, %and3A_878 : vector<16xi32>
      %bitcast3A_880 = vector.bitcast %and3A_879 : vector<16xi32> to vector<16xf32>
      %shift_left3A_881 = arith.constant 16 : i32
      %shift_left3A_882 = vector.broadcast %shift_left3A_881 : i32 to vector<16xi32>
      %shift_left3A_883 = arith.shli %gather3A_872, %shift_left3A_882 : vector<16xi32>
      %bitcast3A_884 = vector.bitcast %shift_left3A_883 : vector<16xi32> to vector<16xf32>
      %and3A_885 = arith.constant -65536 : i32
      %and3A_886 = vector.broadcast %and3A_885 : i32 to vector<16xi32>
      %and3A_887 = arith.andi %gather3A_872, %and3A_886 : vector<16xi32>
      %bitcast3A_888 = vector.bitcast %and3A_887 : vector<16xi32> to vector<16xf32>
      %mul3A_889 = arith.mulf %bitcast3A_876, %bitcast3A_884 : vector<16xf32>
      %add3A_890 = arith.addf %add3A_862, %mul3A_889 : vector<16xf32>
      %mul3A_891 = arith.mulf %bitcast3A_880, %bitcast3A_888 : vector<16xf32>
      %add3A_892 = arith.addf %add3A_864, %mul3A_891 : vector<16xf32>
      %add3A_893 = arith.constant 25 : i32
      %add3A_894 = vector.broadcast %add3A_893 : i32 to vector<16xi32>
      %add3A_895 = arith.addi %iota3A, %add3A_894 : vector<16xi32>
      %and3A_896 = arith.constant 31 : i32
      %and3A_897 = vector.broadcast %and3A_896 : i32 to vector<16xi32>
      %and3A_898 = arith.andi %add3A_895, %and3A_897 : vector<16xi32>
      %gather3A_899 = tpu.vector_load_idx %arg9[%add3A_193, %and3A_898] : memref<512x32xi32, #tpu.memory_space<vmem>>[vector<16xi32>, vector<16xi32>], vector<16xi32>,
      %gather3A_900 = tpu.vector_load_idx %arg10[%add3A_193, %and3A_898] : memref<512x32xi32, #tpu.memory_space<vmem>>[vector<16xi32>, vector<16xi32>], vector<16xi32>,
      %shift_left3A_901 = arith.constant 16 : i32
      %shift_left3A_902 = vector.broadcast %shift_left3A_901 : i32 to vector<16xi32>
      %shift_left3A_903 = arith.shli %gather3A_899, %shift_left3A_902 : vector<16xi32>
      %bitcast3A_904 = vector.bitcast %shift_left3A_903 : vector<16xi32> to vector<16xf32>
      %and3A_905 = arith.constant -65536 : i32
      %and3A_906 = vector.broadcast %and3A_905 : i32 to vector<16xi32>
      %and3A_907 = arith.andi %gather3A_899, %and3A_906 : vector<16xi32>
      %bitcast3A_908 = vector.bitcast %and3A_907 : vector<16xi32> to vector<16xf32>
      %shift_left3A_909 = arith.constant 16 : i32
      %shift_left3A_910 = vector.broadcast %shift_left3A_909 : i32 to vector<16xi32>
      %shift_left3A_911 = arith.shli %gather3A_900, %shift_left3A_910 : vector<16xi32>
      %bitcast3A_912 = vector.bitcast %shift_left3A_911 : vector<16xi32> to vector<16xf32>
      %and3A_913 = arith.constant -65536 : i32
      %and3A_914 = vector.broadcast %and3A_913 : i32 to vector<16xi32>
      %and3A_915 = arith.andi %gather3A_900, %and3A_914 : vector<16xi32>
      %bitcast3A_916 = vector.bitcast %and3A_915 : vector<16xi32> to vector<16xf32>
      %mul3A_917 = arith.mulf %bitcast3A_904, %bitcast3A_912 : vector<16xf32>
      %add3A_918 = arith.addf %add3A_890, %mul3A_917 : vector<16xf32>
      %mul3A_919 = arith.mulf %bitcast3A_908, %bitcast3A_916 : vector<16xf32>
      %add3A_920 = arith.addf %add3A_892, %mul3A_919 : vector<16xf32>
      %add3A_921 = arith.constant 26 : i32
      %add3A_922 = vector.broadcast %add3A_921 : i32 to vector<16xi32>
      %add3A_923 = arith.addi %iota3A, %add3A_922 : vector<16xi32>
      %and3A_924 = arith.constant 31 : i32
      %and3A_925 = vector.broadcast %and3A_924 : i32 to vector<16xi32>
      %and3A_926 = arith.andi %add3A_923, %and3A_925 : vector<16xi32>
      %gather3A_927 = tpu.vector_load_idx %arg9[%add3A_193, %and3A_926] : memref<512x32xi32, #tpu.memory_space<vmem>>[vector<16xi32>, vector<16xi32>], vector<16xi32>,
      %gather3A_928 = tpu.vector_load_idx %arg10[%add3A_193, %and3A_926] : memref<512x32xi32, #tpu.memory_space<vmem>>[vector<16xi32>, vector<16xi32>], vector<16xi32>,
      %shift_left3A_929 = arith.constant 16 : i32
      %shift_left3A_930 = vector.broadcast %shift_left3A_929 : i32 to vector<16xi32>
      %shift_left3A_931 = arith.shli %gather3A_927, %shift_left3A_930 : vector<16xi32>
      %bitcast3A_932 = vector.bitcast %shift_left3A_931 : vector<16xi32> to vector<16xf32>
      %and3A_933 = arith.constant -65536 : i32
      %and3A_934 = vector.broadcast %and3A_933 : i32 to vector<16xi32>
      %and3A_935 = arith.andi %gather3A_927, %and3A_934 : vector<16xi32>
      %bitcast3A_936 = vector.bitcast %and3A_935 : vector<16xi32> to vector<16xf32>
      %shift_left3A_937 = arith.constant 16 : i32
      %shift_left3A_938 = vector.broadcast %shift_left3A_937 : i32 to vector<16xi32>
      %shift_left3A_939 = arith.shli %gather3A_928, %shift_left3A_938 : vector<16xi32>
      %bitcast3A_940 = vector.bitcast %shift_left3A_939 : vector<16xi32> to vector<16xf32>
      %and3A_941 = arith.constant -65536 : i32
      %and3A_942 = vector.broadcast %and3A_941 : i32 to vector<16xi32>
      %and3A_943 = arith.andi %gather3A_928, %and3A_942 : vector<16xi32>
      %bitcast3A_944 = vector.bitcast %and3A_943 : vector<16xi32> to vector<16xf32>
      %mul3A_945 = arith.mulf %bitcast3A_932, %bitcast3A_940 : vector<16xf32>
      %add3A_946 = arith.addf %add3A_918, %mul3A_945 : vector<16xf32>
      %mul3A_947 = arith.mulf %bitcast3A_936, %bitcast3A_944 : vector<16xf32>
      %add3A_948 = arith.addf %add3A_920, %mul3A_947 : vector<16xf32>
      %add3A_949 = arith.constant 27 : i32
      %add3A_950 = vector.broadcast %add3A_949 : i32 to vector<16xi32>
      %add3A_951 = arith.addi %iota3A, %add3A_950 : vector<16xi32>
      %and3A_952 = arith.constant 31 : i32
      %and3A_953 = vector.broadcast %and3A_952 : i32 to vector<16xi32>
      %and3A_954 = arith.andi %add3A_951, %and3A_953 : vector<16xi32>
      %gather3A_955 = tpu.vector_load_idx %arg9[%add3A_193, %and3A_954] : memref<512x32xi32, #tpu.memory_space<vmem>>[vector<16xi32>, vector<16xi32>], vector<16xi32>,
      %gather3A_956 = tpu.vector_load_idx %arg10[%add3A_193, %and3A_954] : memref<512x32xi32, #tpu.memory_space<vmem>>[vector<16xi32>, vector<16xi32>], vector<16xi32>,
      %shift_left3A_957 = arith.constant 16 : i32
      %shift_left3A_958 = vector.broadcast %shift_left3A_957 : i32 to vector<16xi32>
      %shift_left3A_959 = arith.shli %gather3A_955, %shift_left3A_958 : vector<16xi32>
      %bitcast3A_960 = vector.bitcast %shift_left3A_959 : vector<16xi32> to vector<16xf32>
      %and3A_961 = arith.constant -65536 : i32
      %and3A_962 = vector.broadcast %and3A_961 : i32 to vector<16xi32>
      %and3A_963 = arith.andi %gather3A_955, %and3A_962 : vector<16xi32>
      %bitcast3A_964 = vector.bitcast %and3A_963 : vector<16xi32> to vector<16xf32>
      %shift_left3A_965 = arith.constant 16 : i32
      %shift_left3A_966 = vector.broadcast %shift_left3A_965 : i32 to vector<16xi32>
      %shift_left3A_967 = arith.shli %gather3A_956, %shift_left3A_966 : vector<16xi32>
      %bitcast3A_968 = vector.bitcast %shift_left3A_967 : vector<16xi32> to vector<16xf32>
      %and3A_969 = arith.constant -65536 : i32
      %and3A_970 = vector.broadcast %and3A_969 : i32 to vector<16xi32>
      %and3A_971 = arith.andi %gather3A_956, %and3A_970 : vector<16xi32>
      %bitcast3A_972 = vector.bitcast %and3A_971 : vector<16xi32> to vector<16xf32>
      %mul3A_973 = arith.mulf %bitcast3A_960, %bitcast3A_968 : vector<16xf32>
      %add3A_974 = arith.addf %add3A_946, %mul3A_973 : vector<16xf32>
      %mul3A_975 = arith.mulf %bitcast3A_964, %bitcast3A_972 : vector<16xf32>
      %add3A_976 = arith.addf %add3A_948, %mul3A_975 : vector<16xf32>
      %add3A_977 = arith.constant 28 : i32
      %add3A_978 = vector.broadcast %add3A_977 : i32 to vector<16xi32>
      %add3A_979 = arith.addi %iota3A, %add3A_978 : vector<16xi32>
      %and3A_980 = arith.constant 31 : i32
      %and3A_981 = vector.broadcast %and3A_980 : i32 to vector<16xi32>
      %and3A_982 = arith.andi %add3A_979, %and3A_981 : vector<16xi32>
      %gather3A_983 = tpu.vector_load_idx %arg9[%add3A_193, %and3A_982] : memref<512x32xi32, #tpu.memory_space<vmem>>[vector<16xi32>, vector<16xi32>], vector<16xi32>,
      %gather3A_984 = tpu.vector_load_idx %arg10[%add3A_193, %and3A_982] : memref<512x32xi32, #tpu.memory_space<vmem>>[vector<16xi32>, vector<16xi32>], vector<16xi32>,
      %shift_left3A_985 = arith.constant 16 : i32
      %shift_left3A_986 = vector.broadcast %shift_left3A_985 : i32 to vector<16xi32>
      %shift_left3A_987 = arith.shli %gather3A_983, %shift_left3A_986 : vector<16xi32>
      %bitcast3A_988 = vector.bitcast %shift_left3A_987 : vector<16xi32> to vector<16xf32>
      %and3A_989 = arith.constant -65536 : i32
      %and3A_990 = vector.broadcast %and3A_989 : i32 to vector<16xi32>
      %and3A_991 = arith.andi %gather3A_983, %and3A_990 : vector<16xi32>
      %bitcast3A_992 = vector.bitcast %and3A_991 : vector<16xi32> to vector<16xf32>
      %shift_left3A_993 = arith.constant 16 : i32
      %shift_left3A_994 = vector.broadcast %shift_left3A_993 : i32 to vector<16xi32>
      %shift_left3A_995 = arith.shli %gather3A_984, %shift_left3A_994 : vector<16xi32>
      %bitcast3A_996 = vector.bitcast %shift_left3A_995 : vector<16xi32> to vector<16xf32>
      %and3A_997 = arith.constant -65536 : i32
      %and3A_998 = vector.broadcast %and3A_997 : i32 to vector<16xi32>
      %and3A_999 = arith.andi %gather3A_984, %and3A_998 : vector<16xi32>
      %bitcast3A_1000 = vector.bitcast %and3A_999 : vector<16xi32> to vector<16xf32>
      %mul3A_1001 = arith.mulf %bitcast3A_988, %bitcast3A_996 : vector<16xf32>
      %add3A_1002 = arith.addf %add3A_974, %mul3A_1001 : vector<16xf32>
      %mul3A_1003 = arith.mulf %bitcast3A_992, %bitcast3A_1000 : vector<16xf32>
      %add3A_1004 = arith.addf %add3A_976, %mul3A_1003 : vector<16xf32>
      %add3A_1005 = arith.constant 29 : i32
      %add3A_1006 = vector.broadcast %add3A_1005 : i32 to vector<16xi32>
      %add3A_1007 = arith.addi %iota3A, %add3A_1006 : vector<16xi32>
      %and3A_1008 = arith.constant 31 : i32
      %and3A_1009 = vector.broadcast %and3A_1008 : i32 to vector<16xi32>
      %and3A_1010 = arith.andi %add3A_1007, %and3A_1009 : vector<16xi32>
      %gather3A_1011 = tpu.vector_load_idx %arg9[%add3A_193, %and3A_1010] : memref<512x32xi32, #tpu.memory_space<vmem>>[vector<16xi32>, vector<16xi32>], vector<16xi32>,
      %gather3A_1012 = tpu.vector_load_idx %arg10[%add3A_193, %and3A_1010] : memref<512x32xi32, #tpu.memory_space<vmem>>[vector<16xi32>, vector<16xi32>], vector<16xi32>,
      %shift_left3A_1013 = arith.constant 16 : i32
      %shift_left3A_1014 = vector.broadcast %shift_left3A_1013 : i32 to vector<16xi32>
      %shift_left3A_1015 = arith.shli %gather3A_1011, %shift_left3A_1014 : vector<16xi32>
      %bitcast3A_1016 = vector.bitcast %shift_left3A_1015 : vector<16xi32> to vector<16xf32>
      %and3A_1017 = arith.constant -65536 : i32
      %and3A_1018 = vector.broadcast %and3A_1017 : i32 to vector<16xi32>
      %and3A_1019 = arith.andi %gather3A_1011, %and3A_1018 : vector<16xi32>
      %bitcast3A_1020 = vector.bitcast %and3A_1019 : vector<16xi32> to vector<16xf32>
      %shift_left3A_1021 = arith.constant 16 : i32
      %shift_left3A_1022 = vector.broadcast %shift_left3A_1021 : i32 to vector<16xi32>
      %shift_left3A_1023 = arith.shli %gather3A_1012, %shift_left3A_1022 : vector<16xi32>
      %bitcast3A_1024 = vector.bitcast %shift_left3A_1023 : vector<16xi32> to vector<16xf32>
      %and3A_1025 = arith.constant -65536 : i32
      %and3A_1026 = vector.broadcast %and3A_1025 : i32 to vector<16xi32>
      %and3A_1027 = arith.andi %gather3A_1012, %and3A_1026 : vector<16xi32>
      %bitcast3A_1028 = vector.bitcast %and3A_1027 : vector<16xi32> to vector<16xf32>
      %mul3A_1029 = arith.mulf %bitcast3A_1016, %bitcast3A_1024 : vector<16xf32>
      %add3A_1030 = arith.addf %add3A_1002, %mul3A_1029 : vector<16xf32>
      %mul3A_1031 = arith.mulf %bitcast3A_1020, %bitcast3A_1028 : vector<16xf32>
      %add3A_1032 = arith.addf %add3A_1004, %mul3A_1031 : vector<16xf32>
      %add3A_1033 = arith.constant 30 : i32
      %add3A_1034 = vector.broadcast %add3A_1033 : i32 to vector<16xi32>
      %add3A_1035 = arith.addi %iota3A, %add3A_1034 : vector<16xi32>
      %and3A_1036 = arith.constant 31 : i32
      %and3A_1037 = vector.broadcast %and3A_1036 : i32 to vector<16xi32>
      %and3A_1038 = arith.andi %add3A_1035, %and3A_1037 : vector<16xi32>
      %gather3A_1039 = tpu.vector_load_idx %arg9[%add3A_193, %and3A_1038] : memref<512x32xi32, #tpu.memory_space<vmem>>[vector<16xi32>, vector<16xi32>], vector<16xi32>,
      %gather3A_1040 = tpu.vector_load_idx %arg10[%add3A_193, %and3A_1038] : memref<512x32xi32, #tpu.memory_space<vmem>>[vector<16xi32>, vector<16xi32>], vector<16xi32>,
      %shift_left3A_1041 = arith.constant 16 : i32
      %shift_left3A_1042 = vector.broadcast %shift_left3A_1041 : i32 to vector<16xi32>
      %shift_left3A_1043 = arith.shli %gather3A_1039, %shift_left3A_1042 : vector<16xi32>
      %bitcast3A_1044 = vector.bitcast %shift_left3A_1043 : vector<16xi32> to vector<16xf32>
      %and3A_1045 = arith.constant -65536 : i32
      %and3A_1046 = vector.broadcast %and3A_1045 : i32 to vector<16xi32>
      %and3A_1047 = arith.andi %gather3A_1039, %and3A_1046 : vector<16xi32>
      %bitcast3A_1048 = vector.bitcast %and3A_1047 : vector<16xi32> to vector<16xf32>
      %shift_left3A_1049 = arith.constant 16 : i32
      %shift_left3A_1050 = vector.broadcast %shift_left3A_1049 : i32 to vector<16xi32>
      %shift_left3A_1051 = arith.shli %gather3A_1040, %shift_left3A_1050 : vector<16xi32>
      %bitcast3A_1052 = vector.bitcast %shift_left3A_1051 : vector<16xi32> to vector<16xf32>
      %and3A_1053 = arith.constant -65536 : i32
      %and3A_1054 = vector.broadcast %and3A_1053 : i32 to vector<16xi32>
      %and3A_1055 = arith.andi %gather3A_1040, %and3A_1054 : vector<16xi32>
      %bitcast3A_1056 = vector.bitcast %and3A_1055 : vector<16xi32> to vector<16xf32>
      %mul3A_1057 = arith.mulf %bitcast3A_1044, %bitcast3A_1052 : vector<16xf32>
      %add3A_1058 = arith.addf %add3A_1030, %mul3A_1057 : vector<16xf32>
      %mul3A_1059 = arith.mulf %bitcast3A_1048, %bitcast3A_1056 : vector<16xf32>
      %add3A_1060 = arith.addf %add3A_1032, %mul3A_1059 : vector<16xf32>
      %add3A_1061 = arith.constant 31 : i32
      %add3A_1062 = vector.broadcast %add3A_1061 : i32 to vector<16xi32>
      %add3A_1063 = arith.addi %iota3A, %add3A_1062 : vector<16xi32>
      %and3A_1064 = arith.constant 31 : i32
      %and3A_1065 = vector.broadcast %and3A_1064 : i32 to vector<16xi32>
      %and3A_1066 = arith.andi %add3A_1063, %and3A_1065 : vector<16xi32>
      %gather3A_1067 = tpu.vector_load_idx %arg9[%add3A_193, %and3A_1066] : memref<512x32xi32, #tpu.memory_space<vmem>>[vector<16xi32>, vector<16xi32>], vector<16xi32>,
      %gather3A_1068 = tpu.vector_load_idx %arg10[%add3A_193, %and3A_1066] : memref<512x32xi32, #tpu.memory_space<vmem>>[vector<16xi32>, vector<16xi32>], vector<16xi32>,
      %shift_left3A_1069 = arith.constant 16 : i32
      %shift_left3A_1070 = vector.broadcast %shift_left3A_1069 : i32 to vector<16xi32>
      %shift_left3A_1071 = arith.shli %gather3A_1067, %shift_left3A_1070 : vector<16xi32>
      %bitcast3A_1072 = vector.bitcast %shift_left3A_1071 : vector<16xi32> to vector<16xf32>
      %and3A_1073 = arith.constant -65536 : i32
      %and3A_1074 = vector.broadcast %and3A_1073 : i32 to vector<16xi32>
      %and3A_1075 = arith.andi %gather3A_1067, %and3A_1074 : vector<16xi32>
      %bitcast3A_1076 = vector.bitcast %and3A_1075 : vector<16xi32> to vector<16xf32>
      %shift_left3A_1077 = arith.constant 16 : i32
      %shift_left3A_1078 = vector.broadcast %shift_left3A_1077 : i32 to vector<16xi32>
      %shift_left3A_1079 = arith.shli %gather3A_1068, %shift_left3A_1078 : vector<16xi32>
      %bitcast3A_1080 = vector.bitcast %shift_left3A_1079 : vector<16xi32> to vector<16xf32>
      %and3A_1081 = arith.constant -65536 : i32
      %and3A_1082 = vector.broadcast %and3A_1081 : i32 to vector<16xi32>
      %and3A_1083 = arith.andi %gather3A_1068, %and3A_1082 : vector<16xi32>
      %bitcast3A_1084 = vector.bitcast %and3A_1083 : vector<16xi32> to vector<16xf32>
      %mul3A_1085 = arith.mulf %bitcast3A_1072, %bitcast3A_1080 : vector<16xf32>
      %add3A_1086 = arith.addf %add3A_1058, %mul3A_1085 : vector<16xf32>
      %mul3A_1087 = arith.mulf %bitcast3A_1076, %bitcast3A_1084 : vector<16xf32>
      %add3A_1088 = arith.addf %add3A_1060, %mul3A_1087 : vector<16xf32>
      %add3A_1089 = arith.addf %add3A_1086, %add3A_1088 : vector<16xf32>
      %mul3A_1090 = arith.constant 16 : i32
      %mul3A_1091 = arith.muli %scan3A_189, %mul3A_1090 : i32
      %swap3A = arith.index_cast %mul3A_1091 : i32 to index
      %swap3A_1092 = tpu.vector_load %arg11[%swap3A] {strides = array<i32>} : memref<512xf32, #tpu.memory_space<vmem>>, vector<16xf32>,
      tpu.vector_store %arg11[%swap3A], %add3A_1089 {strides = array<i32>} : memref<512xf32, #tpu.memory_space<vmem>>, vector<16xf32>,
    }
    %scan3A_188 = arith.constant 32 : i32
    "tpu.region"() ({
      %run_scoped3A_189 = tpu.sem_alloc : memref<!tpu.dma_semaphore, #tpu.memory_space<semaphore_mem>>
      %dma_start3A_190 = tpu.memref_slice %arg6[%mul3A_2] : memref<16384xf32, #tpu.memory_space<hbm>> -> memref<512xf32, #tpu.memory_space<hbm>>
      %dma_start3A_191 = tpu.memref_slice %arg6[%mul3A_2] : memref<16384xf32, #tpu.memory_space<hbm>> -> memref<512xf32, #tpu.memory_space<hbm>>
      tpu.enqueue_dma source(%arg11 : memref<512xf32, #tpu.memory_space<vmem>>) target(%dma_start3A_191 : memref<512xf32, #tpu.memory_space<hbm>>) target_semaphore(%run_scoped3A_189 : memref<!tpu.dma_semaphore, #tpu.memory_space<semaphore_mem>>)
      %dma_wait3A_192 = tpu.memref_slice %arg6[%mul3A_2] : memref<16384xf32, #tpu.memory_space<hbm>> -> memref<512xf32, #tpu.memory_space<hbm>>
      %dma_wait3A_193 = tpu.memref_slice %arg6[%mul3A_2] : memref<16384xf32, #tpu.memory_space<hbm>> -> memref<512xf32, #tpu.memory_space<hbm>>
      tpu.wait_dma2 semaphore(%run_scoped3A_189 : memref<!tpu.dma_semaphore, #tpu.memory_space<semaphore_mem>>) src(%arg11 : memref<512xf32, #tpu.memory_space<vmem>>) dst(%dma_wait3A_193 : memref<512xf32, #tpu.memory_space<hbm>>)
      tpu.yield
    }) : () -> ()
    return
  }
}

</mosaic_0001>

<sc_bundles>
// kernel: kernel.3.cloned.1.call-start
scs
__scs_entry_jumppad:
0x0: {  	(pc) =	sbr.rel $0x88, $3  }
0x1: {  	(tag) =	ssettag $0x0;
	lr =	simm.s32 $0x1  }
0x2: {  	[smem:$0x3F9D] =	sst lr;
	_ =	strace $0xD0000000  }
0x3: {  	_ = 	snop  }
0x4: {  	_ = 	snop  }
0x5: {  	_ = 	snop  }
0x6: {  	_ = 	snop  }
0x7: {  	_ = 	snop  }
__scs_overlays_trampoline_lowered:
0x8: {  	[smem:$0x3FAC] =	sst s0  }
0x9: {  	[smem:$0x3FAD] =	sst s1  }
0xa: {  	[smem:$0x3FAE] =	sst s2  }
0xb: {  	[smem:$0x3FAF] =	sst s3  }
0xc: {  	[smem:$0x3FB0] =	sst s4  }
0xd: {  	[smem:$0x3FB1] =	sst s5  }
0xe: {  	[smem:$0x3FB2] =	sst s6  }
0xf: {  	[smem:$0x3FB3] =	sst s7  }
0x10: {  	[smem:$0x3FB4] =	sst s8  }
0x11: {  	[smem:$0x3FB5] =	sst s9;
	s0 =	simm.s32 @!p0 $0x0  }
0x12: {  	s1 =	sld [smem:$0x3F9B];
	s0 =	simm.s32 @p0 $0x1  }
0x13: {  	[smem:$0x3FB6] =	sst s0;
	s0 =	simm.s32 @!p1 $0x0  }
0x14: {  	s2 =	sld [smem:$0x3F9A];
	s0 =	simm.s32 @p1 $0x1  }
0x15: {  	[smem:$0x3FB7] =	sst s0;
	s0 =	simm.s32 @!p2 $0x0  }
0x16: {  	s3 =	sld [smem:$0x3FDB];
	s0 =	simm.s32 @p2 $0x1  }
0x17: {  	s4 =	simm.s32 $0x1BF5;
	[smem:$0x3FB9] =	sst s0  }
0x18: {  	s0 =	sld [smem:$0x3F9C];
	_ =	swait.ge [sflag:s4], $0x0  }
0x19: {  	s7 =	sld [smem:$0x3F9D]  }
0x1a: {  	s8 =	sadd.s32 $0xFFFFE003, lr  }
0x1b: {  	s9 =	sadd.s32 $0xFFFFFEF7, lr;
	s5 =	simm.s32 $0xFFFFFFFF;
	p2 =	slt.u32 s8, $0xFFFFF086  }
0x1c: {  	p1 =	slt.u32 s9, $0xF7A;
	s5 =	simm.s32 @!p2 $0x0  }
0x1d: {  	s5 =	simm.s32 @p1 $0x1;
	p0 =	seq.s32 s7, s2  }
0x1e: {  	s7 =	smul.u32 @!p0 $0xF7A, s2;
	p2 =	seq.s32 @!p0 s5, $0x0  }
0x1f: {  	s9 =	smul.u32 $0xF7A, s1;
	s8 =	simm.s32 @!p0 $0x1BF5;
	p2 =	por !p2, p0  }
0x20: {  	[sflag:s8] =	ssyncset.s32 @!p0 $0xFFFFF086;
	s6 =	sadd.s32 @!p0 s3, s7;
	s7 =	simm.s32 @!p0 $0x108  }
0x21: {  	s3 =	sadd.s32 s3, s9;
	s6 =	sadd.s32 @!p0 $0x88, s6;
	s7 =	simm.s32 @p2 $0x1082  }
0x22: {  	[simem:s7], [sflag:s8] =	dma.local @!p0 [hbm:s6], $0xF7A  }
0x23: {  	s9 =	sor.u32 $0xD0000000, s2;
	s6 =	simm.s32 $0x108;
	_ =	swait.ge @!p0 [sflag:s8], $0x0  }
0x24: {  	s3 =	sadd.s32 $0x88, s3;
	s6 =	simm.s32 @!p1 $0x1082;
	[sflag:s4] =	ssyncset.s32 $0xFFFFF086  }
0x25: {  	[simem:s6], [sflag:s4] =	dma.local [hbm:s3], $0xF7A  }
0x26: {  	[smem:$0x3F9D] =	sst s1;
	(tag) =	ssettag s2;
	_ =	strace s9  }
0x27: {  	s1 =	sld [smem:$0x3FAD]  }
0x28: {  	s2 =	sld [smem:$0x3FAE]  }
0x29: {  	s4 =	sld [smem:$0x3FB0]  }
0x2a: {  	p0 =	seq.s32 s5, $0x0;
	s5 =	sld [smem:$0x3FB1]  }
0x2b: {  	s6 =	sld [smem:$0x3FB2]  }
0x2c: {  	s7 =	sld [smem:$0x3FB3]  }
0x2d: {  	s3 =	simm.s32 $0x108;
	s8 =	sld [smem:$0x3FB4]  }
0x2e: {  	s3 =	simm.s32 @!p0 $0x1082;
	s9 =	sld [smem:$0x3FB5]  }
0x2f: {  	lr =	sadd.s32 s0, s3;
	s0 =	sld [smem:$0x3FAC]  }
0x30: {  	s3 =	sld [smem:$0x3FAF]  }
0x31: {  	[smem:$0x3FB8] =	sst s10  }
0x32: {  	s10 =	sld [smem:$0x3FB6];
	_ =	sdelay $0x3  }
0x33: {  	p0 =	seq.s32 s10, $0x1;
	s10 =	sld [smem:$0x3FB8];
	_ =	sdelay $0x3  }
0x34: {  	[smem:$0x3FB8] =	sst s10  }
0x35: {  	s10 =	sld [smem:$0x3FB7];
	_ =	sdelay $0x3  }
0x36: {  	p1 =	seq.s32 s10, $0x1;
	s10 =	sld [smem:$0x3FB8];
	_ =	sdelay $0x3  }
0x37: {  	[smem:$0x3FB8] =	sst s10  }
0x38: {  	s10 =	sld [smem:$0x3FB9]  }
0x39: {  	_ = 	snop;
	(pc) =	sbr.ind lr, $3  }
0x3a: {  	_ = 	snop  }
0x3b: {  	_ = 	snop  }
0x3c: {  	p2 =	seq.s32 s10, $0x1;
	s10 =	sld [smem:$0x3FB8]  }
0x3d: {  	_ =	shalt  }
0x3e: {  	_ =	shalt  }
0x3f: {  	_ =	shalt  }
0x40: {  	_ =	shalt  }
0x41: {  	_ =	shalt  }
0x42: {  	_ =	shalt  }
0x43: {  	_ =	shalt  }
0x44: {  	_ =	shalt  }
0x45: {  	_ =	shalt  }
0x46: {  	_ =	shalt  }
0x47: {  	_ =	shalt  }
0x48: {  	_ =	shalt  }
0x49: {  	_ =	shalt  }
0x4a: {  	_ =	shalt  }
0x4b: {  	_ =	shalt  }
0x4c: {  	_ =	shalt  }
0x4d: {  	_ =	shalt  }
0x4e: {  	_ =	shalt  }
0x4f: {  	_ =	shalt  }
0x50: {  	_ =	shalt  }
0x51: {  	_ =	shalt  }
0x52: {  	_ =	shalt  }
0x53: {  	_ =	shalt  }
0x54: {  	_ =	shalt  }
0x55: {  	_ =	shalt  }
0x56: {  	_ =	shalt  }
0x57: {  	_ =	shalt  }
0x58: {  	_ =	shalt  }
0x59: {  	_ =	shalt  }
0x5a: {  	_ =	shalt  }
0x5b: {  	_ =	shalt  }
0x5c: {  	_ =	shalt  }
0x5d: {  	_ =	shalt  }
0x5e: {  	_ =	shalt  }
0x5f: {  	_ =	shalt  }
0x60: {  	_ =	shalt  }
0x61: {  	_ =	shalt  }
0x62: {  	_ =	shalt  }
0x63: {  	_ =	shalt  }
0x64: {  	_ =	shalt  }
0x65: {  	_ =	shalt  }
0x66: {  	_ =	shalt  }
0x67: {  	_ =	shalt  }
0x68: {  	_ =	shalt  }
0x69: {  	_ =	shalt  }
0x6a: {  	_ =	shalt  }
0x6b: {  	_ =	shalt  }
0x6c: {  	_ =	shalt  }
0x6d: {  	_ =	shalt  }
0x6e: {  	_ =	shalt  }
0x6f: {  	_ =	shalt  }
0x70: {  	_ =	shalt  }
0x71: {  	_ =	shalt  }
0x72: {  	_ =	shalt  }
0x73: {  	_ =	shalt  }
0x74: {  	_ =	shalt  }
0x75: {  	_ =	shalt  }
0x76: {  	_ =	shalt  }
0x77: {  	_ =	shalt  }
0x78: {  	_ =	shalt  }
0x79: {  	_ =	shalt  }
0x7a: {  	_ =	shalt  }
0x7b: {  	_ =	shalt  }
0x7c: {  	_ =	shalt  }
0x7d: {  	_ =	shalt  }
0x7e: {  	_ =	shalt  }
0x7f: {  	_ =	shalt  }
0x80: {  	_ =	shalt  }
0x81: {  	_ =	shalt  }
0x82: {  	_ =	shalt  }
0x83: {  	_ =	shalt  }
0x84: {  	_ =	shalt  }
0x85: {  	_ =	shalt  }
0x86: {  	_ =	shalt  }
0x87: {  	_ =	shalt  }
.Lfunc_end0:
.L_simem_size_0:
called_computation.2_lowered:
.L_overlay_start_0:
0x88: {  	s2 =	sld [smem:$0x3FD9]  }
0x89: {  	s3 =	sld [smem:$0x3FFE];
	_ =	sdelay $0x1  }
0x8a: {  	s1 =	srdreg.scid  }
0x8b: {  	s0 =	sand.u32 $0x1, s1  }
0x8c: {  	s17 =	sshll.u32 s0, $0xA;
	s2 =	sadd.s32 s3, s2  }
0x8d: {  	s2 =	sadd.s32 s2, s17  }
0x8e: {  	[smem:$0x3FC4] =	sst s2  }
0x8f: {  	_ = 	snop  }
0x90: {  	s2 =	sld [smem:$0x3FC9]  }
0x91: {  	s18 =	sld [smem:$0x3FC8]  }
0x92: {  	s4 =	sld [smem:$0x3FD0];
	(tm) =	ssettm $0x1  }
0x93: {  	s5 =	sld [smem:$0x3FFB];
	_ =	sdelay $0x3  }
0x94: {  	_ =	strace s5  }
0x95: {  	s5 =	sld [smem:$0x3FFC];
	_ =	sdelay $0x3  }
0x96: {  	_ =	strace s5  }
0x97: {  	s5 =	sld [smem:$0x3FFD];
	_ =	sdelay $0x3  }
0x98: {  	_ =	strace s5  }
0x99: {  	_ =	strace $0x8FFFFFFF  }
0x9a: {  	s19 =	sld [smem:$0x3FDB];
	_ =	sdelay $0x1  }
0x9b: {  	s6 =	simm.s32 $_scs_section_size  }
0x9c: {  	s7 =	simm.s32 $_size__tile_overlayer_lowered;
	s8 =	simm.s32 $_tile_overlayer_lowered  }
0x9d: {  	s22 =	simm.s32 $0x1BFF;
	s21 =	sshll.u32 s8, $0x1;
	s5 =	sadd.s32 s6, s19  }
0x9e: {  	s9 =	simm.s32 $0x0;
	s20 =	sshll.u32 s7, $0x1;
	s7 =	sadd.s32 s21, s5  }
0x9f: {  	[timem:s9], [sflag:s22] =	dma.local [hbm:s7], s20  }
0xa0: {  	_ =	swait.ge [sflag:s22], s20  }
0xa1: {  	s6 =	ssub.s32 $0x0, s20;
	[sflag:s22] =	ssyncset.done $0x0  }
0xa2: {  	[sflag:s22] =	ssyncadd.s32 s6;
	_ =	sdelay $0x1  }
0xa3: {  	s23 =	simm.s32 $0x1B8B  }
0xa4: {  	_ =	swait.ge [sflag:s23], $0x1  }
0xa5: {  	[sflag:s23] =	ssyncset.done $0x0  }
0xa6: {  	s25 =	simm.s32 $0x1B8E;
	s24 =	sld [smem:$0x3FFE];
	[sflag:s23] =	ssyncadd.s32 $0xFFFFFFFF  }
0xa7: {  	s26 =	simm.s32 $execute0_lowered;
	[smem:$0x3FD2] =	sst s25  }
0xa8: {  	s7 =	sshll.u32 s26, $0x1;
	_ =	strace $0x8000004C;
	[dreg:$0x1] =	wrdreg $0xFFFFFFFF  }
0xa9: {  	s28 =	simm.s32 $_size_execute0_lowered;
	s5 =	sadd.s32 s5, s7;
	[dreg:$0x0] =	wrdreg $0x0  }
0xaa: {  	s7 =	sshll.u32 s28, $0x1;
	[dreg:$0x2] =	wrdreg s5  }
0xab: {  	[dreg:$0x3] =	wrdreg s7  }
0xac: {  	[dreg:$0x4] =	wrdreg $0xC0  }
0xad: {  	_ =	task [dreg:s9], $0x5FFFF  }
0xae: {  	[dreg:$0x1] =	wrdreg $0xFFFFFFFF  }
0xaf: {  	[dreg:$0x0] =	wrdreg $0x60  }
0xb0: {  	[dreg:$0x2] =	wrdreg s2  }
0xb1: {  	[dreg:$0x3] =	wrdreg s18  }
0xb2: {  	[dreg:$0x4] =	wrdreg s24  }
0xb3: {  	[dreg:$0x5] =	wrdreg s4  }
0xb4: {  	[dreg:$0x6] =	wrdreg $0x9  }
0xb5: {  	_ =	task.clear_ibuf [dreg:s9], $0x7FFFF;
	_ =	strace $0x9000004C  }
0xb6: {  	s29 =	simm.s32 $0x9;
	_ =	strace $0x8000004E  }
0xb7: {  	_ =	swait.ge [sflag:s29], $0x1  }
0xb8: {  	[sflag:s29] =	ssyncadd.s32 $0xFFFFFFFF  }
0xb9: {  	_ =	strace $0x9000004E  }
0xba: {  	_ =	sfence  }
0xbb: {  	s30 =	sld [smem:$0x0];
	_ =	sdelay $0x2  }
0xbc: {  	s31 =	sshll.u32 s1, $0xD;
	s1 =	sshrl.u32 s1, $0x2  }
0xbd: {  	s3 =	sand.u32 $0x4000, s31;
	s1 =	sadd.s32 s1, s30  }
0xbe: {  	s0 =	sor.u32 s3, s0;
	s1 =	sshll.u32 s1, $0x11  }
0xbf: {  	s0 =	sor.u32 s1, s0  }
0xc0: {  	s0 =	sadd.s32 $0x8F2B, s0  }
0xc1: {  	[sflag:s0] =	ssyncadd.remote.s32 $0x1  }
0xc2: {  	_ =	sfence.sel $0xFFFF  }
0xc3: {  	[dreg:$0x0] =	wrdreg $0xFFFFFFFF;
	(pc) =	sbr.abs _section_cstart, $3  }
0xc4: {  	[dreg:$0x1] =	wrdreg $0xFFFFFFFF  }
0xc5: {  	_ =	task.clear_ibuf [dreg:s9], $0x2FFFF;
	_ =	strace $0x9FFFFFFF  }
0xc6: {  	(tm) =	ssettm $0x7FFFFFFF  }
0xc7: {  	_ =	shalt  }
tec
execute0_lowered:
.L_overlay_start_1:
0x0: {  	(tag) =	ssettag $0x1  }
0x1: {  	v53 =	vlaneseq.u32  }
0x2: {  	v17 =	vimm.s32 $0x14131211;
	v18 =	vimm.s32 $0x18171615;
	v19 =	vimm.s32 $0x1C1B1A19  }
0x3: {  	v21 =	vimm.s32 $0x19181716;
	vm0 =	vcmask $0x1F10;
	v22 =	vimm.s32 $0x1D1C1B1A  }
0x4: {  	v24 =	vimm.s32 $0x16151413;
	v26 =	vimm.s32 $0x1A191817;
	v29 =	vimm.s32 $0x201001F  }
0x5: {  	v30 =	vimm.s32 $0x3020100;
	v31 =	vimm.s32 $0x1F1E1D1C;
	v32 =	vimm.s32 $0x17161514  }
0x6: {  	v33 =	vimm.s32 $0x1B1A1918;
	v48 =	vimm.s32 $0x4030201;
	v49 =	vimm.s32 $0x5040302  }
0x7: {  	v38 =	vimm.s32 $0x6050403;
	v50 =	vimm.s32 $0x98765432;
	v51 =	vimm.s32 $0xA9876543  }
0x8: {  	v52 =	vimm.s32 $0x32107654;
	v58 =	vimm.s32 $0x43218765;
	v59 =	vimm.s32 $0x54329876  }
0x9: {  	v60 =	vimm.s32 $0x6543A987;
	vm15 =	vcmask $0x2F10;
	vm1 =	vcmask $0x3F30  }
0xa: {  	v54 =	vmul.u32 $0x20, v53;
	v12 =	vadd.s32 $0x1, v53;
	v63 =	vadd.s32 $0x2, v53  }
0xb: {  	v2 =	vadd.s32 $0xA, v53;
	v3 =	vadd.s32 $0xC, v53;
	v4 =	vadd.s32 $0xD, v53  }
0xc: {  	v5 =	vadd.s32 $0xE, v53;
	v17 =	vunpack.c.0.s8.s32 v17;
	v20 =	vunpack.c.0.s8.s32 v18  }
0xd: {  	v19 =	vunpack.c.0.s8.s32 v19;
	v18 =	vimm.s32 $0x1F1E1D;
	v21 =	vunpack.c.0.s8.s32 v21  }
0xe: {  	v22 =	vunpack.c.0.s8.s32 v22;
	v27 =	vunpack.c.0.s8.s32 v18;
	v18 =	vimm.s32 $0x15141312  }
0xf: {  	v29 =	vunpack.c.0.s8.s32 v29;
	v30 =	vunpack.c.0.s8.s32 v30;
	v18 =	vunpack.c.0.s8.s32 v18  }
0x10: {  	v31 =	vunpack.c.0.s8.s32 v31;
	v32 =	vunpack.c.0.s8.s32 v32;
	v33 =	vunpack.c.0.s8.s32 v33  }
0x11: {  	v17 =	vsel vm0, v20, v17;
	v23 =	vsel vm0, v21, v18;
	v18 =	vimm.s32 $0x1001F1E  }
0x12: {  	v37 =	vsel vm0, v19, v20;
	v25 =	vsel vm0, v27, v19;
	v28 =	vunpack.c.0.s8.s32 v18  }
0x13: {  	v18 =	vunpack.c.0.s8.s32 v24;
	v24 =	vunpack.c.0.s8.s32 v26;
	v26 =	vimm.s32 $0x1E1D1C1B  }
0x14: {  	v7 =	vcombine.low v17, v25;
	v26 =	vunpack.c.0.s8.s32 v26;
	v34 =	vsel vm0, v28, v22  }
0x15: {  	v35 =	vsel vm0, v24, v18;
	v18 =	vsel vm0, v30, v31;
	v30 =	vsel vm0, v33, v32  }
0x16: {  	v32 =	vunpack.c.0.s8.s32 v49;
	v22 =	vsel vm0, v22, v21;
	v36 =	vsel vm0, v29, v26  }
0x17: {  	v19 =	vmovc v2;
	v8 =	vcombine.low v30, v18;
	v30 =	vunpack.c.0.s8.s32 v48;
	v2 =	vcombine.low v23, v34  }
0x18: {  	v23 =	vunpack.c.0.s8.s32 v38;
	v24 =	vsel vm0, v26, v24;
	v26 =	vimm.s32 $0x76543210  }
0x19: {  	v20 =	vmovc v3;
	v3 =	vcombine.low v35, v36;
	v32 =	vsel vm0, v32, v28;
	v30 =	vsel vm0, v30, v27  }
0x1a: {  	v26 =	vunpack.c.l.s4.s8 v26;
	v9 =	vcombine.low v37, v30;
	v30 =	vimm.s32 $0x87654321  }
0x1b: {  	v10 =	vcombine.low v22, v32;
	v23 =	vsel vm0, v23, v29;
	v30 =	vunpack.c.l.s4.s8 v30  }
0x1c: {  	v32 =	vunpack.c.l.s4.s8 v50;
	v11 =	vcombine.low v24, v23;
	v26 =	vunpack.c.0.s8.s32 v26  }
0x1d: {  	s0 =	rddreg [dreg:$0x0];
	v24 =	vsel vm0, v31, v33;
	v33 =	vunpack.c.l.s4.s8 v51;
	v30 =	vunpack.c.0.s8.s32 v30  }
0x1e: {  	s2 =	rddreg [dreg:$0x1];
	v35 =	vunpack.c.l.s4.s8 v60;
	v32 =	vunpack.c.0.s8.s32 v32;
	v17 =	vcombine.low v24, v26  }
0x1f: {  	s4 =	rddreg [dreg:$0x2];
	v57 =	vunpack.c.0.s8.s32 v33;
	v26 =	vand.u32 $0xF, v30;
	v30 =	vunpack.c.l.s4.s8 v52  }
0x20: {  	s13 =	rddreg [dreg:$0x3];
	s1 =	simm.s32 $0x0;
	s5 =	srdreg.scid;
	v33 =	vunpack.c.l.s4.s8 v58;
	v24 =	vmovc v4;
	v4 =	vcombine.low v25, v26;
	v26 =	vand.u32 $0xF, v32  }
0x21: {  	s7 =	stileid.u32;
	s16 =	simm.s32 $0x200;
	s17 =	simm.s32 $0x280;
	v25 =	vmovc v5;
	v5 =	vcombine.low v34, v26;
	v30 =	vunpack.c.0.s8.s32 v30;
	v34 =	vunpack.c.l.s4.s8 v59  }
0x22: {  	s18 =	simm.s32 $0x300;
	s19 =	simm.s32 $0x80;
	v0 =	vadd.s32 $0x5, v53;
	v1 =	vadd.s32 $0x6, v53;
	[smem:$0x7FF] =	sst s1;
	v33 =	vunpack.c.0.s8.s32 v33  }
0x23: {  	s20 =	simm.s32 $0x180;
	s21 =	simm.s32 $0x380;
	_ =	strace $0x8000004D;
	[tilespmem:$0x1FFC0] =	vst v0;
	v35 =	vunpack.c.0.s8.s32 v35;
	v30 =	vand.u32 $0xF, v30;
	v34 =	vunpack.c.0.s8.s32 v34  }
0x24: {  	s22 =	simm.s32 $0x100;
	s23 =	simm.s32 $0x400;
	s24 =	simm.s32 $0x4400;
	[tilespmem:$0x1FFD0] =	vst v1;
	v33 =	vand.u32 $0xF, v33;
	v30 =	vsel vm15, v30, v31;
	v31 =	vimm.s32 $0xB0A0908  }
0x25: {  	s31 =	simm.s32 $0x7400;
	s25 =	simm.s32 $0x0;
	s5 =	sand.u32 $0x1, s5;
	[tilespmem:$0x1FFE0] =	vst v10;
	v33 =	vsel vm15, v33, v27;
	v31 =	vunpack.c.0.s8.s32 v31;
	v27 =	vand.u32 $0xF, v34  }
0x26: {  	s7 =	sshll.u32 s7, $0x7;
	s6 =	ssub.s32 $0x2, s5;
	s5 =	sshll.u32 s5, $0x6;
	[tilespmem:$0x1FFF0] =	vst v11;
	v34 =	vsel vm15, v27, v28;
	v27 =	vimm.s32 $0xC0B0A09;
	v28 =	vand.u32 $0xF, v35  }
0x27: {  	v6 =	vadd.s32 $0xF, v53;
	s3 =	sadd.s32 $0x3D0C00, s4;
	s8 =	sshrl.u32 s6, $0x1;
	s14 =	sor.u32 s5, s7;
	[tilespmem:$0x1FF50] =	vst v17;
	v35 =	vsel vm15, v28, v29;
	v29 =	vimm.s32 $0xE0D0C0B  }
0x28: {  	s4 =	sadd.s32 $0x200, s4;
	s15 =	ssub.s32 s6, s8;
	s5 =	sadd.s32 s0, s14;
	[tilespmem:$0x1FF90] =	vst v4;
	v26 =	vmovc v6;
	v6 =	vor.u32 $0x10, v53;
	v28 =	vimm.s32 $0xD0C0B0A;
	v39 =	vunpack.c.0.s8.s32 v29  }
0x29: {  	s30 =	sor.u32 $0x10, s14;
	s6 =	sadd.s32 s2, s14;
	s10 =	sor.u32 $0x20, s14;
	[tilespmem:$0x1FF60] =	vst v5;
	v61 =	vunpack.c.0.s8.s32 v27;
	v62 =	vunpack.c.0.s8.s32 v28;
	v27 =	vmovc v7;
	v7 =	vsel vm1, v31, v30  }
0x2a: {  	v13 =	vadd.s32 $0x3, v53;
	s12 =	sor.u32 $0x30, s14;
	s13 =	sadd.s32 s13, s14;
	s7 =	sadd.s32 s0, s30;
	v32 =	vand.u32 $0xF, v57;
	v31 =	vmovc v6;
	v6 =	vsel vm1, v39, v35;
	[tilespmem:$0x1FF70] =	vst v7  }
0x2b: {  	s8 =	sadd.s32 s2, s30;
	s9 =	sadd.s32 s0, s10;
	s10 =	sadd.s32 s2, s10;
	v30 =	vmovc v3;
	v28 =	vmov v2;
	v2 =	vcombine.low v36, v32;
	v3 =	vsel vm1, v62, v34;
	[tilespmem:$0x1FF80] =	vst v6  }
0x2c: {  	v14 =	vadd.s32 $0x4, v53;
	v15 =	vadd.s32 $0x7, v53;
	v16 =	vadd.s32 $0x8, v53;
	s11 =	sadd.s32 s0, s12;
	s12 =	sadd.s32 s2, s12;
	s14 =	smax.u32 s15, $0x1;
	[tilespmem:$0x1FFB0] =	vst v3  }
0x2d: {  	v56 =	vadd.s32 $0x9, v53;
	v55 =	vadd.s32 $0xB, v53;
	s15 =	simm.s32 $0x2;
	s0 =	simm.s32 $0x1;
	s2 =	simm.s32 $0x8400;
	v18 =	vsel vm1, v61, v33;
	[tilespmem:$0x1FFA0] =	vst v2  }
.LBB2_1:
0x2e: {  	[tilespmem:s1], [sflag:$0x2] =	stream.linear.gather [hbm4b:s5+s1], $0x80, $0x38;
	[tilespmem:$0x8600] =	vst v63  }
0x2f: {  	_ =	swait.ge [sflag:s15], $0x80  }
0x30: {  	[sflag:s15] =	ssyncset.done $0x0  }
0x31: {  	[sflag:s15] =	ssyncadd.s32 $0xFFFFFF80  }
0x32: {  	[tilespmem:s16], [sflag:$0x2] =	stream.linear.gather [hbm4b:s6+s1], $0x80, $0x38;
	[tilespmem:$0x8600] =	vst v63  }
0x33: {  	_ =	swait.ge [sflag:s15], $0x80  }
0x34: {  	[sflag:s15] =	ssyncset.done $0x0  }
0x35: {  	[sflag:s15] =	ssyncadd.s32 $0xFFFFFF80  }
0x36: {  	[tilespmem:s19], [sflag:$0x2] =	stream.linear.gather [hbm4b:s7+s1], $0x80, $0x38;
	[tilespmem:$0x8600] =	vst v63  }
0x37: {  	_ =	swait.ge [sflag:s15], $0x80  }
0x38: {  	[sflag:s15] =	ssyncset.done $0x0  }
0x39: {  	[sflag:s15] =	ssyncadd.s32 $0xFFFFFF80  }
0x3a: {  	[tilespmem:s17], [sflag:$0x2] =	stream.linear.gather [hbm4b:s8+s1], $0x80, $0x38;
	[tilespmem:$0x8600] =	vst v63  }
0x3b: {  	_ =	swait.ge [sflag:s15], $0x80  }
0x3c: {  	[sflag:s15] =	ssyncset.done $0x0  }
0x3d: {  	[sflag:s15] =	ssyncadd.s32 $0xFFFFFF80  }
0x3e: {  	[tilespmem:s22], [sflag:$0x2] =	stream.linear.gather [hbm4b:s9+s1], $0x80, $0x38;
	[tilespmem:$0x8600] =	vst v63  }
0x3f: {  	_ =	swait.ge [sflag:s15], $0x80  }
0x40: {  	[sflag:s15] =	ssyncset.done $0x0  }
0x41: {  	[sflag:s15] =	ssyncadd.s32 $0xFFFFFF80  }
0x42: {  	[tilespmem:s18], [sflag:$0x2] =	stream.linear.gather [hbm4b:s10+s1], $0x80, $0x38;
	[tilespmem:$0x8600] =	vst v63  }
0x43: {  	_ =	swait.ge [sflag:s15], $0x80  }
0x44: {  	[sflag:s15] =	ssyncset.done $0x0  }
0x45: {  	[sflag:s15] =	ssyncadd.s32 $0xFFFFFF80  }
0x46: {  	[tilespmem:s20], [sflag:$0x2] =	stream.linear.gather [hbm4b:s11+s1], $0x80, $0x38;
	[tilespmem:$0x8600] =	vst v63  }
0x47: {  	_ =	swait.ge [sflag:s15], $0x80  }
0x48: {  	[sflag:s15] =	ssyncset.done $0x0  }
0x49: {  	[sflag:s15] =	ssyncadd.s32 $0xFFFFFF80  }
0x4a: {  	[tilespmem:s21], [sflag:$0x2] =	stream.linear.gather [hbm4b:s12+s1], $0x80, $0x38;
	[tilespmem:$0x8600] =	vst v63  }
0x4b: {  	_ =	swait.ge [sflag:s15], $0x80  }
0x4c: {  	[sflag:s15] =	ssyncset.done $0x0  }
0x4d: {  	[sflag:s15] =	ssyncadd.s32 $0xFFFFFF80  }
0x4e: {  	[tilespmem:s23], [sflag:$0x1] =	stream.indirect.gather [hbm4b:s3+s19], $0x20, s1, s19, $0xb8;
	[tilespmem:$0x8600] =	vst v63  }
0x4f: {  	_ = 	snop  }
0x50: {  	[tilespmem:s24], [sflag:$0x1] =	stream.indirect.gather [hbm4b:s4+s19], $0x20, s16, s19, $0xb8;
	[tilespmem:$0x8600] =	vst v63  }
0x51: {  	s26 =	simm.s32 $0x1400  }
0x52: {  	[tilespmem:s26], [sflag:$0x1] =	stream.indirect.gather [hbm4b:s3+s19], $0x20, s19, s19, $0xb8;
	[tilespmem:$0x8600] =	vst v63  }
0x53: {  	s30 =	simm.s32 $0x5400  }
0x54: {  	[tilespmem:s30], [sflag:$0x1] =	stream.indirect.gather [hbm4b:s4+s19], $0x20, s17, s19, $0xb8;
	[tilespmem:$0x8600] =	vst v63  }
0x55: {  	s30 =	simm.s32 $0x2400  }
0x56: {  	[tilespmem:s30], [sflag:$0x1] =	stream.indirect.gather [hbm4b:s3+s19], $0x20, s22, s19, $0xb8;
	[tilespmem:$0x8600] =	vst v63  }
0x57: {  	s30 =	simm.s32 $0x6400  }
0x58: {  	[tilespmem:s30], [sflag:$0x1] =	stream.indirect.gather [hbm4b:s4+s19], $0x20, s18, s19, $0xb8;
	[tilespmem:$0x8600] =	vst v63  }
0x59: {  	s30 =	simm.s32 $0x3400  }
0x5a: {  	[tilespmem:s30], [sflag:$0x1] =	stream.indirect.gather [hbm4b:s3+s19], $0x20, s20, s19, $0xb8;
	[tilespmem:$0x8600] =	vst v63  }
0x5b: {  	_ = 	snop  }
0x5c: {  	[tilespmem:s31], [sflag:$0x1] =	stream.indirect.gather [hbm4b:s4+s19], $0x20, s21, s19, $0xb8;
	[tilespmem:$0x8600] =	vst v63  }
0x5d: {  	_ =	swait.ge [sflag:s0], $0x1000  }
0x5e: {  	[sflag:s0] =	ssyncset.done $0x0  }
0x5f: {  	[sflag:s0] =	ssyncadd.s32 $0xFFFFF000  }
0x60: {  	_ =	swait.ge [sflag:s0], $0x1000  }
0x61: {  	[sflag:s0] =	ssyncset.done $0x0  }
0x62: {  	[sflag:s0] =	ssyncadd.s32 $0xFFFFF000  }
0x63: {  	_ =	swait.ge [sflag:s0], $0x1000  }
0x64: {  	[sflag:s0] =	ssyncset.done $0x0  }
0x65: {  	[sflag:s0] =	ssyncadd.s32 $0xFFFFF000  }
0x66: {  	_ =	swait.ge [sflag:s0], $0x1000  }
0x67: {  	[sflag:s0] =	ssyncset.done $0x0  }
0x68: {  	[sflag:s0] =	ssyncadd.s32 $0xFFFFF000  }
0x69: {  	_ =	swait.ge [sflag:s0], $0x1000  }
0x6a: {  	[sflag:s0] =	ssyncset.done $0x0  }
0x6b: {  	[sflag:s0] =	ssyncadd.s32 $0xFFFFF000  }
0x6c: {  	_ =	swait.ge [sflag:s0], $0x1000  }
0x6d: {  	v33 =	vmov s1;
	[sflag:s0] =	ssyncset.done $0x0  }
0x6e: {  	v33 =	vshll.u32 v33, $0x5;
	[sflag:s0] =	ssyncadd.s32 $0xFFFFF000  }
0x6f: {  	v35 =	vor.u32 v54, v33;
	_ =	swait.ge [sflag:s0], $0x1000  }
0x70: {  	v33 =	vor.u32 v12, v35;
	[sflag:s0] =	ssyncset.done $0x0  }
0x71: {  	[sflag:s0] =	ssyncadd.s32 $0xFFFFF000  }
0x72: {  	v34 =	vor.u32 v53, v35;
	_ =	swait.ge [sflag:s0], $0x1000  }
0x73: {  	[sflag:s0] =	ssyncset.done $0x0  }
0x74: {  	v36 =	vor.u32 v63, v35;
	[sflag:s0] =	ssyncadd.s32 $0xFFFFF000  }
0x75: {  	v37 =	vld.idx.msk [tilespmem:v33+s23+$0x0], $0xffff  }
0x76: {  	v40 =	vor.u32 v13, v35;
	v38 =	vld.idx.msk [tilespmem:v33+s24+$0x0], $0xffff  }
0x77: {  	v39 =	vld.idx.msk [tilespmem:v34+s23+$0x0], $0xffff  }
0x78: {  	v34 =	vld.idx.msk [tilespmem:v34+s24+$0x0], $0xffff  }
0x79: {  	v41 =	vor.u32 v14, v35;
	v44 =	vld.idx.msk [tilespmem:v36+s24+$0x0], $0xffff  }
0x7a: {  	v36 =	vld.idx.msk [tilespmem:v36+s23+$0x0], $0xffff  }
0x7b: {  	v42 =	vor.u32 v55, v35;
	v43 =	vor.u32 v15, v35;
	v46 =	vor.u32 v0, v35;
	v49 =	vld.idx.msk [tilespmem:v40+s24+$0x0], $0xffff  }
0x7c: {  	v47 =	vor.u32 v1, v35;
	v2 =	vor.u32 v2, v35;
	v33 =	vor.u32 v18, v35;
	v40 =	vld.idx.msk [tilespmem:v40+s23+$0x0], $0xffff  }
0x7d: {  	v45 =	vshll.u32 v37, $0x10;
	v37 =	vand.u32 $0xFFFF0000, v37;
	v48 =	vshll.u32 v38, $0x10  }
0x7e: {  	v0 =	vld.idx.msk [tilespmem:v41+s24+$0x0], $0xffff;
	v38 =	vand.u32 $0xFFFF0000, v38;
	v61 =	vand.u32 $0xFFFF0000, v39;
	v50 =	vand.u32 $0xFFFF0000, v34  }
0x7f: {  	v39 =	vshll.u32 v39, $0x10;
	v34 =	vshll.u32 v34, $0x10;
	v62 =	vshll.u32 v44, $0x10  }
0x80: {  	v41 =	vld.idx.msk [tilespmem:v41+s23+$0x0], $0xffff;
	v1 =	vshll.u32 v36, $0x10;
	v36 =	vand.u32 $0xFFFF0000, v36;
	v44 =	vand.u32 $0xFFFF0000, v44  }
0x81: {  	v52 =	vand.u32 $0xFFFF0000, v40;
	v57 =	vand.u32 $0xFFFF0000, v49;
	v40 =	vshll.u32 v40, $0x10  }
0x82: {  	v60 =	vld.idx.msk [tilespmem:v47+s24+$0x0], $0xffff;
	v58 =	vshll.u32 v49, $0x10;
	v45 =	vmul.f32 v48, v45;
	v48 =	vmul.f32 v50, v61  }
0x83: {  	v47 =	vld.idx.msk [tilespmem:v47+s23+$0x0], $0xffff;
	v59 =	vand.u32 $0xFFFF0000, v0;
	v37 =	vmul.f32 v38, v37;
	v34 =	vmul.f32 v34, v39  }
0x84: {  	v49 =	vor.u32 v19, v35;
	v38 =	vmul.f32 v62, v1;
	v36 =	vmul.f32 v44, v36;
	v44 =	vld.idx.msk [tilespmem:v46+s24+$0x0], $0xffff  }
0x85: {  	v50 =	vor.u32 v16, v35;
	v46 =	vld.idx.msk [tilespmem:v46+s23+$0x0], $0xffff;
	v61 =	vand.u32 $0xFFFF0000, v41;
	v48 =	vadd.f32 $0.0e+00, v48  }
0x86: {  	v41 =	vshll.u32 v41, $0x10;
	v39 =	vshll.u32 v0, $0x10;
	v1 =	vld.idx.msk [tilespmem:v43+s23+$0x0], $0xffff;
	v34 =	vadd.f32 $0.0e+00, v34  }
0x87: {  	v40 =	vmul.f32 v58, v40;
	v39 =	vmul.f32 v39, v41;
	v37 =	vadd.f32 v37, v48  }
0x88: {  	v43 =	vld.idx.msk [tilespmem:v43+s24+$0x0], $0xffff;
	v34 =	vadd.f32 v45, v34;
	v45 =	vmul.f32 v57, v52;
	v52 =	vand.u32 $0xFFFF0000, v47  }
0x89: {  	v57 =	vand.u32 $0xFFFF0000, v60;
	v48 =	vor.u32 v25, v35;
	v47 =	vshll.u32 v47, $0x10  }
0x8a: {  	v62 =	vshll.u32 v44, $0x10;
	v0 =	vshll.u32 v46, $0x10;
	v46 =	vand.u32 $0xFFFF0000, v46  }
0x8b: {  	v44 =	vand.u32 $0xFFFF0000, v44;
	v58 =	vand.u32 $0xFFFF0000, v1;
	v36 =	vadd.f32 v36, v37  }
0x8c: {  	v37 =	vor.u32 v56, v35;
	v34 =	vadd.f32 v38, v34;
	v44 =	vmul.f32 v44, v46;
	v46 =	vld.idx.msk [tilespmem:v50+s24+$0x0], $0xffff  }
0x8d: {  	v41 =	vmul.f32 v62, v0;
	v50 =	vld.idx.msk [tilespmem:v50+s23+$0x0], $0xffff;
	v38 =	vshll.u32 v60, $0x10;
	v60 =	vshll.u32 v43, $0x10  }
0x8e: {  	v43 =	vand.u32 $0xFFFF0000, v43;
	v62 =	vld.idx.msk [tilespmem:v49+s24+$0x0], $0xffff;
	v36 =	vadd.f32 v45, v36;
	v45 =	vmul.f32 v59, v61  }
0x8f: {  	v38 =	vmul.f32 v38, v47;
	v34 =	vadd.f32 v40, v34;
	v59 =	vshll.u32 v1, $0x10  }
0x90: {  	v40 =	vor.u32 v20, v35;
	v61 =	vmul.f32 v60, v59;
	v36 =	vadd.f32 v45, v36  }
0x91: {  	v49 =	vld.idx.msk [tilespmem:v49+s23+$0x0], $0xffff;
	v34 =	vadd.f32 v39, v34;
	v39 =	vmul.f32 v57, v52;
	v45 =	vor.u32 v26, v35  }
0x92: {  	v47 =	vld.idx.msk [tilespmem:v37+s24+$0x0], $0xffff;
	v0 =	vand.u32 $0xFFFF0000, v50;
	v1 =	vand.u32 $0xFFFF0000, v46;
	v46 =	vshll.u32 v46, $0x10  }
0x93: {  	v37 =	vld.idx.msk [tilespmem:v37+s23+$0x0], $0xffff;
	v50 =	vshll.u32 v50, $0x10;
	v59 =	vand.u32 $0xFFFF0000, v62;
	v34 =	vadd.f32 v41, v34  }
0x94: {  	v62 =	vshll.u32 v62, $0x10;
	v36 =	vadd.f32 v44, v36;
	v44 =	vor.u32 v24, v35  }
0x95: {  	v41 =	vmul.f32 v43, v58;
	v43 =	vmul.f32 v1, v0;
	v34 =	vadd.f32 v38, v34  }
0x96: {  	v32 =	vmul.f32 v46, v50;
	v46 =	vld.idx.msk [tilespmem:v42+s24+$0x0], $0xffff;
	v0 =	vand.u32 $0xFFFF0000, v49;
	v36 =	vadd.f32 v39, v36  }
0x97: {  	v42 =	vld.idx.msk [tilespmem:v42+s23+$0x0], $0xffff;
	v50 =	vor.u32 v31, v35;
	v39 =	vmul.f32 v59, v0;
	v34 =	vadd.f32 v61, v34  }
0x98: {  	v0 =	vld.idx.msk [tilespmem:v45+s24+$0x0], $0xffff;
	v52 =	vshll.u32 v47, $0x10;
	v36 =	vadd.f32 v41, v36;
	v57 =	vshll.u32 v37, $0x10  }
0x99: {  	v37 =	vand.u32 $0xFFFF0000, v37;
	v41 =	vld.idx.msk [tilespmem:v40+s24+$0x0], $0xffff;
	v60 =	vand.u32 $0xFFFF0000, v47;
	v61 =	vshll.u32 v49, $0x10  }
0x9a: {  	v40 =	vld.idx.msk [tilespmem:v40+s23+$0x0], $0xffff;
	v49 =	vor.u32 v27, v35;
	v47 =	vor.u32 v28, v35;
	v58 =	vmul.f32 v52, v57  }
0x9b: {  	v45 =	vld.idx.msk [tilespmem:v45+s23+$0x0], $0xffff;
	v37 =	vmul.f32 v60, v37;
	v38 =	vmul.f32 v62, v61;
	v1 =	vshll.u32 v46, $0x10  }
0x9c: {  	v52 =	vshll.u32 v42, $0x10;
	v60 =	vld.idx.msk [tilespmem:v48+s24+$0x0], $0xffff;
	v34 =	vadd.f32 v32, v34;
	v36 =	vadd.f32 v43, v36  }
0x9d: {  	v46 =	vand.u32 $0xFFFF0000, v46;
	v42 =	vand.u32 $0xFFFF0000, v42;
	v48 =	vld.idx.msk [tilespmem:v48+s23+$0x0], $0xffff;
	v57 =	vmul.f32 v1, v52  }
0x9e: {  	v43 =	vld.idx.msk [tilespmem:v44+s24+$0x0], $0xffff;
	v42 =	vmul.f32 v46, v42;
	v34 =	vadd.f32 v58, v34;
	v36 =	vadd.f32 v37, v36  }
0x9f: {  	v44 =	vld.idx.msk [tilespmem:v44+s23+$0x0], $0xffff;
	v46 =	vshll.u32 v0, $0x10;
	v58 =	vshll.u32 v41, $0x10;
	v59 =	vshll.u32 v40, $0x10  }
0xa0: {  	v41 =	vand.u32 $0xFFFF0000, v41;
	v40 =	vand.u32 $0xFFFF0000, v40;
	v34 =	vadd.f32 v38, v34  }
0xa1: {  	v52 =	vld.idx.msk [tilespmem:v50+s24+$0x0], $0xffff;
	v37 =	vmul.f32 v58, v59;
	v36 =	vadd.f32 v39, v36;
	v39 =	vor.u32 v30, v35  }
0xa2: {  	v40 =	vmul.f32 v41, v40;
	v1 =	vshll.u32 v48, $0x10;
	v51 =	vshll.u32 v60, $0x10  }
0xa3: {  	v38 =	vand.u32 $0xFFFF0000, v60;
	v58 =	vshll.u32 v45, $0x10;
	v45 =	vand.u32 $0xFFFF0000, v45  }
0xa4: {  	v50 =	vld.idx.msk [tilespmem:v50+s23+$0x0], $0xffff;
	v48 =	vand.u32 $0xFFFF0000, v48;
	v61 =	vshll.u32 v44, $0x10;
	v62 =	vshll.u32 v43, $0x10  }
0xa5: {  	v59 =	vld.idx.msk [tilespmem:v49+s24+$0x0], $0xffff;
	v43 =	vand.u32 $0xFFFF0000, v43;
	v44 =	vand.u32 $0xFFFF0000, v44;
	v38 =	vmul.f32 v38, v48  }
0xa6: {  	v60 =	vld.idx.msk [tilespmem:v47+s24+$0x0], $0xffff;
	v41 =	vand.u32 $0xFFFF0000, v52;
	v48 =	vor.u32 v11, v35;
	v34 =	vadd.f32 v57, v34  }
0xa7: {  	v47 =	vld.idx.msk [tilespmem:v47+s23+$0x0], $0xffff;
	v36 =	vadd.f32 v42, v36;
	v42 =	vor.u32 v8, v35;
	v43 =	vmul.f32 v43, v44  }
0xa8: {  	v44 =	vor.u32 v9, v35;
	v57 =	vand.u32 $0xFFFF0000, v0;
	v34 =	vadd.f32 v37, v34  }
0xa9: {  	v49 =	vld.idx.msk [tilespmem:v49+s23+$0x0], $0xffff;
	v37 =	vmul.f32 v62, v61;
	v36 =	vadd.f32 v40, v36;
	v40 =	vmul.f32 v57, v45  }
0xaa: {  	v61 =	vshll.u32 v52, $0x10;
	v62 =	vshll.u32 v50, $0x10;
	v50 =	vand.u32 $0xFFFF0000, v50  }
0xab: {  	v41 =	vmul.f32 v41, v50;
	v0 =	vand.u32 $0xFFFF0000, v59;
	v50 =	vor.u32 v17, v35  }
0xac: {  	v11 =	vshll.u32 v47, $0x10;
	v34 =	vadd.f32 v37, v34;
	v37 =	vmul.f32 v51, v1;
	v51 =	vld.idx.msk [tilespmem:v48+s24+$0x0], $0xffff  }
0xad: {  	v47 =	vand.u32 $0xFFFF0000, v47;
	v45 =	vand.u32 $0xFFFF0000, v60;
	v36 =	vadd.f32 v43, v36;
	v48 =	vld.idx.msk [tilespmem:v48+s23+$0x0], $0xffff  }
0xae: {  	v43 =	vshll.u32 v59, $0x10;
	v1 =	vshll.u32 v49, $0x10;
	v49 =	vand.u32 $0xFFFF0000, v49;
	v59 =	vld.idx.msk [tilespmem:v44+s23+$0x0], $0xffff  }
0xaf: {  	v34 =	vadd.f32 v37, v34;
	v37 =	vmul.f32 v46, v58;
	v36 =	vadd.f32 v38, v36;
	v38 =	vld.idx.msk [tilespmem:v39+s24+$0x0], $0xffff  }
0xb0: {  	v45 =	vmul.f32 v45, v47;
	v46 =	vor.u32 v10, v35;
	v39 =	vld.idx.msk [tilespmem:v39+s23+$0x0], $0xffff;
	v10 =	vshll.u32 v60, $0x10  }
0xb1: {  	v58 =	vld.idx.msk [tilespmem:v44+s24+$0x0], $0xffff;
	v34 =	vadd.f32 v37, v34;
	v37 =	vmul.f32 v61, v62;
	v36 =	vadd.f32 v40, v36  }
0xb2: {  	v49 =	vmul.f32 v0, v49;
	v32 =	vmul.f32 v10, v11;
	v40 =	vld.idx.msk [tilespmem:v42+s24+$0x0], $0xffff;
	v62 =	vor.u32 v4, v35  }
0xb3: {  	v42 =	vld.idx.msk [tilespmem:v42+s23+$0x0], $0xffff;
	v34 =	vadd.f32 v37, v34;
	v37 =	vmul.f32 v43, v1;
	v36 =	vadd.f32 v41, v36  }
0xb4: {  	v1 =	vor.u32 v5, v35;
	v5 =	vshll.u32 v59, $0x10;
	v10 =	vand.u32 $0xFFFF0000, v59  }
0xb5: {  	v59 =	vshll.u32 v48, $0x10;
	v52 =	vshll.u32 v38, $0x10;
	v57 =	vshll.u32 v39, $0x10  }
0xb6: {  	v39 =	vand.u32 $0xFFFF0000, v39;
	v38 =	vand.u32 $0xFFFF0000, v38;
	v4 =	vshll.u32 v58, $0x10  }
0xb7: {  	v0 =	vld.idx.msk [tilespmem:v46+s24+$0x0], $0xffff;
	v34 =	vadd.f32 v37, v34;
	v36 =	vadd.f32 v49, v36;
	v41 =	vmul.f32 v52, v57  }
0xb8: {  	v46 =	vld.idx.msk [tilespmem:v46+s23+$0x0], $0xffff;
	v38 =	vmul.f32 v38, v39;
	v52 =	vand.u32 $0xFFFF0000, v58;
	v60 =	vshll.u32 v42, $0x10  }
0xb9: {  	v61 =	vshll.u32 v40, $0x10;
	v40 =	vand.u32 $0xFFFF0000, v40;
	v42 =	vand.u32 $0xFFFF0000, v42  }
0xba: {  	v49 =	vmul.f32 v52, v10;
	v34 =	vadd.f32 v32, v34;
	v36 =	vadd.f32 v45, v36  }
0xbb: {  	v43 =	vld.idx.msk [tilespmem:v50+s24+$0x0], $0xffff;
	v58 =	vshll.u32 v51, $0x10;
	v37 =	vmul.f32 v61, v60;
	v40 =	vmul.f32 v40, v42  }
0xbc: {  	v50 =	vld.idx.msk [tilespmem:v50+s23+$0x0], $0xffff;
	v60 =	vand.u32 $0xFFFF0000, v48;
	v34 =	vadd.f32 v41, v34;
	v36 =	vadd.f32 v38, v36  }
0xbd: {  	v41 =	vmul.f32 v4, v5;
	v11 =	vand.u32 $0xFFFF0000, v0;
	v57 =	vshll.u32 v46, $0x10  }
0xbe: {  	v46 =	vand.u32 $0xFFFF0000, v46;
	v37 =	vadd.f32 v37, v34;
	v36 =	vadd.f32 v40, v36  }
0xbf: {  	v61 =	vand.u32 $0xFFFF0000, v51;
	v45 =	vshll.u32 v0, $0x10;
	v46 =	vmul.f32 v11, v46;
	v34 =	vld.idx.msk [tilespmem:v33+s23+$0x0], $0xffff  }
0xc0: {  	v42 =	vld.idx.msk [tilespmem:v62+s24+$0x0], $0xffff;
	v40 =	vmul.f32 v45, v57;
	v41 =	vadd.f32 v41, v37;
	v36 =	vadd.f32 v49, v36  }
0xc1: {  	v39 =	vld.idx.msk [tilespmem:v2+s23+$0x0], $0xffff;
	v48 =	vmul.f32 v61, v60;
	v52 =	vshll.u32 v50, $0x10;
	v38 =	vor.u32 v7, v35  }
0xc2: {  	v44 =	vld.idx.msk [tilespmem:v1+s23+$0x0], $0xffff;
	v49 =	vmul.f32 v58, v59;
	v40 =	vadd.f32 v40, v41;
	v46 =	vadd.f32 v46, v36  }
0xc3: {  	v45 =	vld.idx.msk [tilespmem:v62+s23+$0x0], $0xffff;
	v62 =	vshll.u32 v43, $0x10;
	v37 =	vor.u32 v3, v35;
	v36 =	vor.u32 v6, v35  }
0xc4: {  	v41 =	vld.idx.msk [tilespmem:v1+s24+$0x0], $0xffff;
	v35 =	vshll.u32 v34, $0x10;
	v47 =	vadd.f32 v49, v40;
	v46 =	vadd.f32 v48, v46  }
0xc5: {  	s28 =	simm.s32 $0x10;
	s29 =	simm.s32 $0x8400;
	v29 =	vmovc v8;
	s26 =	simm.s32 $0x8400;
	v32 =	vmovc v9;
	v40 =	vld.idx.msk [tilespmem:v2+s24+$0x0], $0xffff;
	v49 =	vand.u32 $0xFFFF0000, v50;
	v50 =	vmul.f32 v62, v52;
	v48 =	vand.u32 $0xFFFF0000, v42  }
.LBB2_2:
0xc6: {  	v43 =	vand.u32 $0xFFFF0000, v43  }
0xc7: {  	v43 =	vmul.f32 v43, v49  }
0xc8: {  	v42 =	vshll.u32 v42, $0x10;
	v0 =	vld.idx.msk [tilespmem:v38+s24+$0x0], $0xffff;
	v34 =	vand.u32 $0xFFFF0000, v34;
	v47 =	vadd.f32 v50, v47  }
0xc9: {  	v2 =	vld.idx.msk [tilespmem:v38+s23+$0x0], $0xffff;
	v43 =	vadd.f32 v43, v46;
	v51 =	vshll.u32 v45, $0x10;
	v62 =	vand.u32 $0xFFFF0000, v45  }
0xca: {  	v1 =	vshll.u32 v41, $0x10;
	v3 =	vshll.u32 v44, $0x10;
	v4 =	vand.u32 $0xFFFF0000, v44  }
0xcb: {  	v33 =	vld.idx.msk [tilespmem:v33+s24+$0x0], $0xffff;
	v5 =	vand.u32 $0xFFFF0000, v41;
	v6 =	vand.u32 $0xFFFF0000, v40;
	v8 =	vshll.u32 v39, $0x10  }
0xcc: {  	v9 =	vand.u32 $0xFFFF0000, v39;
	v42 =	vmul.f32 v42, v51;
	v45 =	vmul.f32 v48, v62  }
0xcd: {  	v11 =	vld.idx.msk [tilespmem:v37+s24+$0x0], $0xffff;
	v10 =	vshll.u32 v40, $0x10;
	v7 =	vmul.f32 v1, v3;
	v41 =	vmul.f32 v5, v4  }
0xce: {  	v40 =	vmul.f32 v10, v8;
	v48 =	vand.u32 $0xFFFF0000, v0;
	v51 =	vshll.u32 v2, $0x10  }
0xcf: {  	v59 =	vld.idx.msk [tilespmem:v36+s23+$0x0], $0xffff;
	v38 =	vand.u32 $0xFFFF0000, v2;
	v42 =	vadd.f32 v42, v47;
	v43 =	vadd.f32 v45, v43  }
0xd0: {  	v50 =	vld.idx.msk [tilespmem:v37+s23+$0x0], $0xffff;
	v39 =	vmul.f32 v6, v9;
	v52 =	vshll.u32 v0, $0x10;
	v60 =	vshll.u32 v33, $0x10  }
0xd1: {  	v57 =	vld.idx.msk [tilespmem:v36+s24+$0x0], $0xffff;
	v33 =	vand.u32 $0xFFFF0000, v33;
	v42 =	vadd.f32 v7, v42;
	v41 =	vadd.f32 v41, v43  }
0xd2: {  	v61 =	vand.u32 $0xFFFF0000, v11;
	v0 =	vshll.u32 v11, $0x10;
	v38 =	vmul.f32 v48, v38  }
0xd3: {  	v58 =	vmul.f32 v52, v51;
	v40 =	vadd.f32 v40, v42;
	v39 =	vadd.f32 v39, v41  }
0xd4: {  	v36 =	vand.u32 $0xFFFF0000, v59;
	v35 =	vmul.f32 v60, v35;
	v33 =	vmul.f32 v33, v34  }
0xd5: {  	v37 =	vand.u32 $0xFFFF0000, v50;
	v40 =	vadd.f32 v58, v40;
	v38 =	vadd.f32 v38, v39  }
0xd6: {  	v3 =	vand.u32 $0xFFFF0000, v57;
	v62 =	vshll.u32 v50, $0x10;
	v37 =	vmul.f32 v61, v37  }
0xd7: {  	v34 =	vmul.f32 v0, v62;
	v35 =	vadd.f32 v35, v40;
	v33 =	vadd.f32 v33, v38  }
0xd8: {  	v1 =	vshll.u32 v57, $0x10;
	v2 =	vshll.u32 v59, $0x10;
	v4 =	vmul.f32 v3, v36  }
0xd9: {  	v38 =	vmul.f32 v1, v2;
	v33 =	vadd.f32 v37, v33;
	v34 =	vadd.f32 v34, v35;
	_ =	sdelay $0x1  }
0xda: {  	v34 =	vadd.f32 v38, v34;
	v33 =	vadd.f32 v4, v33;
	_ =	sdelay $0x1  }
0xdb: {  	s30 =	smov.u32 s28;
	v33 =	vadd.f32 v33, v34  }
0xdc: {  	v5 =	vmov s30;
	v8 =	vld [tilespmem:$0x1FF50]  }
0xdd: {  	v9 =	vld [tilespmem:$0x1FF60];
	[tilespmem:s26+$0x0] =	vst v33;
	v33 =	vshll.u32 v5, $0x5  }
0xde: {  	v10 =	vld [tilespmem:$0x1FFA0];
	v58 =	vor.u32 v54, v33  }
0xdf: {  	v21 =	vmovc v56;
	v11 =	vld [tilespmem:$0x1FFB0];
	v35 =	vor.u32 v53, v58;
	v6 =	vor.u32 v12, v58;
	v59 =	vor.u32 v13, v58  }
0xe0: {  	v22 =	vmovc v19;
	v7 =	vld [tilespmem:$0x1FFF0];
	v60 =	vor.u32 v14, v58;
	v61 =	vor.u32 v15, v58;
	v62 =	vor.u32 v16, v58  }
0xe1: {  	v3 =	vld [tilespmem:$0x1FF70];
	v57 =	vor.u32 v56, v58;
	v56 =	vor.u32 v19, v58;
	v19 =	vmovc v15;
	v15 =	vmovc v13;
	v13 =	vmov v12  }
0xe2: {  	v36 =	vld [tilespmem:$0x1FF80];
	v12 =	vmovc v54;
	v54 =	vor.u32 v20, v58;
	v53 =	vor.u32 v24, v58;
	v52 =	vor.u32 v25, v58  }
0xe3: {  	v17 =	vmovc v31;
	v1 =	vld [tilespmem:$0x1FFE0];
	v51 =	vor.u32 v26, v58;
	v50 =	vor.u32 v31, v58;
	v49 =	vor.u32 v27, v58  }
0xe4: {  	v2 =	vld [tilespmem:$0x1FF90];
	v48 =	vor.u32 v28, v58;
	v47 =	vor.u32 v30, v58;
	v31 =	vmovc v30;
	v30 =	vmovc v28;
	v28 =	vmov v27  }
0xe5: {  	v27 =	vmovc v26;
	v26 =	vmovc v25;
	v25 =	vmov v24;
	v24 =	vmov v20;
	v43 =	vor.u32 v7, v58;
	v7 =	vld [tilespmem:$0x1FFC0]  }
0xe6: {  	v20 =	vmovc v16;
	v16 =	vmovc v14;
	v14 =	vmov v63;
	v63 =	vor.u32 v63, v58;
	v42 =	vor.u32 v8, v58;
	v8 =	vld [tilespmem:$0x1FFD0]  }
0xe7: {  	v0 =	vld.idx.msk [tilespmem:v6+s23+$0x0], $0xffff  }
0xe8: {  	v33 =	vor.u32 v18, v58;
	v44 =	vor.u32 v1, v58;
	v1 =	vld.idx.msk [tilespmem:v6+s24+$0x0], $0xffff  }
0xe9: {  	v23 =	vor.u32 v55, v58;
	v46 =	vor.u32 v29, v58;
	v41 =	vor.u32 v2, v58;
	v2 =	vld.idx.msk [tilespmem:v35+s23+$0x0], $0xffff  }
0xea: {  	v45 =	vor.u32 v32, v58;
	v40 =	vor.u32 v9, v58;
	v38 =	vor.u32 v3, v58;
	v3 =	vld.idx.msk [tilespmem:v35+s24+$0x0], $0xffff  }
0xeb: {  	v39 =	vor.u32 v10, v58;
	v37 =	vor.u32 v11, v58;
	v36 =	vor.u32 v36, v58;
	v4 =	vld.idx.msk [tilespmem:v63+s24+$0x0], $0xffff  }
0xec: {  	v63 =	vld.idx.msk [tilespmem:v63+s23+$0x0], $0xffff;
	v7 =	vor.u32 v7, v58;
	v58 =	vor.u32 v8, v58;
	v5 =	vshll.u32 v0, $0x10  }
0xed: {  	v6 =	vld.idx.msk [tilespmem:v59+s24+$0x0], $0xffff;
	v0 =	vand.u32 $0xFFFF0000, v0;
	v8 =	vshll.u32 v1, $0x10;
	v1 =	vand.u32 $0xFFFF0000, v1  }
0xee: {  	v59 =	vld.idx.msk [tilespmem:v59+s23+$0x0], $0xffff;
	v9 =	vshll.u32 v2, $0x10;
	v2 =	vand.u32 $0xFFFF0000, v2;
	v5 =	vmul.f32 v8, v5  }
0xef: {  	v34 =	vld.idx.msk [tilespmem:v33+s23+$0x0], $0xffff;
	v0 =	vmul.f32 v1, v0;
	v8 =	vshll.u32 v3, $0x10;
	v3 =	vand.u32 $0xFFFF0000, v3  }
0xf0: {  	v1 =	vld.idx.msk [tilespmem:v60+s24+$0x0], $0xffff;
	v8 =	vmul.f32 v8, v9;
	v2 =	vmul.f32 v3, v2;
	v3 =	vshll.u32 v4, $0x10  }
0xf1: {  	v60 =	vld.idx.msk [tilespmem:v60+s23+$0x0], $0xffff;
	v9 =	vshll.u32 v63, $0x10;
	v63 =	vand.u32 $0xFFFF0000, v63;
	v4 =	vand.u32 $0xFFFF0000, v4  }
0xf2: {  	v10 =	vshll.u32 v6, $0x10;
	v3 =	vmul.f32 v3, v9;
	v9 =	vld.idx.msk [tilespmem:v7+s24+$0x0], $0xffff;
	v4 =	vmul.f32 v4, v63  }
0xf3: {  	v63 =	vshll.u32 v59, $0x10;
	v7 =	vld.idx.msk [tilespmem:v7+s23+$0x0], $0xffff;
	v8 =	vadd.f32 $0.0e+00, v8;
	v2 =	vadd.f32 $0.0e+00, v2  }
0xf4: {  	v35 =	vshll.u32 v34, $0x10;
	v6 =	vand.u32 $0xFFFF0000, v6;
	v10 =	vmul.f32 v10, v63  }
0xf5: {  	v5 =	vadd.f32 v5, v8;
	v0 =	vadd.f32 v0, v2;
	v2 =	vand.u32 $0xFFFF0000, v1  }
0xf6: {  	v11 =	vld.idx.msk [tilespmem:v58+s24+$0x0], $0xffff;
	v8 =	vand.u32 $0xFFFF0000, v59;
	v59 =	vshll.u32 v60, $0x10;
	v1 =	vshll.u32 v1, $0x10  }
0xf7: {  	v1 =	vmul.f32 v1, v59;
	v0 =	vadd.f32 v4, v0;
	v4 =	vmul.f32 v6, v8;
	v6 =	vld.idx.msk [tilespmem:v58+s23+$0x0], $0xffff  }
0xf8: {  	v3 =	vadd.f32 v3, v5;
	v58 =	vand.u32 $0xFFFF0000, v60;
	v5 =	vld.idx.msk [tilespmem:v61+s23+$0x0], $0xffff;
	v60 =	vshll.u32 v7, $0x10  }
0xf9: {  	v8 =	vld.idx.msk [tilespmem:v61+s24+$0x0], $0xffff;
	v7 =	vand.u32 $0xFFFF0000, v7;
	v61 =	vand.u32 $0xFFFF0000, v9;
	v2 =	vmul.f32 v2, v58  }
0xfa: {  	v59 =	vld.idx.msk [tilespmem:v62+s24+$0x0], $0xffff;
	v0 =	vadd.f32 v4, v0;
	v4 =	vshll.u32 v9, $0x10;
	v3 =	vadd.f32 v10, v3  }
0xfb: {  	v9 =	vld.idx.msk [tilespmem:v62+s23+$0x0], $0xffff;
	v62 =	vshll.u32 v11, $0x10;
	v11 =	vand.u32 $0xFFFF0000, v11;
	v4 =	vmul.f32 v4, v60  }
0xfc: {  	v0 =	vadd.f32 v2, v0;
	v2 =	vmul.f32 v61, v7;
	v1 =	vadd.f32 v1, v3  }
0xfd: {  	v58 =	vshll.u32 v6, $0x10;
	v6 =	vand.u32 $0xFFFF0000, v6;
	v7 =	vand.u32 $0xFFFF0000, v5  }
0xfe: {  	v3 =	vld.idx.msk [tilespmem:v57+s24+$0x0], $0xffff;
	v5 =	vshll.u32 v5, $0x10;
	v0 =	vadd.f32 v2, v0;
	v60 =	vmul.f32 v11, v6  }
0xff: {  	v61 =	vmul.f32 v62, v58;
	v62 =	vand.u32 $0xFFFF0000, v8;
	v11 =	vld.idx.msk [tilespmem:v57+s23+$0x0], $0xffff;
	v8 =	vshll.u32 v8, $0x10  }
0x100: {  	v1 =	vadd.f32 v4, v1;
	v2 =	vshll.u32 v59, $0x10;
	v4 =	vld.idx.msk [tilespmem:v56+s24+$0x0], $0xffff;
	v5 =	vmul.f32 v8, v5  }
0x101: {  	v56 =	vld.idx.msk [tilespmem:v56+s23+$0x0], $0xffff;
	v7 =	vmul.f32 v62, v7;
	v62 =	vshll.u32 v9, $0x10;
	v0 =	vadd.f32 v60, v0  }
0x102: {  	v10 =	vld.idx.msk [tilespmem:v23+s23+$0x0], $0xffff;
	v60 =	vand.u32 $0xFFFF0000, v9;
	v1 =	vadd.f32 v61, v1;
	v61 =	vand.u32 $0xFFFF0000, v59  }
0x103: {  	v8 =	vld.idx.msk [tilespmem:v23+s24+$0x0], $0xffff;
	v2 =	vmul.f32 v2, v62;
	v6 =	vmul.f32 v61, v60;
	v57 =	vshll.u32 v3, $0x10  }
0x104: {  	v3 =	vand.u32 $0xFFFF0000, v3;
	v1 =	vadd.f32 v5, v1;
	v0 =	vadd.f32 v7, v0;
	v7 =	vld.idx.msk [tilespmem:v54+s24+$0x0], $0xffff  }
0x105: {  	v5 =	vld.idx.msk [tilespmem:v53+s23+$0x0], $0xffff;
	v58 =	vshll.u32 v11, $0x10;
	v9 =	vand.u32 $0xFFFF0000, v11;
	v60 =	vand.u32 $0xFFFF0000, v4  }
0x106: {  	v61 =	vshll.u32 v56, $0x10;
	v11 =	vld.idx.msk [tilespmem:v54+s23+$0x0], $0xffff;
	v62 =	vand.u32 $0xFFFF0000, v56;
	v4 =	vshll.u32 v4, $0x10  }
0x107: {  	v54 =	vld.idx.msk [tilespmem:v53+s24+$0x0], $0xffff;
	v53 =	vlaneseq.u32;
	v1 =	vadd.f32 v2, v1;
	v59 =	vmul.f32 v57, v58  }
0x108: {  	v0 =	vadd.f32 v6, v0;
	v3 =	vmul.f32 v3, v9;
	v2 =	vmul.f32 v60, v62  }
0x109: {  	v4 =	vmul.f32 v4, v61;
	v57 =	vshll.u32 v8, $0x10;
	v8 =	vand.u32 $0xFFFF0000, v8  }
0x10a: {  	v58 =	vshll.u32 v10, $0x10;
	v6 =	vld.idx.msk [tilespmem:v52+s23+$0x0], $0xffff;
	v1 =	vadd.f32 v59, v1;
	v0 =	vadd.f32 v3, v0  }
0x10b: {  	v9 =	vld.idx.msk [tilespmem:v51+s24+$0x0], $0xffff;
	v59 =	vand.u32 $0xFFFF0000, v10;
	v3 =	vmul.f32 v57, v58;
	v60 =	vshll.u32 v7, $0x10  }
0x10c: {  	v61 =	vmul.f32 v8, v59;
	v58 =	vand.u32 $0xFFFF0000, v7;
	v59 =	vand.u32 $0xFFFF0000, v5  }
0x10d: {  	v10 =	vld.idx.msk [tilespmem:v52+s24+$0x0], $0xffff;
	v1 =	vadd.f32 v4, v1;
	v0 =	vadd.f32 v2, v0;
	v62 =	vshll.u32 v11, $0x10  }
0x10e: {  	v8 =	vld.idx.msk [tilespmem:v51+s23+$0x0], $0xffff;
	v57 =	vand.u32 $0xFFFF0000, v54;
	v11 =	vand.u32 $0xFFFF0000, v11;
	v52 =	vmul.f32 v60, v62  }
0x10f: {  	v60 =	vshll.u32 v5, $0x10;
	v4 =	vmul.f32 v57, v59;
	v5 =	vld.idx.msk [tilespmem:v50+s24+$0x0], $0xffff;
	v2 =	vmul.f32 v58, v11  }
0x110: {  	v62 =	vshll.u32 v6, $0x10;
	v50 =	vld.idx.msk [tilespmem:v50+s23+$0x0], $0xffff;
	v58 =	vand.u32 $0xFFFF0000, v9;
	v1 =	vadd.f32 v3, v1  }
0x111: {  	v11 =	vld.idx.msk [tilespmem:v49+s24+$0x0], $0xffff;
	v51 =	vand.u32 $0xFFFF0000, v6;
	v0 =	vadd.f32 v61, v0;
	v61 =	vshll.u32 v54, $0x10  }
0x112: {  	v49 =	vld.idx.msk [tilespmem:v49+s23+$0x0], $0xffff;
	v3 =	vmul.f32 v61, v60;
	v59 =	vand.u32 $0xFFFF0000, v10;
	v1 =	vadd.f32 v52, v1  }
0x113: {  	v6 =	vld.idx.msk [tilespmem:v48+s24+$0x0], $0xffff;
	v52 =	vshll.u32 v10, $0x10;
	v0 =	vadd.f32 v2, v0;
	v60 =	vshll.u32 v8, $0x10  }
0x114: {  	v61 =	vand.u32 $0xFFFF0000, v8;
	v2 =	vmul.f32 v59, v51;
	v57 =	vmul.f32 v52, v62  }
0x115: {  	v62 =	vshll.u32 v9, $0x10;
	v1 =	vadd.f32 v3, v1;
	v0 =	vadd.f32 v4, v0  }
0x116: {  	v8 =	vld.idx.msk [tilespmem:v47+s24+$0x0], $0xffff;
	v3 =	vmul.f32 v58, v61;
	v52 =	vmul.f32 v62, v60;
	v58 =	vshll.u32 v50, $0x10  }
0x117: {  	v9 =	vld.idx.msk [tilespmem:v48+s23+$0x0], $0xffff;
	v59 =	vand.u32 $0xFFFF0000, v50;
	v60 =	vand.u32 $0xFFFF0000, v11;
	v62 =	vshll.u32 v11, $0x10  }
0x118: {  	v10 =	vld.idx.msk [tilespmem:v47+s23+$0x0], $0xffff;
	v48 =	vshll.u32 v49, $0x10;
	v49 =	vand.u32 $0xFFFF0000, v49;
	v51 =	vshll.u32 v6, $0x10  }
0x119: {  	v47 =	vld.idx.msk [tilespmem:v46+s24+$0x0], $0xffff;
	v50 =	vmul.f32 v60, v49;
	v1 =	vadd.f32 v57, v1;
	v57 =	vshll.u32 v5, $0x10  }
0x11a: {  	v5 =	vand.u32 $0xFFFF0000, v5;
	v0 =	vadd.f32 v2, v0;
	v4 =	vmul.f32 v57, v58  }
0x11b: {  	v49 =	vld.idx.msk [tilespmem:v44+s23+$0x0], $0xffff;
	v61 =	vmul.f32 v5, v59;
	v58 =	vand.u32 $0xFFFF0000, v6;
	v60 =	vshll.u32 v8, $0x10  }
0x11c: {  	v6 =	vld.idx.msk [tilespmem:v45+s24+$0x0], $0xffff;
	v1 =	vadd.f32 v52, v1;
	v57 =	vshll.u32 v9, $0x10;
	v9 =	vand.u32 $0xFFFF0000, v9  }
0x11d: {  	v0 =	vadd.f32 v3, v0;
	v52 =	vld.idx.msk [tilespmem:v46+s23+$0x0], $0xffff;
	v59 =	vmul.f32 v51, v57;
	v2 =	vmul.f32 v58, v9  }
0x11e: {  	v57 =	vshll.u32 v47, $0x10;
	v1 =	vadd.f32 v4, v1;
	v4 =	vmul.f32 v62, v48  }
0x11f: {  	v11 =	vld.idx.msk [tilespmem:v43+s24+$0x0], $0xffff;
	v0 =	vadd.f32 v61, v0;
	v62 =	vshll.u32 v10, $0x10;
	v10 =	vand.u32 $0xFFFF0000, v10  }
0x120: {  	v61 =	vld.idx.msk [tilespmem:v45+s23+$0x0], $0xffff;
	v48 =	vand.u32 $0xFFFF0000, v47;
	v47 =	vshll.u32 v49, $0x10;
	v3 =	vmul.f32 v60, v62  }
0x121: {  	v63 =	vmovc v14;
	v14 =	vmovc v16;
	v1 =	vadd.f32 v4, v1;
	v0 =	vadd.f32 v50, v0;
	v50 =	vand.u32 $0xFFFF0000, v8  }
0x122: {  	v16 =	vmovc v20;
	v20 =	vmovc v24;
	v45 =	vld.idx.msk [tilespmem:v44+s24+$0x0], $0xffff;
	v58 =	vshll.u32 v6, $0x10;
	v46 =	vand.u32 $0xFFFF0000, v6;
	v51 =	vand.u32 $0xFFFF0000, v52  }
0x123: {  	v24 =	vmovc v25;
	v25 =	vmovc v26;
	v52 =	vshll.u32 v52, $0x10;
	v4 =	vmul.f32 v50, v10;
	v1 =	vadd.f32 v59, v1  }
0x124: {  	v60 =	vld.idx.msk [tilespmem:v43+s23+$0x0], $0xffff;
	v0 =	vadd.f32 v2, v0;
	v2 =	vmul.f32 v57, v52;
	v5 =	vmul.f32 v48, v51  }
0x125: {  	v26 =	vmovc v27;
	v27 =	vmovc v28;
	v48 =	vand.u32 $0xFFFF0000, v49;
	v52 =	vshll.u32 v11, $0x10;
	v59 =	vshll.u32 v61, $0x10  }
0x126: {  	v28 =	vmovc v30;
	v50 =	vld.idx.msk [tilespmem:v42+s23+$0x0], $0xffff;
	v7 =	vand.u32 $0xFFFF0000, v61;
	v1 =	vadd.f32 v3, v1;
	v0 =	vadd.f32 v4, v0  }
0x127: {  	v30 =	vmovc v31;
	v31 =	vmovc v17;
	v43 =	vld.idx.msk [tilespmem:v42+s24+$0x0], $0xffff;
	v62 =	vand.u32 $0xFFFF0000, v45;
	v49 =	vshll.u32 v45, $0x10;
	v61 =	vmul.f32 v58, v59  }
0x128: {  	v42 =	vld.idx.msk [tilespmem:v41+s24+$0x0], $0xffff;
	v4 =	vmul.f32 v46, v7;
	v1 =	vadd.f32 v2, v1;
	v0 =	vadd.f32 v5, v0  }
0x129: {  	p0 =	sne.s32 s28, $0x1F0;
	v56 =	vmovc v21;
	v54 =	vmovc v12;
	v51 =	vmul.f32 v49, v47;
	v58 =	vand.u32 $0xFFFF0000, v60;
	v59 =	vand.u32 $0xFFFF0000, v11  }
.Ltmp0:
0x12a: {  	v44 =	vld.idx.msk [tilespmem:v40+s23+$0x0], $0xffff;
	v2 =	vmul.f32 v62, v48;
	v1 =	vadd.f32 v61, v1;
	v0 =	vadd.f32 v4, v0;
	(pc) =	sbr.rel @p0 .LBB2_2-.Ltmp0, $4  }
0x12b: {  	v12 =	vmovc v13;
	v13 =	vmovc v15;
	v45 =	vld.idx.msk [tilespmem:v41+s23+$0x0], $0xffff;
	v57 =	vshll.u32 v60, $0x10;
	v60 =	vmul.f32 v59, v58;
	v62 =	vshll.u32 v50, $0x10  }
0x12c: {  	v41 =	vld.idx.msk [tilespmem:v40+s24+$0x0], $0xffff;
	v4 =	vmul.f32 v52, v57;
	v1 =	vadd.f32 v51, v1;
	v0 =	vadd.f32 v2, v0  }
0x12d: {  	s29 =	sadd.s32 $0x10, s29;
	v15 =	vmovc v19;
	v19 =	vmovc v22;
	v40 =	vld.idx.msk [tilespmem:v39+s24+$0x0], $0xffff;
	v49 =	vand.u32 $0xFFFF0000, v50;
	v48 =	vand.u32 $0xFFFF0000, v42;
	v61 =	vshll.u32 v43, $0x10  }
0x12e: {  	s28 =	sadd.s32 $0x10, s28;
	s26 =	smov.u32 s29;
	v39 =	vld.idx.msk [tilespmem:v39+s23+$0x0], $0xffff;
	v50 =	vmul.f32 v61, v62;
	v47 =	vadd.f32 v4, v1;
	v46 =	vadd.f32 v60, v0  }
0x12f: {  	_ = 	snop  }
0x130: {  	v0 =	vand.u32 $0xFFFF0000, v43;
	v3 =	vshll.u32 v42, $0x10  }
0x131: {  	v7 =	vshll.u32 v44, $0x10;
	v1 =	vshll.u32 v45, $0x10;
	v0 =	vmul.f32 v0, v49  }
0x132: {  	v2 =	vand.u32 $0xFFFF0000, v45;
	v4 =	vadd.f32 v50, v47;
	v1 =	vmul.f32 v3, v1  }
0x133: {  	v5 =	vld.idx.msk [tilespmem:v38+s24+$0x0], $0xffff;
	v8 =	vand.u32 $0xFFFF0000, v44;
	v2 =	vmul.f32 v48, v2;
	v0 =	vadd.f32 v0, v46  }
0x134: {  	v6 =	vld.idx.msk [tilespmem:v38+s23+$0x0], $0xffff;
	v3 =	vshll.u32 v41, $0x10;
	v9 =	vand.u32 $0xFFFF0000, v40;
	v1 =	vadd.f32 v1, v4  }
0x135: {  	v4 =	vand.u32 $0xFFFF0000, v41;
	v0 =	vadd.f32 v2, v0;
	v2 =	vmul.f32 v3, v7  }
0x136: {  	v10 =	vand.u32 $0xFFFF0000, v39;
	v3 =	vmul.f32 v4, v8;
	v4 =	vld.idx.msk [tilespmem:v33+s24+$0x0], $0xffff;
	v7 =	vshll.u32 v39, $0x10  }
0x137: {  	v8 =	vshll.u32 v40, $0x10;
	v9 =	vmul.f32 v9, v10;
	v1 =	vadd.f32 v2, v1  }
0x138: {  	v11 =	vld.idx.msk [tilespmem:v37+s23+$0x0], $0xffff;
	v2 =	vmul.f32 v8, v7;
	v8 =	vand.u32 $0xFFFF0000, v5;
	v0 =	vadd.f32 v3, v0  }
0x139: {  	v7 =	vld.idx.msk [tilespmem:v37+s24+$0x0], $0xffff;
	v3 =	vshll.u32 v6, $0x10;
	v6 =	vand.u32 $0xFFFF0000, v6;
	v5 =	vshll.u32 v5, $0x10  }
0x13a: {  	v6 =	vmul.f32 v8, v6;
	v8 =	vld.idx.msk [tilespmem:v36+s24+$0x0], $0xffff;
	v1 =	vadd.f32 v2, v1;
	v2 =	vmul.f32 v5, v3  }
0x13b: {  	v3 =	vand.u32 $0xFFFF0000, v34;
	v5 =	vld.idx.msk [tilespmem:v36+s23+$0x0], $0xffff;
	v0 =	vadd.f32 v9, v0;
	v9 =	vshll.u32 v4, $0x10  }
0x13c: {  	v4 =	vand.u32 $0xFFFF0000, v4;
	v1 =	vadd.f32 v2, v1;
	v2 =	vmul.f32 v9, v35  }
0x13d: {  	v0 =	vadd.f32 v6, v0;
	v3 =	vmul.f32 v4, v3;
	v4 =	vshll.u32 v11, $0x10  }
0x13e: {  	v9 =	vand.u32 $0xFFFF0000, v7;
	v1 =	vadd.f32 v2, v1;
	v2 =	vand.u32 $0xFFFF0000, v11  }
0x13f: {  	v6 =	vshll.u32 v7, $0x10;
	v0 =	vadd.f32 v3, v0;
	v2 =	vmul.f32 v9, v2  }
0x140: {  	v3 =	vshll.u32 v8, $0x10;
	v4 =	vmul.f32 v6, v4;
	v6 =	vshll.u32 v5, $0x10  }
0x141: {  	v5 =	vand.u32 $0xFFFF0000, v5;
	v0 =	vadd.f32 v2, v0;
	v2 =	vand.u32 $0xFFFF0000, v8  }
0x142: {  	v3 =	vmul.f32 v3, v6;
	v1 =	vadd.f32 v4, v1;
	v2 =	vmul.f32 v2, v5;
	_ =	sdelay $0x1  }
0x143: {  	v1 =	vadd.f32 v3, v1;
	v0 =	vadd.f32 v2, v0;
	_ =	sdelay $0x1  }
0x144: {  	v0 =	vadd.f32 v0, v1;
	_ =	sdelay $0x1  }
0x145: {  	[tilespmem:s26+$0x0] =	vst v0  }
0x146: {  	[hbm4b:s13+s1] =	stream.linear.scatter [tilespmem:s2], [sflag:$0x2], $0x200, $0x38;
	[tilespmem:$0x8600] =	vst v63  }
0x147: {  	_ =	swait.ge [sflag:s15], $0x200  }
0x148: {  	v0 =	vld [tilespmem:$0x1FFC0]  }
0x149: {  	v1 =	vld [tilespmem:$0x1FFD0]  }
0x14a: {  	v10 =	vld [tilespmem:$0x1FFE0]  }
0x14b: {  	v11 =	vld [tilespmem:$0x1FFF0]  }
0x14c: {  	s25 =	sadd.s32 $0x1, s25;
	v17 =	vld [tilespmem:$0x1FF50]  }
0x14d: {  	p0 =	sne.s32 s25, s14;
	v4 =	vld [tilespmem:$0x1FF90]  }
.Ltmp1:
0x14e: {  	v5 =	vld [tilespmem:$0x1FF60];
	(pc) =	sbr.rel @p0 .LBB2_1-.Ltmp1, $4  }
0x14f: {  	v2 =	vld [tilespmem:$0x1FFA0]  }
0x150: {  	v7 =	vld [tilespmem:$0x1FF70]  }
0x151: {  	[sflag:s15] =	ssyncset.done $0x0;
	v3 =	vld [tilespmem:$0x1FFB0]  }
0x152: {  	v9 =	vmov v32;
	v8 =	vmov v29;
	v6 =	vld [tilespmem:$0x1FF80];
	[sflag:s15] =	ssyncadd.s32 $0xFFFFFE00  }
0x153: {  	_ =	sfence.sel $0x180000  }
0x154: {  	[bflag:$0x0] =	sbarrier.arrive $0xFFFF  }
0x155: {  	_ =	strace $0x9000004D  }
0x156: {  	s0 =	stileid.u32;
	[bflag:$0x2] =	sbarrier.arrive $0xFFFF  }
0x157: {  	p0 =	sne.s32 s0, $0x0;
	s0 =	rddreg [dreg:$0x4]  }
0x158: {  	s0 =	sadd.s32 @!p0 $0x100000, s0  }
0x159: {  	[sflag:s0] =	ssyncadd.tile.s32 @!p0 $0x1;
	_ =	shalt  }
.Lfunc_end2:
_tile_overlayer_lowered:
.L_overlay_start_2:
0x15a: {  	(tag) =	ssettag $0x2  }
0x15b: {  	s0 =	rddreg [dreg:$0x0];
	s2 =	stileid.u32  }
0x15c: {  	s1 =	rddreg [dreg:$0x1];
	p0 =	sne.s32 s2, $0x0  }
0x15d: {  	s3 =	rddreg [dreg:$0x2];
	[bflag:$0x3] =	sbarrier.arrive $0xFFFF;
	s2 =	simm.s32 @!p0 $0x1C02  }
0x15e: {  	[timem:s3], [sflag:s2] =	dma.local @!p0 [hbm:s0], s1  }
0x15f: {  	s0 =	simm.s32 @!p0 $0x2  }
0x160: {  	_ =	swait.ge @!p0 [sflag:s0], s1  }
0x161: {  	s1 =	ssub.s32 @!p0 $0x0, s1;
	[sflag:s0] =	ssyncset.done @!p0 $0x0  }
0x162: {  	[sflag:s0] =	ssyncadd.s32 @!p0 s1  }
0x163: {  	[bflag:$0x3] =	sbarrier.arrive $0xFFFF  }
0x164: {  	_ =	shalt  }

// kernel: sparse-core-data-format-call.1.cloned.1.call-start
scs
called_computation.1_lowered:
.L_overlay_start_0:
0x0: {  	s2 =	sld [smem:$0x3FD9]  }
0x1: {  	s3 =	sld [smem:$0x3FFE];
	_ =	sdelay $0x1  }
0x2: {  	s1 =	srdreg.scid  }
0x3: {  	s0 =	sand.u32 $0x1, s1  }
0x4: {  	s18 =	sshll.u32 s0, $0xA;
	s2 =	sadd.s32 s3, s2  }
0x5: {  	s2 =	sadd.s32 s2, s18  }
0x6: {  	[smem:$0x3FC4] =	sst s2  }
0x7: {  	_ = 	snop  }
0x8: {  	(tm) =	ssettm $0x1  }
0x9: {  	s19 =	sld [smem:$0x3FFB];
	_ =	sdelay $0x3  }
0xa: {  	_ =	strace s19  }
0xb: {  	s2 =	sld [smem:$0x3FFC];
	_ =	sdelay $0x3  }
0xc: {  	_ =	strace s2  }
0xd: {  	s2 =	sld [smem:$0x3FFD];
	_ =	sdelay $0x3  }
0xe: {  	_ =	strace s2  }
0xf: {  	_ =	strace $0x8FFFFFFF  }
0x10: {  	s20 =	sld [smem:$0x3FDB];
	_ =	sdelay $0x1  }
0x11: {  	s21 =	simm.s32 $_scs_section_size  }
0x12: {  	s4 =	simm.s32 $_size__tile_overlayer_lowered;
	s5 =	simm.s32 $_tile_overlayer_lowered  }
0x13: {  	s6 =	simm.s32 $0x1BFF;
	s22 =	sshll.u32 s5, $0x1;
	s3 =	sadd.s32 s21, s20  }
0x14: {  	s23 =	simm.s32 $0x0;
	s4 =	sshll.u32 s4, $0x1;
	s5 =	sadd.s32 s22, s3  }
0x15: {  	[timem:s23], [sflag:s6] =	dma.local [hbm:s5], s4  }
0x16: {  	_ =	swait.ge [sflag:s6], s4  }
0x17: {  	s4 =	ssub.s32 $0x0, s4;
	[sflag:s6] =	ssyncset.done $0x0  }
0x18: {  	[sflag:s6] =	ssyncadd.s32 s4;
	_ =	sdelay $0x1  }
0x19: {  	s24 =	simm.s32 $0x1B8B  }
0x1a: {  	_ =	swait.ge [sflag:s24], $0x1  }
0x1b: {  	[sflag:s24] =	ssyncset.done $0x0  }
0x1c: {  	[sflag:s24] =	ssyncadd.s32 $0xFFFFFFFF  }
0x1d: {  	s4 =	sld [smem:$0x0]  }
0x1e: {  	s5 =	sand.u32 $0xFFFFFFFE, s1  }
0x1f: {  	p0 =	sne.s32 s1, s5  }
0x20: {  	s5 =	sshll.u32 @p0 s5, $0xE  }
0x21: {  	s5 =	sadd.s32 @p0 $0x11B8D, s5;
	s6 =	sshll.u32 @p0 s4, $0x11  }
0x22: {  	s5 =	sor.u32 @p0 s6, s5  }
0x23: {  	[sflag:s5] =	ssyncadd.remote.s32 @p0 $0x1;
	_ =	sdelay $0x1  }
0x24: {  	s5 =	simm.s32 @p0 $0x1B8D  }
0x25: {  	_ =	swait.eq @p0 [sflag:s5], $0x1  }
0x26: {  	[sflag:s5] =	ssyncadd.s32 @p0 $0xFFFFFFFF  }
0x27: {  	s6 =	sshll.u32 @!p0 s1, $0xE  }
0x28: {  	s6 =	sor.u32 @!p0 $0x4000, s6;
	s5 =	simm.s32 @!p0 $0x1B8D  }
0x29: {  	s4 =	sshll.u32 @!p0 s4, $0x11;
	s6 =	sadd.s32 @!p0 $0x11B8D, s6;
	_ =	swait.eq @!p0 [sflag:s5], $0x1  }
0x2a: {  	s4 =	sor.u32 @!p0 s4, s6;
	[sflag:s5] =	ssyncadd.s32 @!p0 $0xFFFFFFFF  }
0x2b: {  	s26 =	simm.s32 $0x1B8E;
	s25 =	sld [smem:$0x3FFE];
	[sflag:s4] =	ssyncadd.remote.s32 @!p0 $0x1  }
0x2c: {  	s27 =	simm.s32 $execute0_lowered;
	[smem:$0x3FD2] =	sst s26  }
0x2d: {  	s5 =	sshll.u32 s27, $0x1;
	_ =	strace $0x80000049;
	[dreg:$0x1] =	wrdreg $0xFFFFFFFF  }
0x2e: {  	s28 =	simm.s32 $_size_execute0_lowered;
	s3 =	sadd.s32 s3, s5;
	[dreg:$0x0] =	wrdreg $0x0  }
0x2f: {  	s5 =	sshll.u32 s28, $0x1;
	[dreg:$0x2] =	wrdreg s3  }
0x30: {  	[dreg:$0x3] =	wrdreg s5  }
0x31: {  	[dreg:$0x4] =	wrdreg $0xC0  }
0x32: {  	_ =	task [dreg:s23], $0x5FFFF  }
0x33: {  	[dreg:$0x1] =	wrdreg $0xFFFFFFFF  }
0x34: {  	[dreg:$0x0] =	wrdreg $0x60  }
0x35: {  	[dreg:$0x2] =	wrdreg s25  }
0x36: {  	[dreg:$0x3] =	wrdreg $0xA  }
0x37: {  	_ =	task.clear_ibuf [dreg:s23], $0x4FFFF;
	_ =	strace $0x90000049  }
0x38: {  	s29 =	simm.s32 $0xA;
	_ =	strace $0x8000004B  }
0x39: {  	_ =	swait.ge [sflag:s29], $0x1  }
0x3a: {  	[sflag:s29] =	ssyncadd.s32 $0xFFFFFFFF  }
0x3b: {  	_ =	strace $0x9000004B  }
0x3c: {  	_ =	sfence  }
0x3d: {  	s30 =	sld [smem:$0x0];
	_ =	sdelay $0x2  }
0x3e: {  	s31 =	sshll.u32 s1, $0xD;
	s1 =	sshrl.u32 s1, $0x2  }
0x3f: {  	s4 =	sand.u32 $0x4000, s31;
	s1 =	sadd.s32 s1, s30  }
0x40: {  	s0 =	sor.u32 s4, s0;
	s1 =	sshll.u32 s1, $0x11  }
0x41: {  	s0 =	sor.u32 s1, s0  }
0x42: {  	s0 =	sadd.s32 $0x8F2B, s0  }
0x43: {  	[sflag:s0] =	ssyncadd.remote.s32 $0x1  }
0x44: {  	_ =	sfence.sel $0xFFFF  }
0x45: {  	[dreg:$0x0] =	wrdreg $0xFFFFFFFF;
	(pc) =	sbr.abs _section_cstart, $3  }
0x46: {  	[dreg:$0x1] =	wrdreg $0xFFFFFFFF  }
0x47: {  	_ =	task.clear_ibuf [dreg:s23], $0x2FFFF;
	_ =	strace $0x9FFFFFFF  }
0x48: {  	(tm) =	ssettm $0x7FFFFFFF  }
0x49: {  	_ =	shalt  }
tec
execute0_lowered:
.L_overlay_start_1:
0x0: {  	(tag) =	ssettag $0x1  }
0x1: {  	s0 =	srdreg.scid  }
0x2: {  	s5 =	rddreg [dreg:$0x0];
	s1 =	stileid.u32;
	s4 =	simm.s32 $0x1  }
0x3: {  	s6 =	simm.s32 $0x2;
	s15 =	simm.s32 $0x0;
	p0 =	por $0x0, $0x0  }
0x4: {  	s8 =	simm.s32 $0x80;
	s14 =	simm.s32 $0x0;
	s2 =	sshll.u32 s0, $0x4  }
0x5: {  	s9 =	simm.s32 $0x0;
	s10 =	simm.s32 $0x0;
	s2 =	sand.u32 $0x10, s2  }
.Ltmp0:
0x6: {  	s12 =	simm.s32 $0x0;
	s3 =	sor.u32 s1, s2;
	(pc) =	sbr.rel .LBB1_1-.Ltmp0, $4  }
0x7: {  	s0 =	rddreg [dreg:$0x1];
	_ =	strace $0x8000004A;
	s3 =	sshll.u32 s3, $0x7  }
0x8: {  	s13 =	simm.s32 $0x0;
	[sflag:s4] =	ssyncpa.u1 $0x0;
	s7 =	ssub.s32 $0xF4200, s3  }
0x9: {  	s2 =	sadd.s32 $0x16E3A00, s5;
	[sflag:s6] =	ssyncpa.u1 $0x0;
	s6 =	sshrl.u32 s7, $0xC  }
0xa: {  	s5 =	sadd.s32 $0x1AB4400, s5;
	s11 =	smov.u32 s3;
	s7 =	sadd.s32 $0x2, s6  }
.LBB1_5:
0xb: {  	p1 =	slt.u32 s13, $0x2  }
0xc: {  	s17 =	smov.u32 s15;
	p2 =	sgt.s32 @!p1 s15, $0xF41C0;
	s16 =	sshra.s32 @!p1 s15, $0x1F  }
0xd: {  	p3 =	sgt.s32 @!p1 s14, $0x60;
	s18 =	sshra.s32 @!p1 s14, $0x1F;
	p2 =	por !p2, p1  }
0xe: {  	s15 =	sand.u32 @!p1 s16, s15;
	p3 =	por !p3, p1;
	s16 =	smov.u32 s14  }
0xf: {  	s14 =	sand.u32 @!p1 s18, s14;
	s17 =	simm.s32 @p2 $0xF41C0;
	s16 =	simm.s32 @p3 $0x60  }
0x10: {  	s15 =	ssub.s32 @!p1 s17, s15;
	s14 =	ssub.s32 @!p1 s16, s14  }
0x11: {  	s18 =	smov.u32 s12;
	s16 =	sadd.s32 @!p1 $0xFFF0BE40, s15;
	s17 =	sadd.s32 @!p1 $0xFFFFFFA0, s14  }
0x12: {  	s15 =	ssub.s32 @!p1 $0xF4240, s15;
	p2 =	sgt.s32 @!p1 s16, $0x7F;
	p3 =	sgt.s32 @!p1 s17, $0x1F  }
0x13: {  	s14 =	ssub.s32 @!p1 $0x80, s14;
	p2 =	por !p2, p1;
	p3 =	por !p3, p1  }
0x14: {  	s16 =	sadd.s32 $0x1000, s11;
	s15 =	simm.s32 @!p2 $0x0;
	s14 =	simm.s32 @!p3 $0x0  }
0x15: {  	p2 =	sgt.s32 s16, $0xF423F;
	s14 =	smul.u32 @!p1 s14, s15;
	s15 =	sadd.s32 $0x20, s12  }
0x16: {  	s18 =	smov.u32 @p2 s15  }
0x17: {  	s16 =	smov.u32 @p2 s3;
	p2 =	sgt.s32 s18, $0x1F  }
0x18: {  	s18 =	simm.s32 @p2 $0x0;
	p2 =	sne.s32 s13, s7  }
.Ltmp1:
0x19: {  	p0 =	por !p0, !p0;
	s17 =	simm.s32 @!p1 $0x2;
	(pc) =	sbr.rel @!p2 .LBB1_6-.Ltmp1, $4  }
0x1a: {  	s15 =	smov.u32 s9;
	s9 =	smov.u32 s11;
	s14 =	sand.u32 @!p1 $0x3FFFFFFF, s14  }
0x1b: {  	s11 =	smov.u32 s16;
	_ =	swait.ge @!p1 [sflag:s17], s14;
	s19 =	ssub.s32 @!p1 $0x0, s14  }
0x1c: {  	s14 =	smov.u32 s10;
	s13 =	sadd.s32 $0x1, s13;
	[sflag:s17] =	ssyncset.done @!p1 $0x0  }
0x1d: {  	s10 =	smov.u32 s12;
	s12 =	smov.u32 s18;
	[sflag:s17] =	ssyncadd.s32 @!p1 s19  }
.LBB1_1:
0x1e: {  	p1 =	sgt.u32 s13, s6  }
0x1f: {  	s16 =	sshrl.u32 @!p1 s12, $0x3  }
0x20: {  	s17 =	sshll.u32 @!p1 s11, $0x3;
	s16 =	smul.u32 @!p1 $0x7A1400, s16  }
0x21: {  	s18 =	sshll.u32 @!p1 s12, $0x7;
	s17 =	sand.u32 @!p1 $0xFFFFFC00, s17  }
0x22: {  	s16 =	sadd.s32 @!p1 s16, s17;
	s17 =	sand.u32 @!p1 $0x380, s18  }
0x23: {  	s18 =	sand.u32 @!p1 $0x7F, s11;
	s16 =	sor.u32 @!p1 s17, s16  }
0x24: {  	s17 =	sor.u32 @!p1 s18, s16  }
0x25: {  	s18 =	smulhi.u32 @!p1 $0x218D6287, s17;
	_ =	sdelay $0x1  }
0x26: {  	s16 =	smulhi.u32 @!p1 $0x218D6287, s16;
	s18 =	sshrl.u32 @!p1 s18, $0x11  }
0x27: {  	s18 =	smul.u32 @!p1 $0xF4280, s18  }
0x28: {  	s19 =	sxor.u32 @!p1 $0xFFFFFFFF, s13;
	s16 =	sshrl.u32 @!p1 s16, $0x11  }
0x29: {  	s19 =	sshll.u32 @!p1 s19, $0xC;
	s16 =	sand.u32 @!p1 $0x1F, s16;
	s17 =	ssub.s32 @!p1 s17, s18  }
0x2a: {  	s16 =	smul.u32 @!p1 $0x1E850, s16;
	s18 =	sshrl.u32 @!p1 s17, $0x3;
	s17 =	sand.u32 @!p1 $0x7, s17  }
0x2b: {  	s19 =	sand.u32 @!p1 $0x1000, s19;
	s18 =	sadd.s32 @!p1 s2, s18;
	s17 =	sshll.u32 @!p1 s17, $0x12  }
0x2c: {  	s16 =	sadd.s32 @!p1 s16, s18;
	s17 =	sor.u32 @!p1 $0x400, s17;
	s18 =	simm.s32 @!p1 $0x7A1400  }
0x2d: {  	[tilespmem:s19], [sflag:$0x1] =	stream.strided.gather @!p1 [hbm4b:s16+s17], $0x1000, s18, s17, $0x38;
	[tilespmem:$0x4100] =	vst v63  }
0x2e: {  	p1 =	seq.s32 s13, $0x0  }
0x2f: {  	p2 =	sge.u32 @!p1 s13, s7  }
0x30: {  	p1 =	por p1, p2  }
.Ltmp2:
0x31: {  	_ = 	snop;
	(pc) =	sbr.rel @p1 .LBB1_5-.Ltmp2, $1  }
0x32: {  	_ =	sdelay $0x3  }
0x33: {  	s16 =	simm.s32 $0x1  }
0x34: {  	_ =	swait.ge [sflag:s4], $0x1000;
	s16 =	simm.s32 @!p0 $0x0  }
0x35: {  	[sflag:s4] =	ssyncset.done $0x0;
	s17 =	sshll.u32 s16, $0xC  }
0x36: {  	[sflag:s4] =	ssyncadd.s32 $0xFFFFF000;
	s17 =	sor.u32 $0x40, s17  }
0x37: {  	s16 =	smul.u32 $0x4200, s16;
	v0 =	vld [tilespmem:s17+$0x30]  }
0x38: {  	v1 =	vld [tilespmem:s17+$0xFFFFFFD0]  }
0x39: {  	s16 =	sshrl.u32 s16, $0x2;
	v5 =	vld [tilespmem:s17+$0xFFFFFFE0]  }
0x3a: {  	v6 =	vld [tilespmem:s17+$0xFFFFFFF0];
	s19 =	sor.u32 $0x2000, s16  }
0x3b: {  	s31 =	sand.u32 $0x1, s13;
	v4 =	vld [tilespmem:s17+$0x0];
	s18 =	sadd.s32 $0x0, s19  }
0x3c: {  	v3 =	vld [tilespmem:s17+$0x10];
	s16 =	smul.u32 $0x4200, s31;
	[tilespmem:s18+$0xE70 ss:$0x21] =	vst.msk $0xffff, v0  }
0x3d: {  	v2 =	vld [tilespmem:s17+$0x20];
	[tilespmem:s18+$0x210 ss:$0x21] =	vst.msk $0xffff, v1  }
0x3e: {  	s16 =	sshrl.u32 s16, $0x2;
	v1 =	vld [tilespmem:s17+$0xFFFFFFC0];
	[tilespmem:s18+$0x420 ss:$0x21] =	vst.msk $0xffff, v5;
	s17 =	sadd.s32 $0x80, s17  }
0x3f: {  	s20 =	simm.s32 $0x4;
	s21 =	simm.s32 $0x8;
	s16 =	sor.u32 $0x2000, s16;
	[tilespmem:s18+$0x630 ss:$0x21] =	vst.msk $0xffff, v6;
	v0 =	vld [tilespmem:s17+$0x30]  }
.LBB1_3:
0x40: {  	p1 =	sne.s32 s21, $0x7C;
	v5 =	vld [tilespmem:s17+$0xFFFFFFD0];
	[tilespmem:s18+$0x840 ss:$0x21] =	vst.msk $0xffff, v4  }
0x41: {  	v6 =	vld [tilespmem:s17+$0xFFFFFFE0];
	[tilespmem:s18+$0xA50 ss:$0x21] =	vst.msk $0xffff, v3  }
0x42: {  	s22 =	sshra.s32 s20, $0x2;
	s20 =	smov.u32 s21;
	v7 =	vld [tilespmem:s17+$0xFFFFFFF0];
	[tilespmem:s18+$0xC60 ss:$0x21] =	vst.msk $0xffff, v2  }
.Ltmp3:
0x43: {  	v4 =	vld [tilespmem:s17+$0x0];
	[tilespmem:s18+$0x0 ss:$0x21] =	vst.msk $0xffff, v1;
	s18 =	sadd.s32 s22, s19;
	(pc) =	sbr.rel @p1 .LBB1_3-.Ltmp3, $4  }
0x44: {  	v3 =	vld [tilespmem:s17+$0x10];
	[tilespmem:s18+$0xE70 ss:$0x21] =	vst.msk $0xffff, v0  }
0x45: {  	[tilespmem:s18+$0x210 ss:$0x21] =	vst.msk $0xffff, v5;
	v2 =	vld [tilespmem:s17+$0x20]  }
0x46: {  	v1 =	vld [tilespmem:s17+$0xFFFFFFC0];
	[tilespmem:s18+$0x420 ss:$0x21] =	vst.msk $0xffff, v6;
	s17 =	sadd.s32 $0x80, s17  }
0x47: {  	s21 =	sadd.s32 $0x4, s21;
	v0 =	vld [tilespmem:s17+$0x30];
	[tilespmem:s18+$0x630 ss:$0x21] =	vst.msk $0xffff, v7  }
0x48: {  	s21 =	sshll.u32 s9, $0x7;
	s22 =	sshll.u32 s10, $0x3;
	s20 =	sshra.s32 s20, $0x2  }
0x49: {  	p1 =	sgt.s32 s9, $0xF41C0;
	s30 =	sshra.s32 s9, $0x1F;
	s25 =	sshra.s32 s10, $0x1F  }
0x4a: {  	v5 =	vld [tilespmem:s17+$0xFFFFFFD0];
	s28 =	sshrl.u32 s10, $0x3;
	s23 =	sand.u32 $0xFFFFFC00, s21;
	s22 =	sand.u32 $0xFFFFFC00, s22  }
0x4b: {  	[tilespmem:s18+$0x840 ss:$0x21] =	vst.msk $0xffff, v4;
	v58 =	vld [tilespmem:s17+$0xFFFFFFE0];
	s21 =	sand.u32 $0x380, s21;
	s19 =	sadd.s32 s20, s19;
	s22 =	sadd.s32 s22, s23  }
0x4c: {  	v59 =	vld [tilespmem:s17+$0xFFFFFFF0];
	[tilespmem:s18+$0xA50 ss:$0x21] =	vst.msk $0xffff, v3;
	s29 =	sor.u32 s21, s22;
	s21 =	smov.u32 s9;
	s22 =	sand.u32 s30, s9  }
0x4d: {  	v60 =	vld [tilespmem:s17+$0x0];
	[tilespmem:s18+$0xC60 ss:$0x21] =	vst.msk $0xffff, v2;
	s30 =	sand.u32 $0x7, s10;
	s20 =	sshrl.u32 s29, $0x7;
	s21 =	simm.s32 @!p1 $0xF41C0  }
0x4e: {  	v61 =	vld [tilespmem:s17+$0x10];
	[tilespmem:s18+$0x0 ss:$0x21] =	vst.msk $0xffff, v1;
	p1 =	sgt.s32 s10, $0x60;
	s24 =	ssub.s32 s21, s22;
	s21 =	smov.u32 s10  }
0x4f: {  	v62 =	vld [tilespmem:s17+$0x20];
	[tilespmem:s19+$0xE70 ss:$0x21] =	vst.msk $0xffff, v0;
	s31 =	smulhi.u32 $0x218DEF5, s20;
	s22 =	sand.u32 s25, s10;
	s21 =	simm.s32 @!p1 $0x60  }
0x50: {  	v63 =	vld [tilespmem:s17+$0xFFFFFFC0];
	[tilespmem:s19+$0x210 ss:$0x21] =	vst.msk $0xffff, v5;
	s26 =	sadd.s32 $0xFFF0BE40, s24;
	s17 =	ssub.s32 $0xF4240, s24;
	s21 =	ssub.s32 s21, s22  }
0x51: {  	[tilespmem:s19+$0x420 ss:$0x21] =	vst.msk $0xffff, v58;
	s23 =	sshrl.u32 s31, $0xD;
	p1 =	sgt.s32 s26, $0x7F;
	s27 =	sadd.s32 $0xFFFFFFA0, s21  }
0x52: {  	[tilespmem:s19+$0x630 ss:$0x21] =	vst.msk $0xffff, v59;
	s23 =	smul.u32 $0xF4240, s23;
	s18 =	ssub.s32 $0x80, s21;
	p2 =	sgt.s32 s27, $0x1F  }
.Ltmp4:
0x53: {  	[tilespmem:s19+$0x840 ss:$0x21] =	vst.msk $0xffff, v60;
	s17 =	simm.s32 @p1 $0x0;
	s18 =	simm.s32 @p2 $0x0;
	(pc) =	sbr.rel .LBB1_5-.Ltmp4, $4  }
0x54: {  	s29 =	sand.u32 $0xF, s28;
	[tilespmem:s19+$0xA50 ss:$0x21] =	vst.msk $0xffff, v61;
	s20 =	ssub.s32 s20, s23;
	s17 =	smul.u32 s18, s17  }
0x55: {  	[tilespmem:s19+$0xC60 ss:$0x21] =	vst.msk $0xffff, v62;
	s21 =	sshll.u32 s30, $0x12;
	s20 =	sshll.u32 s20, $0x4;
	s18 =	sadd.s32 s5, s29  }
0x56: {  	[tilespmem:s19+$0x0 ss:$0x21] =	vst.msk $0xffff, v63;
	s31 =	sor.u32 $0x20, s21;
	s18 =	sadd.s32 s20, s18;
	s17 =	sand.u32 $0x3FFFFFFF, s17  }
0x57: {  	[hbm4b:s18+s31] =	stream.strided.scatter [tilespmem:s16], [sflag:$0x2], s17, s8, s31, $0x10;
	[tilespmem:$0x4100] =	vst v63  }
.LBB1_6:
0x58: {  	_ =	sfence.sel $0x180000  }
0x59: {  	s2 =	simm.s32 $0x1;
	[bflag:$0x0] =	sbarrier.arrive $0xFFFF  }
0x5a: {  	s31 =	simm.s32 $0x2;
	[sflag:s2] =	ssyncpa.u1 $0x1  }
0x5b: {  	[sflag:s31] =	ssyncpa.u1 $0x1  }
0x5c: {  	p0 =	sne.s32 s1, $0x0;
	_ =	strace $0x9000004A  }
0x5d: {  	s0 =	sadd.s32 @!p0 $0x100000, s0;
	[bflag:$0x2] =	sbarrier.arrive $0xFFFF  }
0x5e: {  	[sflag:s0] =	ssyncadd.tile.s32 @!p0 $0x1;
	_ =	shalt  }
.Lfunc_end1:
_tile_overlayer_lowered:
.L_overlay_start_2:
0x5f: {  	(tag) =	ssettag $0x2  }
0x60: {  	s0 =	rddreg [dreg:$0x0];
	s2 =	stileid.u32  }
0x61: {  	s1 =	rddreg [dreg:$0x1];
	p0 =	sne.s32 s2, $0x0  }
0x62: {  	s3 =	rddreg [dreg:$0x2];
	[bflag:$0x3] =	sbarrier.arrive $0xFFFF;
	s2 =	simm.s32 @!p0 $0x1C01  }
0x63: {  	[timem:s3], [sflag:s2] =	dma.local @!p0 [hbm:s0], s1  }
0x64: {  	s0 =	simm.s32 @!p0 $0x1  }
0x65: {  	_ =	swait.ge @!p0 [sflag:s0], s1  }
0x66: {  	s1 =	ssub.s32 @!p0 $0x0, s1;
	[sflag:s0] =	ssyncset.done @!p0 $0x0  }
0x67: {  	[sflag:s0] =	ssyncadd.s32 @!p0 s1  }
0x68: {  	[bflag:$0x3] =	sbarrier.arrive $0xFFFF  }
0x69: {  	_ =	shalt  }

// kernel: sparse-core-data-format-call.cloned.1.call-start
scs
called_computation_lowered:
.L_overlay_start_0:
0x0: {  	s1 =	sld [smem:$0x3FD9]  }
0x1: {  	s2 =	sld [smem:$0x3FFE];
	_ =	sdelay $0x1  }
0x2: {  	s3 =	srdreg.scid  }
0x3: {  	s0 =	sand.u32 $0x1, s3  }
0x4: {  	s17 =	sshll.u32 s0, $0xA;
	s1 =	sadd.s32 s2, s1  }
0x5: {  	s1 =	sadd.s32 s1, s17  }
0x6: {  	[smem:$0x3FC4] =	sst s1  }
0x7: {  	_ = 	snop  }
0x8: {  	(tm) =	ssettm $0x1  }
0x9: {  	s18 =	sld [smem:$0x3FFB];
	_ =	sdelay $0x3  }
0xa: {  	_ =	strace s18  }
0xb: {  	s1 =	sld [smem:$0x3FFC];
	_ =	sdelay $0x3  }
0xc: {  	_ =	strace s1  }
0xd: {  	s1 =	sld [smem:$0x3FFD];
	_ =	sdelay $0x3  }
0xe: {  	_ =	strace s1  }
0xf: {  	_ =	strace $0x8FFFFFFF  }
0x10: {  	s19 =	sld [smem:$0x3FDB];
	_ =	sdelay $0x1  }
0x11: {  	s20 =	simm.s32 $_scs_section_size  }
0x12: {  	s4 =	simm.s32 $_size__tile_overlayer_lowered;
	s5 =	simm.s32 $_tile_overlayer_lowered  }
0x13: {  	s23 =	simm.s32 $0x1BFF;
	s22 =	sshll.u32 s5, $0x1;
	s1 =	sadd.s32 s20, s19  }
0x14: {  	s6 =	simm.s32 $0x0;
	s21 =	sshll.u32 s4, $0x1;
	s4 =	sadd.s32 s22, s1  }
0x15: {  	[timem:s6], [sflag:s23] =	dma.local [hbm:s4], s21  }
0x16: {  	_ =	swait.ge [sflag:s23], s21  }
0x17: {  	s2 =	ssub.s32 $0x0, s21;
	[sflag:s23] =	ssyncset.done $0x0  }
0x18: {  	[sflag:s23] =	ssyncadd.s32 s2;
	_ =	sdelay $0x1  }
0x19: {  	s24 =	simm.s32 $0x1B8B  }
0x1a: {  	_ =	swait.ge [sflag:s24], $0x1  }
0x1b: {  	[sflag:s24] =	ssyncset.done $0x0  }
0x1c: {  	s26 =	simm.s32 $0x1B8E;
	s25 =	sld [smem:$0x3FFE];
	[sflag:s24] =	ssyncadd.s32 $0xFFFFFFFF  }
0x1d: {  	s27 =	simm.s32 $execute0_lowered;
	[smem:$0x3FD2] =	sst s26  }
0x1e: {  	s4 =	sshll.u32 s27, $0x1;
	_ =	strace $0x80000046;
	[dreg:$0x1] =	wrdreg $0xFFFFFFFF  }
0x1f: {  	s28 =	simm.s32 $_size_execute0_lowered;
	s1 =	sadd.s32 s1, s4;
	[dreg:$0x0] =	wrdreg $0x0  }
0x20: {  	s4 =	sshll.u32 s28, $0x1;
	[dreg:$0x2] =	wrdreg s1  }
0x21: {  	[dreg:$0x3] =	wrdreg s4  }
0x22: {  	[dreg:$0x4] =	wrdreg $0xC0  }
0x23: {  	_ =	task [dreg:s6], $0x5FFFF  }
0x24: {  	[dreg:$0x1] =	wrdreg $0xFFFFFFFF  }
0x25: {  	[dreg:$0x0] =	wrdreg $0x60  }
0x26: {  	[dreg:$0x2] =	wrdreg s25  }
0x27: {  	[dreg:$0x3] =	wrdreg $0x9  }
0x28: {  	_ =	task.clear_ibuf [dreg:s6], $0x4FFFF;
	_ =	strace $0x90000046  }
0x29: {  	s29 =	simm.s32 $0x9;
	_ =	strace $0x80000048  }
0x2a: {  	_ =	swait.ge [sflag:s29], $0x1  }
0x2b: {  	[sflag:s29] =	ssyncadd.s32 $0xFFFFFFFF  }
0x2c: {  	_ =	strace $0x90000048  }
0x2d: {  	_ =	sfence  }
0x2e: {  	s30 =	sld [smem:$0x0];
	_ =	sdelay $0x2  }
0x2f: {  	s31 =	sshll.u32 s3, $0xD;
	s3 =	sshrl.u32 s3, $0x2  }
0x30: {  	s2 =	sand.u32 $0x4000, s31;
	s1 =	sadd.s32 s3, s30  }
0x31: {  	s0 =	sor.u32 s2, s0;
	s1 =	sshll.u32 s1, $0x11  }
0x32: {  	s0 =	sor.u32 s1, s0  }
0x33: {  	s0 =	sadd.s32 $0x8F2B, s0  }
0x34: {  	[sflag:s0] =	ssyncadd.remote.s32 $0x1  }
0x35: {  	_ =	sfence.sel $0xFFFF  }
0x36: {  	[dreg:$0x0] =	wrdreg $0xFFFFFFFF;
	(pc) =	sbr.abs _section_cstart, $3  }
0x37: {  	[dreg:$0x1] =	wrdreg $0xFFFFFFFF  }
0x38: {  	_ =	task.clear_ibuf [dreg:s6], $0x2FFFF;
	_ =	strace $0x9FFFFFFF  }
0x39: {  	(tm) =	ssettm $0x7FFFFFFF  }
tec
execute0_lowered:
.L_overlay_start_1:
0x0: {  	(tag) =	ssettag $0x1  }
0x1: {  	s0 =	srdreg.scid  }
0x2: {  	s5 =	rddreg [dreg:$0x0];
	s1 =	stileid.u32;
	s4 =	simm.s32 $0x1  }
0x3: {  	s6 =	simm.s32 $0x2;
	s15 =	simm.s32 $0x0;
	p0 =	por $0x0, $0x0  }
0x4: {  	s8 =	simm.s32 $0x80;
	s14 =	simm.s32 $0x0;
	s2 =	sshll.u32 s0, $0x4  }
0x5: {  	s9 =	simm.s32 $0x0;
	s10 =	simm.s32 $0x0;
	s2 =	sand.u32 $0x10, s2  }
.Ltmp0:
0x6: {  	s12 =	simm.s32 $0x0;
	s3 =	sor.u32 s1, s2;
	(pc) =	sbr.rel .LBB1_1-.Ltmp0, $4  }
0x7: {  	s0 =	rddreg [dreg:$0x1];
	_ =	strace $0x80000047;
	s3 =	sshll.u32 s3, $0x7  }
0x8: {  	s13 =	simm.s32 $0x0;
	[sflag:s4] =	ssyncpa.u1 $0x0;
	s7 =	ssub.s32 $0xF4200, s3  }
0x9: {  	s2 =	sadd.s32 $0x3D0C00, s5;
	[sflag:s6] =	ssyncpa.u1 $0x0;
	s6 =	sshrl.u32 s7, $0xC  }
0xa: {  	s5 =	sadd.s32 $0x7A1600, s5;
	s11 =	smov.u32 s3;
	s7 =	sadd.s32 $0x2, s6  }
.LBB1_5:
0xb: {  	p1 =	slt.u32 s13, $0x2  }
0xc: {  	s17 =	smov.u32 s15;
	p2 =	sgt.s32 @!p1 s15, $0xF41C0;
	s16 =	sshra.s32 @!p1 s15, $0x1F  }
0xd: {  	p3 =	sgt.s32 @!p1 s14, $0x60;
	s18 =	sshra.s32 @!p1 s14, $0x1F;
	p2 =	por !p2, p1  }
0xe: {  	s15 =	sand.u32 @!p1 s16, s15;
	p3 =	por !p3, p1;
	s16 =	smov.u32 s14  }
0xf: {  	s14 =	sand.u32 @!p1 s18, s14;
	s17 =	simm.s32 @p2 $0xF41C0;
	s16 =	simm.s32 @p3 $0x60  }
0x10: {  	s15 =	ssub.s32 @!p1 s17, s15;
	s14 =	ssub.s32 @!p1 s16, s14  }
0x11: {  	s18 =	smov.u32 s12;
	s16 =	sadd.s32 @!p1 $0xFFF0BE40, s15;
	s17 =	sadd.s32 @!p1 $0xFFFFFFA0, s14  }
0x12: {  	s15 =	ssub.s32 @!p1 $0xF4240, s15;
	p2 =	sgt.s32 @!p1 s16, $0x7F;
	p3 =	sgt.s32 @!p1 s17, $0x1F  }
0x13: {  	s14 =	ssub.s32 @!p1 $0x80, s14;
	p2 =	por !p2, p1;
	p3 =	por !p3, p1  }
0x14: {  	s16 =	sadd.s32 $0x1000, s11;
	s15 =	simm.s32 @!p2 $0x0;
	s14 =	simm.s32 @!p3 $0x0  }
0x15: {  	p2 =	sgt.s32 s16, $0xF423F;
	s14 =	smul.u32 @!p1 s14, s15;
	s15 =	sadd.s32 $0x20, s12  }
0x16: {  	s18 =	smov.u32 @p2 s15  }
0x17: {  	s16 =	smov.u32 @p2 s3;
	p2 =	sgt.s32 s18, $0x1F  }
0x18: {  	s18 =	simm.s32 @p2 $0x0;
	p2 =	sne.s32 s13, s7  }
.Ltmp1:
0x19: {  	p0 =	por !p0, !p0;
	s17 =	simm.s32 @!p1 $0x2;
	(pc) =	sbr.rel @!p2 .LBB1_6-.Ltmp1, $4  }
0x1a: {  	s15 =	smov.u32 s9;
	s9 =	smov.u32 s11;
	s14 =	sand.u32 @!p1 $0x3FFFFFFF, s14  }
0x1b: {  	s11 =	smov.u32 s16;
	_ =	swait.ge @!p1 [sflag:s17], s14;
	s19 =	ssub.s32 @!p1 $0x0, s14  }
0x1c: {  	s14 =	smov.u32 s10;
	s13 =	sadd.s32 $0x1, s13;
	[sflag:s17] =	ssyncset.done @!p1 $0x0  }
0x1d: {  	s10 =	smov.u32 s12;
	s12 =	smov.u32 s18;
	[sflag:s17] =	ssyncadd.s32 @!p1 s19  }
.LBB1_1:
0x1e: {  	p1 =	sgt.u32 s13, s6  }
0x1f: {  	s16 =	sshrl.u32 @!p1 s12, $0x3  }
0x20: {  	s17 =	sshll.u32 @!p1 s11, $0x3;
	s16 =	smul.u32 @!p1 $0x7A1400, s16  }
0x21: {  	s18 =	sshll.u32 @!p1 s12, $0x7;
	s17 =	sand.u32 @!p1 $0xFFFFFC00, s17  }
0x22: {  	s16 =	sadd.s32 @!p1 s16, s17;
	s17 =	sand.u32 @!p1 $0x380, s18  }
0x23: {  	s18 =	sand.u32 @!p1 $0x7F, s11;
	s16 =	sor.u32 @!p1 s17, s16  }
0x24: {  	s17 =	sor.u32 @!p1 s18, s16  }
0x25: {  	s18 =	smulhi.u32 @!p1 $0x218D6287, s17;
	_ =	sdelay $0x1  }
0x26: {  	s16 =	smulhi.u32 @!p1 $0x218D6287, s16;
	s18 =	sshrl.u32 @!p1 s18, $0x11  }
0x27: {  	s18 =	smul.u32 @!p1 $0xF4280, s18  }
0x28: {  	s19 =	sxor.u32 @!p1 $0xFFFFFFFF, s13;
	s16 =	sshrl.u32 @!p1 s16, $0x11  }
0x29: {  	s19 =	sshll.u32 @!p1 s19, $0xC;
	s16 =	sand.u32 @!p1 $0x1F, s16;
	s17 =	ssub.s32 @!p1 s17, s18  }
0x2a: {  	s16 =	smul.u32 @!p1 $0x1E850, s16;
	s18 =	sshrl.u32 @!p1 s17, $0x3;
	s17 =	sand.u32 @!p1 $0x7, s17  }
0x2b: {  	s19 =	sand.u32 @!p1 $0x1000, s19;
	s18 =	sadd.s32 @!p1 s2, s18;
	s17 =	sshll.u32 @!p1 s17, $0x12  }
0x2c: {  	s16 =	sadd.s32 @!p1 s16, s18;
	s17 =	sor.u32 @!p1 $0x400, s17;
	s18 =	simm.s32 @!p1 $0x7A1400  }
0x2d: {  	[tilespmem:s19], [sflag:$0x1] =	stream.strided.gather @!p1 [hbm4b:s16+s17], $0x1000, s18, s17, $0x38;
	[tilespmem:$0x4100] =	vst v63  }
0x2e: {  	p1 =	seq.s32 s13, $0x0  }
0x2f: {  	p2 =	sge.u32 @!p1 s13, s7  }
0x30: {  	p1 =	por p1, p2  }
.Ltmp2:
0x31: {  	_ = 	snop;
	(pc) =	sbr.rel @p1 .LBB1_5-.Ltmp2, $1  }
0x32: {  	_ =	sdelay $0x3  }
0x33: {  	s16 =	simm.s32 $0x1  }
0x34: {  	_ =	swait.ge [sflag:s4], $0x1000;
	s16 =	simm.s32 @!p0 $0x0  }
0x35: {  	[sflag:s4] =	ssyncset.done $0x0;
	s17 =	sshll.u32 s16, $0xC  }
0x36: {  	[sflag:s4] =	ssyncadd.s32 $0xFFFFF000;
	s17 =	sor.u32 $0x40, s17  }
0x37: {  	s16 =	smul.u32 $0x4200, s16;
	v0 =	vld [tilespmem:s17+$0x30]  }
0x38: {  	v1 =	vld [tilespmem:s17+$0xFFFFFFD0]  }
0x39: {  	s16 =	sshrl.u32 s16, $0x2;
	v5 =	vld [tilespmem:s17+$0xFFFFFFE0]  }
0x3a: {  	v6 =	vld [tilespmem:s17+$0xFFFFFFF0];
	s19 =	sor.u32 $0x2000, s16  }
0x3b: {  	s31 =	sand.u32 $0x1, s13;
	v4 =	vld [tilespmem:s17+$0x0];
	s18 =	sadd.s32 $0x0, s19  }
0x3c: {  	v3 =	vld [tilespmem:s17+$0x10];
	s16 =	smul.u32 $0x4200, s31;
	[tilespmem:s18+$0xE70 ss:$0x21] =	vst.msk $0xffff, v0  }
0x3d: {  	v2 =	vld [tilespmem:s17+$0x20];
	[tilespmem:s18+$0x210 ss:$0x21] =	vst.msk $0xffff, v1  }
0x3e: {  	s16 =	sshrl.u32 s16, $0x2;
	v1 =	vld [tilespmem:s17+$0xFFFFFFC0];
	[tilespmem:s18+$0x420 ss:$0x21] =	vst.msk $0xffff, v5;
	s17 =	sadd.s32 $0x80, s17  }
0x3f: {  	s20 =	simm.s32 $0x4;
	s21 =	simm.s32 $0x8;
	s16 =	sor.u32 $0x2000, s16;
	[tilespmem:s18+$0x630 ss:$0x21] =	vst.msk $0xffff, v6;
	v0 =	vld [tilespmem:s17+$0x30]  }
.LBB1_3:
0x40: {  	p1 =	sne.s32 s21, $0x7C;
	v5 =	vld [tilespmem:s17+$0xFFFFFFD0];
	[tilespmem:s18+$0x840 ss:$0x21] =	vst.msk $0xffff, v4  }
0x41: {  	v6 =	vld [tilespmem:s17+$0xFFFFFFE0];
	[tilespmem:s18+$0xA50 ss:$0x21] =	vst.msk $0xffff, v3  }
0x42: {  	s22 =	sshra.s32 s20, $0x2;
	s20 =	smov.u32 s21;
	v7 =	vld [tilespmem:s17+$0xFFFFFFF0];
	[tilespmem:s18+$0xC60 ss:$0x21] =	vst.msk $0xffff, v2  }
.Ltmp3:
0x43: {  	v4 =	vld [tilespmem:s17+$0x0];
	[tilespmem:s18+$0x0 ss:$0x21] =	vst.msk $0xffff, v1;
	s18 =	sadd.s32 s22, s19;
	(pc) =	sbr.rel @p1 .LBB1_3-.Ltmp3, $4  }
0x44: {  	v3 =	vld [tilespmem:s17+$0x10];
	[tilespmem:s18+$0xE70 ss:$0x21] =	vst.msk $0xffff, v0  }
0x45: {  	[tilespmem:s18+$0x210 ss:$0x21] =	vst.msk $0xffff, v5;
	v2 =	vld [tilespmem:s17+$0x20]  }
0x46: {  	v1 =	vld [tilespmem:s17+$0xFFFFFFC0];
	[tilespmem:s18+$0x420 ss:$0x21] =	vst.msk $0xffff, v6;
	s17 =	sadd.s32 $0x80, s17  }
0x47: {  	s21 =	sadd.s32 $0x4, s21;
	v0 =	vld [tilespmem:s17+$0x30];
	[tilespmem:s18+$0x630 ss:$0x21] =	vst.msk $0xffff, v7  }
0x48: {  	s21 =	sshll.u32 s9, $0x7;
	s22 =	sshll.u32 s10, $0x3;
	s20 =	sshra.s32 s20, $0x2  }
0x49: {  	p1 =	sgt.s32 s9, $0xF41C0;
	s30 =	sshra.s32 s9, $0x1F;
	s25 =	sshra.s32 s10, $0x1F  }
0x4a: {  	v5 =	vld [tilespmem:s17+$0xFFFFFFD0];
	s28 =	sshrl.u32 s10, $0x3;
	s23 =	sand.u32 $0xFFFFFC00, s21;
	s22 =	sand.u32 $0xFFFFFC00, s22  }
0x4b: {  	[tilespmem:s18+$0x840 ss:$0x21] =	vst.msk $0xffff, v4;
	v58 =	vld [tilespmem:s17+$0xFFFFFFE0];
	s21 =	sand.u32 $0x380, s21;
	s19 =	sadd.s32 s20, s19;
	s22 =	sadd.s32 s22, s23  }
0x4c: {  	v59 =	vld [tilespmem:s17+$0xFFFFFFF0];
	[tilespmem:s18+$0xA50 ss:$0x21] =	vst.msk $0xffff, v3;
	s29 =	sor.u32 s21, s22;
	s21 =	smov.u32 s9;
	s22 =	sand.u32 s30, s9  }
0x4d: {  	v60 =	vld [tilespmem:s17+$0x0];
	[tilespmem:s18+$0xC60 ss:$0x21] =	vst.msk $0xffff, v2;
	s30 =	sand.u32 $0x7, s10;
	s20 =	sshrl.u32 s29, $0x7;
	s21 =	simm.s32 @!p1 $0xF41C0  }
0x4e: {  	v61 =	vld [tilespmem:s17+$0x10];
	[tilespmem:s18+$0x0 ss:$0x21] =	vst.msk $0xffff, v1;
	p1 =	sgt.s32 s10, $0x60;
	s24 =	ssub.s32 s21, s22;
	s21 =	smov.u32 s10  }
0x4f: {  	v62 =	vld [tilespmem:s17+$0x20];
	[tilespmem:s19+$0xE70 ss:$0x21] =	vst.msk $0xffff, v0;
	s31 =	smulhi.u32 $0x218DEF5, s20;
	s22 =	sand.u32 s25, s10;
	s21 =	simm.s32 @!p1 $0x60  }
0x50: {  	v63 =	vld [tilespmem:s17+$0xFFFFFFC0];
	[tilespmem:s19+$0x210 ss:$0x21] =	vst.msk $0xffff, v5;
	s26 =	sadd.s32 $0xFFF0BE40, s24;
	s17 =	ssub.s32 $0xF4240, s24;
	s21 =	ssub.s32 s21, s22  }
0x51: {  	[tilespmem:s19+$0x420 ss:$0x21] =	vst.msk $0xffff, v58;
	s23 =	sshrl.u32 s31, $0xD;
	p1 =	sgt.s32 s26, $0x7F;
	s27 =	sadd.s32 $0xFFFFFFA0, s21  }
0x52: {  	[tilespmem:s19+$0x630 ss:$0x21] =	vst.msk $0xffff, v59;
	s23 =	smul.u32 $0xF4240, s23;
	s18 =	ssub.s32 $0x80, s21;
	p2 =	sgt.s32 s27, $0x1F  }
.Ltmp4:
0x53: {  	[tilespmem:s19+$0x840 ss:$0x21] =	vst.msk $0xffff, v60;
	s17 =	simm.s32 @p1 $0x0;
	s18 =	simm.s32 @p2 $0x0;
	(pc) =	sbr.rel .LBB1_5-.Ltmp4, $4  }
0x54: {  	s29 =	sand.u32 $0xF, s28;
	[tilespmem:s19+$0xA50 ss:$0x21] =	vst.msk $0xffff, v61;
	s20 =	ssub.s32 s20, s23;
	s17 =	smul.u32 s18, s17  }
0x55: {  	[tilespmem:s19+$0xC60 ss:$0x21] =	vst.msk $0xffff, v62;
	s21 =	sshll.u32 s30, $0x12;
	s20 =	sshll.u32 s20, $0x4;
	s18 =	sadd.s32 s5, s29  }
0x56: {  	[tilespmem:s19+$0x0 ss:$0x21] =	vst.msk $0xffff, v63;
	s31 =	sor.u32 $0x20, s21;
	s18 =	sadd.s32 s20, s18;
	s17 =	sand.u32 $0x3FFFFFFF, s17  }
0x57: {  	[hbm4b:s18+s31] =	stream.strided.scatter [tilespmem:s16], [sflag:$0x2], s17, s8, s31, $0x10;
	[tilespmem:$0x4100] =	vst v63  }
.LBB1_6:
0x58: {  	_ =	sfence.sel $0x180000  }
0x59: {  	s2 =	simm.s32 $0x1;
	[bflag:$0x0] =	sbarrier.arrive $0xFFFF  }
0x5a: {  	s31 =	simm.s32 $0x2;
	[sflag:s2] =	ssyncpa.u1 $0x1  }
0x5b: {  	[sflag:s31] =	ssyncpa.u1 $0x1  }
0x5c: {  	p0 =	sne.s32 s1, $0x0;
	_ =	strace $0x90000047  }
0x5d: {  	s0 =	sadd.s32 @!p0 $0x100000, s0;
	[bflag:$0x2] =	sbarrier.arrive $0xFFFF  }
0x5e: {  	[sflag:s0] =	ssyncadd.tile.s32 @!p0 $0x1;
	_ =	shalt  }
.Lfunc_end1:
_tile_overlayer_lowered:
.L_overlay_start_2:
0x5f: {  	(tag) =	ssettag $0x2  }
0x60: {  	s0 =	rddreg [dreg:$0x0];
	s2 =	stileid.u32  }
0x61: {  	s1 =	rddreg [dreg:$0x1];
	p0 =	sne.s32 s2, $0x0  }
0x62: {  	s3 =	rddreg [dreg:$0x2];
	[bflag:$0x3] =	sbarrier.arrive $0xFFFF;
	s2 =	simm.s32 @!p0 $0x1C01  }
0x63: {  	[timem:s3], [sflag:s2] =	dma.local @!p0 [hbm:s0], s1  }
0x64: {  	s0 =	simm.s32 @!p0 $0x1  }
0x65: {  	_ =	swait.ge @!p0 [sflag:s0], s1  }
0x66: {  	s1 =	ssub.s32 @!p0 $0x0, s1;
	[sflag:s0] =	ssyncset.done @!p0 $0x0  }
0x67: {  	[sflag:s0] =	ssyncadd.s32 @!p0 s1  }
0x68: {  	[bflag:$0x3] =	sbarrier.arrive $0xFFFF  }
0x69: {  	_ =	shalt  }

</sc_bundles>
